<compile_context>
chip_gen: v7x
topology: tpu7x:2x2x1
jax: 0.10.2.dev20260603
libtpu: 0.0.44.dev20260713+nightly
codegen_flags: <defaults>
</compile_context>

<pallas_src>
import functools

import jax
import jax.numpy as jnp
from jax import lax
from jax.experimental import pallas as pl
from jax.experimental.pallas import tpu as pltpu
from jax.experimental.pallas import tpu_sc as plsc

K = 65536
N_CLS = 1000
FEAT = 512
B = 1024
CPAD = 1024
NC = 1
NS = 16
HALF = K // NC
ROWS_PER = K // (NC * NS)
CHUNK = B // NS
CR = 120
NCH = -(-ROWS_PER // CR)


def _control_body(lab_c, lab_r, inidx_c, tbl, ptr_c, kpc_c,
                  p0_out, s0_out, l0_out, i0_out,
                  p1_out, s1_out, l1_out, i1_out, ptr_out):
    labc = lab_c[...]
    labr = lab_r[...]
    ii = lax.broadcasted_iota(jnp.int32, (B, B), 0)
    jj = lax.broadcasted_iota(jnp.int32, (B, B), 1)
    tri = ii > jj
    eq = labc == labr
    intra = jnp.sum(jnp.where(eq & tri, 1, 0), axis=1, keepdims=True)

    ci = lax.broadcasted_iota(jnp.int32, (CPAD, B), 0)
    cnt = jnp.sum(jnp.where(ci == labr, 1, 0), axis=1, keepdims=True)
    ptr_out[...] = (ptr_c[...] + cnt) % kpc_c[...]

    cj = lax.broadcasted_iota(jnp.int32, (1, CPAD), 1)
    oh = jnp.where(labc == cj, 1.0, 0.0)
    g = jnp.round(jnp.dot(oh, tbl[...], preferred_element_type=jnp.float32,
                          precision=lax.Precision.HIGHEST))
    ptr_l = g[:, 0:1].astype(jnp.int32)
    start_l = g[:, 1:2].astype(jnp.int32)
    maxk_l = g[:, 2:3].astype(jnp.int32)

    offset = (ptr_l + intra) % jnp.maximum(maxk_l, 1)
    posv = start_l + offset
    maskv = intra < maxk_l
    bio = lax.broadcasted_iota(jnp.int32, (B, 1), 0)
    pos_eff = jnp.where(maskv, posv, posv[0:1, 0:1])
    src_eff = jnp.where(maskv, bio, 0)
    vl_eff = jnp.where(maskv, labc, labc[0:1, 0:1])
    vi_eff = jnp.where(maskv, inidx_c[...], inidx_c[0:1, 0:1])

    m0 = pos_eff < HALF
    m0_row = jnp.transpose(jnp.where(m0, 1, 0))
    rank0 = jnp.sum(jnp.where(tri & (m0_row > 0), 1, 0), axis=1, keepdims=True)
    rank_own = jnp.where(m0, rank0, bio - rank0)
    rank_row = jnp.transpose(rank_own)
    n0 = jnp.sum(jnp.where(m0, 1, 0))
    vals = jnp.concatenate(
        [pos_eff.astype(jnp.float32), src_eff.astype(jnp.float32),
         vl_eff.astype(jnp.float32), vi_eff.astype(jnp.float32),
         jnp.zeros((B, 124), jnp.float32)], axis=1)
    ent0 = (pos_eff[0:1, 0:1], src_eff[0:1, 0:1],
            vl_eff[0:1, 0:1], vi_eff[0:1, 0:1])

    def build(nh, member_row, outs):
        want = bio % jnp.maximum(nh, 1)
        perm = jnp.where((want == rank_row) & (member_row > 0), 1.0, 0.0)
        lst = jnp.round(jnp.dot(perm, vals,
                                preferred_element_type=jnp.float32,
                                precision=lax.Precision.HIGHEST))
        for col, (ref, pad) in enumerate(zip(outs, ent0)):
            v = lst[:, col:col + 1].astype(jnp.int32)
            ref[...] = jnp.where(nh > 0, v, pad)

    build(n0, m0_row, (p0_out, s0_out, l0_out, i0_out))
    build(B - n0, 1 - m0_row, (p1_out, s1_out, l1_out, i1_out))


def _control(labels, in_idx, queue_ptr, cls_start_idx, K_per_cls):
    lab_c = labels.reshape(B, 1)
    lab_r = labels.reshape(1, B)
    inidx_c = in_idx.astype(jnp.int32).reshape(B, 1)
    pad = CPAD - N_CLS
    tbl = jnp.pad(
        jnp.stack([queue_ptr, cls_start_idx, K_per_cls], axis=1).astype(jnp.float32),
        ((0, pad), (0, 128 - 3)))
    ptr_c = jnp.pad(queue_ptr, (0, pad)).reshape(CPAD, 1)
    kpc_c = jnp.pad(K_per_cls, (0, pad), constant_values=1).reshape(CPAD, 1)
    i32col = jax.ShapeDtypeStruct((B, 1), jnp.int32)
    outs = pl.pallas_call(
        _control_body,
        out_shape=[i32col] * 8 + [jax.ShapeDtypeStruct((CPAD, 1), jnp.int32)],
    )(lab_c, lab_r, inidx_c, tbl, ptr_c, kpc_c)
    lists = [o.reshape(B) for o in outs[:8]]
    new_ptr = outs[8].reshape(CPAD)[:N_CLS]
    pos_l = jnp.concatenate([lists[0], lists[4]])
    src_l = jnp.concatenate([lists[1], lists[5]])
    vl_l = jnp.concatenate([lists[2], lists[6]])
    vi_l = jnp.concatenate([lists[3], lists[7]])
    return pos_l, src_l, vl_l, vi_l, new_ptr


@functools.cache
def _make_sc_scatter():
    @functools.partial(
        pl.kernel,
        out_type=[
            jax.ShapeDtypeStruct((K, FEAT), jnp.float32),
            jax.ShapeDtypeStruct((K,), jnp.int32),
            jax.ShapeDtypeStruct((K,), jnp.int32),
        ],
        mesh=plsc.VectorSubcoreMesh(core_axis_name="c", subcore_axis_name="s",
                                    num_cores=NC, num_subcores=NS),
        scratch_types=[
            pltpu.VMEM((CR, FEAT), jnp.float32),
            pltpu.VMEM((CR, FEAT), jnp.float32),
            pltpu.VMEM((CHUNK,), jnp.int32),
            pltpu.VMEM((CHUNK,), jnp.int32),
            pltpu.VMEM((CHUNK,), jnp.int32),
            pltpu.VMEM((CHUNK,), jnp.int32),
            pltpu.SemaphoreType.DMA,
            pltpu.SemaphoreType.DMA,
            pltpu.SemaphoreType.DMA,
            pltpu.SemaphoreType.DMA,
            pltpu.SemaphoreType.DMA,
            pltpu.SemaphoreType.DMA,
            pltpu.SemaphoreType.DMA,
        ],
    )
    def _sc_scatter(keys_h, pos_h, src_h, vl_h, vi_h, qk_h, ql_h, qi_h,
                    ok_h, ol_h, oi_h,
                    bufa, bufb, posv, srcv, vlv, viv,
                    semia, semib, semoa, semob, semg, seml, semi):
        c = lax.axis_index("c")
        s = lax.axis_index("s")
        gid = c * NS + s
        r0 = gid * ROWS_PER
        cl = pltpu.async_copy(ql_h.at[pl.ds(r0, ROWS_PER)],
                              ol_h.at[pl.ds(r0, ROWS_PER)], seml)
        ci = pltpu.async_copy(qi_h.at[pl.ds(r0, ROWS_PER)],
                              oi_h.at[pl.ds(r0, ROWS_PER)], semi)
        b0 = c * B + s * CHUNK
        pltpu.sync_copy(pos_h.at[pl.ds(b0, CHUNK)], posv)
        pltpu.sync_copy(src_h.at[pl.ds(b0, CHUNK)], srcv)
        pltpu.sync_copy(vl_h.at[pl.ds(b0, CHUNK)], vlv)
        pltpu.sync_copy(vi_h.at[pl.ds(b0, CHUNK)], viv)
        offs = [k * CR for k in range(NCH)]
        szs = [min(CR, ROWS_PER - o) for o in offs]
        bufs = (bufa, bufb)
        sin = (semia, semib)
        sout = (semoa, semob)
        din = [None, None]
        dout = [None, None]
        for j in range(min(2, NCH)):
            din[j] = pltpu.async_copy(
                qk_h.at[pl.ds(r0 + offs[j], szs[j])],
                bufs[j].at[pl.ds(0, szs[j])], sin[j])
        for k in range(NCH):
            bi = k % 2
            din[bi].wait()
            dout[bi] = pltpu.async_copy(
                bufs[bi].at[pl.ds(0, szs[k])],
                ok_h.at[pl.ds(r0 + offs[k], szs[k])], sout[bi])
            nk = k + 2
            if nk < NCH:
                dout[bi].wait()
                din[bi] = pltpu.async_copy(
                    qk_h.at[pl.ds(r0 + offs[nk], szs[nk])],
                    bufs[bi].at[pl.ds(0, szs[nk])], sin[bi])
        dout[(NCH - 2) % 2].wait()
        dout[(NCH - 1) % 2].wait()
        gat = pltpu.async_copy(keys_h.at[srcv], bufa.at[pl.ds(0, CHUNK)], semg)
        gat.wait()
        cl.wait()
        ci.wait()
        plsc.subcore_barrier()
        pltpu.async_copy(bufa.at[pl.ds(0, CHUNK)], ok_h.at[posv], semg).wait()
        pltpu.async_copy(vlv, ol_h.at[posv], seml).wait()
        pltpu.async_copy(viv, oi_h.at[posv], semi).wait()

    return _sc_scatter


def kernel(keys, labels, in_idx, queue_k, queue_l, queue_i, queue_ptr,
           cls_start_idx, K_per_cls):
    pos_l, src_l, vl_l, vi_l, new_ptr = _control(
        labels, in_idx, queue_ptr, cls_start_idx, K_per_cls)
    ok, ol, oi = _make_sc_scatter()(keys, pos_l, src_l, vl_l, vi_l,
                                    queue_k, queue_l, queue_i)
    return ok, ol, oi, new_ptr

# --- scband reference (transcript-rebuilt; emitter-appended) ---
"""Pipeline reference for scband-mo-co-55293408969128 (READ-ONLY COPY).

The authoritative reference and input builder live on the scoring server;
editing this copy changes nothing except your own understanding.
"""

import jax, jax.numpy as jnp
import numpy as np

K = 65536
N_CLS = 1000
FEAT = 512
B = 1024
BASE_K = 5


def _l2norm(x):
    return x / jnp.linalg.norm(x, axis=-1, keepdims=True)


def setup_inputs(seed: int = 0) -> dict:
    key = jax.random.key(seed)
    ks = jax.random.split(key, 8)
    keys = _l2norm(jax.random.normal(ks[0], (B, FEAT), dtype=jnp.float32))
    labels = jax.random.randint(ks[1], (B,), 0, N_CLS)
    in_idx = jax.random.randint(ks[2], (B,), 0, 1000000)
    queue_k = _l2norm(jax.random.normal(ks[3], (K, FEAT), dtype=jnp.float32))
    queue_l = jax.random.randint(ks[4], (K,), 0, N_CLS)
    queue_i = jnp.arange(-K, 0, dtype=jnp.int32)
    queue_ptr = jnp.zeros((N_CLS,), dtype=jnp.int32)
    # set_cls_weight with uniform class weights (faithful to MoCo.set_cls_weight)
    cls_weight = jnp.full((N_CLS,), 1.0 / N_CLS, dtype=jnp.float32)
    cls_position = jnp.arange(1, N_CLS + 1, dtype=jnp.float32) * BASE_K + (K - N_CLS * BASE_K) * jnp.cumsum(cls_weight)
    end_idx = jnp.ceil(cls_position).astype(jnp.int32)
    cls_start_idx = jnp.concatenate([jnp.zeros((1,), dtype=jnp.int32), end_idx[:-1]])
    K_per_cls = end_idx - cls_start_idx
    return {
        'keys': keys,
        'labels': labels,
        'in_idx': in_idx,
        'queue_k': queue_k,
        'queue_l': queue_l,
        'queue_i': queue_i,
        'queue_ptr': queue_ptr,
        'cls_start_idx': cls_start_idx,
        'K_per_cls': K_per_cls,
    }


def reference(keys, labels, in_idx, queue_k, queue_l, queue_i, queue_ptr, cls_start_idx, K_per_cls):
    # Faithful JAX translation of MoCo._dequeue_and_enqueue_w_base (single-process,
    # so concat_all_gather is identity).
    n_cls = queue_ptr.shape[0]
    one_hot = jax.nn.one_hot(labels, n_cls, dtype=jnp.int32)
    intra_cls_idx = jnp.cumsum(one_hot, axis=0) - 1
    intra_cls_idx = jnp.take_along_axis(intra_cls_idx, labels[:, None], axis=1)[:, 0]
    max_K_per_idx = jnp.take(K_per_cls, labels, axis=0)
    mask = intra_cls_idx < max_K_per_idx
    cls_start = jnp.take(cls_start_idx, labels, axis=0)
    safe_max = jnp.maximum(max_K_per_idx, 1)
    offset = (jnp.take(queue_ptr, labels, axis=0) + intra_cls_idx) % safe_max
    target_pos = cls_start + offset
    oob = queue_k.shape[0]
    pos = jnp.where(mask, target_pos, oob)
    # scatter-overwrite into the memory buffers
    new_queue_k = queue_k.at[pos].set(keys, mode='drop')
    new_queue_l = queue_l.at[pos].set(labels, mode='drop')
    new_queue_i = queue_i.at[pos].set(in_idx.astype(queue_i.dtype), mode='drop')
    samples_per_cls = jnp.bincount(labels, length=n_cls).astype(queue_ptr.dtype)
    new_queue_ptr = (queue_ptr + samples_per_cls) % K_per_cls
    return new_queue_k, new_queue_l, new_queue_i, new_queue_ptr

if __name__ == "__main__":
    import jax
    _d = setup_inputs()
    print(jax.jit(kernel)(*tuple(_d.values())))

</pallas_src>

<mosaic_0001>
#map = affine_map<(d0, d1) -> (0, 0)>
#map1 = affine_map<(d0, d1) -> (0)>
module attributes {stable_mosaic.version = 14 : i64} {
  func.func @_sc_scatter(%arg0: i32, %arg1: i32, %arg2: memref<1024x512xf32, #tpu.memory_space<hbm>>, %arg3: memref<2048xi32, #tpu.memory_space<hbm>>, %arg4: memref<2048xi32, #tpu.memory_space<hbm>>, %arg5: memref<2048xi32, #tpu.memory_space<hbm>>, %arg6: memref<2048xi32, #tpu.memory_space<hbm>>, %arg7: memref<65536x512xf32, #tpu.memory_space<hbm>>, %arg8: memref<65536xi32, #tpu.memory_space<hbm>>, %arg9: memref<65536xi32, #tpu.memory_space<hbm>>, %arg10: memref<65536x512xf32, #tpu.memory_space<hbm>>, %arg11: memref<65536xi32, #tpu.memory_space<hbm>>, %arg12: memref<65536xi32, #tpu.memory_space<hbm>>, %arg13: memref<120x512xf32, #tpu.memory_space<vmem>>, %arg14: memref<120x512xf32, #tpu.memory_space<vmem>>, %arg15: memref<64xi32, #tpu.memory_space<vmem>>, %arg16: memref<64xi32, #tpu.memory_space<vmem>>, %arg17: memref<64xi32, #tpu.memory_space<vmem>>, %arg18: memref<64xi32, #tpu.memory_space<vmem>>, %arg19: memref<!tpu.dma_semaphore, #tpu.memory_space<semaphore_mem>>, %arg20: memref<!tpu.dma_semaphore, #tpu.memory_space<semaphore_mem>>, %arg21: memref<!tpu.dma_semaphore, #tpu.memory_space<semaphore_mem>>, %arg22: memref<!tpu.dma_semaphore, #tpu.memory_space<semaphore_mem>>, %arg23: memref<!tpu.dma_semaphore, #tpu.memory_space<semaphore_mem>>, %arg24: memref<!tpu.dma_semaphore, #tpu.memory_space<semaphore_mem>>, %arg25: memref<!tpu.dma_semaphore, #tpu.memory_space<semaphore_mem>>) attributes {dimension_semantics = [#tpu.dimension_semantics<core_parallel>, #tpu.dimension_semantics<subcore_parallel>], iteration_bounds = array<i64: 1, 16>, scalar_prefetch = 0 : i64, scratch_operands = 13 : i64, tpu.core_type = #tpu.core_type<sc_vector_subcore>, window_params = [{transform_indices = #map}, {transform_indices = #map1}, {transform_indices = #map1}, {transform_indices = #map1}, {transform_indices = #map1}, {transform_indices = #map}, {transform_indices = #map1}, {transform_indices = #map1}, {transform_indices = #map}, {transform_indices = #map1}, {transform_indices = #map1}]} {
    %mul3A = arith.constant 16 : i32
    %mul3A_0 = arith.muli %arg0, %mul3A : i32
    %add3A = arith.addi %mul3A_0, %arg1 : i32
    %mul3A_1 = arith.constant 4096 : i32
    %mul3A_2 = arith.muli %add3A, %mul3A_1 : i32
    %dma_start3A = tpu.memref_slice %arg11[%mul3A_2] : memref<65536xi32, #tpu.memory_space<hbm>> -> memref<4096xi32, #tpu.memory_space<hbm>>
    %dma_start3A_3 = tpu.memref_slice %arg8[%mul3A_2] : memref<65536xi32, #tpu.memory_space<hbm>> -> memref<4096xi32, #tpu.memory_space<hbm>>
    tpu.enqueue_dma source(%dma_start3A_3 : memref<4096xi32, #tpu.memory_space<hbm>>) target(%dma_start3A : memref<4096xi32, #tpu.memory_space<hbm>>) target_semaphore(%arg24 : memref<!tpu.dma_semaphore, #tpu.memory_space<semaphore_mem>>)
    %dma_start3A_4 = tpu.memref_slice %arg12[%mul3A_2] : memref<65536xi32, #tpu.memory_space<hbm>> -> memref<4096xi32, #tpu.memory_space<hbm>>
    %dma_start3A_5 = tpu.memref_slice %arg9[%mul3A_2] : memref<65536xi32, #tpu.memory_space<hbm>> -> memref<4096xi32, #tpu.memory_space<hbm>>
    tpu.enqueue_dma source(%dma_start3A_5 : memref<4096xi32, #tpu.memory_space<hbm>>) target(%dma_start3A_4 : memref<4096xi32, #tpu.memory_space<hbm>>) target_semaphore(%arg25 : memref<!tpu.dma_semaphore, #tpu.memory_space<semaphore_mem>>)
    %mul3A_6 = arith.constant 1024 : i32
    %mul3A_7 = arith.muli %arg0, %mul3A_6 : i32
    %mul3A_8 = arith.constant 64 : i32
    %mul3A_9 = arith.muli %arg1, %mul3A_8 : i32
    %add3A_10 = arith.addi %mul3A_7, %mul3A_9 : i32
    "tpu.region"() ({
      %run_scoped3A = tpu.sem_alloc : memref<!tpu.dma_semaphore, #tpu.memory_space<semaphore_mem>>
      %dma_start3A_1586 = tpu.memref_slice %arg3[%add3A_10] : memref<2048xi32, #tpu.memory_space<hbm>> -> memref<64xi32, #tpu.memory_space<hbm>>
      %dma_start3A_1587 = tpu.memref_slice %arg3[%add3A_10] : memref<2048xi32, #tpu.memory_space<hbm>> -> memref<64xi32, #tpu.memory_space<hbm>>
      tpu.enqueue_dma source(%dma_start3A_1587 : memref<64xi32, #tpu.memory_space<hbm>>) target(%arg15 : memref<64xi32, #tpu.memory_space<vmem>>) target_semaphore(%run_scoped3A : memref<!tpu.dma_semaphore, #tpu.memory_space<semaphore_mem>>)
      %dma_wait3A_1588 = tpu.memref_slice %arg3[%add3A_10] : memref<2048xi32, #tpu.memory_space<hbm>> -> memref<64xi32, #tpu.memory_space<hbm>>
      %dma_wait3A_1589 = tpu.memref_slice %arg3[%add3A_10] : memref<2048xi32, #tpu.memory_space<hbm>> -> memref<64xi32, #tpu.memory_space<hbm>>
      tpu.wait_dma2 semaphore(%run_scoped3A : memref<!tpu.dma_semaphore, #tpu.memory_space<semaphore_mem>>) src(%dma_wait3A_1589 : memref<64xi32, #tpu.memory_space<hbm>>) dst(%arg15 : memref<64xi32, #tpu.memory_space<vmem>>)
      tpu.yield
    }) : () -> ()
    "tpu.region"() ({
      %run_scoped3A = tpu.sem_alloc : memref<!tpu.dma_semaphore, #tpu.memory_space<semaphore_mem>>
      %dma_start3A_1586 = tpu.memref_slice %arg4[%add3A_10] : memref<2048xi32, #tpu.memory_space<hbm>> -> memref<64xi32, #tpu.memory_space<hbm>>
      %dma_start3A_1587 = tpu.memref_slice %arg4[%add3A_10] : memref<2048xi32, #tpu.memory_space<hbm>> -> memref<64xi32, #tpu.memory_space<hbm>>
      tpu.enqueue_dma source(%dma_start3A_1587 : memref<64xi32, #tpu.memory_space<hbm>>) target(%arg16 : memref<64xi32, #tpu.memory_space<vmem>>) target_semaphore(%run_scoped3A : memref<!tpu.dma_semaphore, #tpu.memory_space<semaphore_mem>>)
      %dma_wait3A_1588 = tpu.memref_slice %arg4[%add3A_10] : memref<2048xi32, #tpu.memory_space<hbm>> -> memref<64xi32, #tpu.memory_space<hbm>>
      %dma_wait3A_1589 = tpu.memref_slice %arg4[%add3A_10] : memref<2048xi32, #tpu.memory_space<hbm>> -> memref<64xi32, #tpu.memory_space<hbm>>
      tpu.wait_dma2 semaphore(%run_scoped3A : memref<!tpu.dma_semaphore, #tpu.memory_space<semaphore_mem>>) src(%dma_wait3A_1589 : memref<64xi32, #tpu.memory_space<hbm>>) dst(%arg16 : memref<64xi32, #tpu.memory_space<vmem>>)
      tpu.yield
    }) : () -> ()
    "tpu.region"() ({
      %run_scoped3A = tpu.sem_alloc : memref<!tpu.dma_semaphore, #tpu.memory_space<semaphore_mem>>
      %dma_start3A_1586 = tpu.memref_slice %arg5[%add3A_10] : memref<2048xi32, #tpu.memory_space<hbm>> -> memref<64xi32, #tpu.memory_space<hbm>>
      %dma_start3A_1587 = tpu.memref_slice %arg5[%add3A_10] : memref<2048xi32, #tpu.memory_space<hbm>> -> memref<64xi32, #tpu.memory_space<hbm>>
      tpu.enqueue_dma source(%dma_start3A_1587 : memref<64xi32, #tpu.memory_space<hbm>>) target(%arg17 : memref<64xi32, #tpu.memory_space<vmem>>) target_semaphore(%run_scoped3A : memref<!tpu.dma_semaphore, #tpu.memory_space<semaphore_mem>>)
      %dma_wait3A_1588 = tpu.memref_slice %arg5[%add3A_10] : memref<2048xi32, #tpu.memory_space<hbm>> -> memref<64xi32, #tpu.memory_space<hbm>>
      %dma_wait3A_1589 = tpu.memref_slice %arg5[%add3A_10] : memref<2048xi32, #tpu.memory_space<hbm>> -> memref<64xi32, #tpu.memory_space<hbm>>
      tpu.wait_dma2 semaphore(%run_scoped3A : memref<!tpu.dma_semaphore, #tpu.memory_space<semaphore_mem>>) src(%dma_wait3A_1589 : memref<64xi32, #tpu.memory_space<hbm>>) dst(%arg17 : memref<64xi32, #tpu.memory_space<vmem>>)
      tpu.yield
    }) : () -> ()
    "tpu.region"() ({
      %run_scoped3A = tpu.sem_alloc : memref<!tpu.dma_semaphore, #tpu.memory_space<semaphore_mem>>
      %dma_start3A_1586 = tpu.memref_slice %arg6[%add3A_10] : memref<2048xi32, #tpu.memory_space<hbm>> -> memref<64xi32, #tpu.memory_space<hbm>>
      %dma_start3A_1587 = tpu.memref_slice %arg6[%add3A_10] : memref<2048xi32, #tpu.memory_space<hbm>> -> memref<64xi32, #tpu.memory_space<hbm>>
      tpu.enqueue_dma source(%dma_start3A_1587 : memref<64xi32, #tpu.memory_space<hbm>>) target(%arg18 : memref<64xi32, #tpu.memory_space<vmem>>) target_semaphore(%run_scoped3A : memref<!tpu.dma_semaphore, #tpu.memory_space<semaphore_mem>>)
      %dma_wait3A_1588 = tpu.memref_slice %arg6[%add3A_10] : memref<2048xi32, #tpu.memory_space<hbm>> -> memref<64xi32, #tpu.memory_space<hbm>>
      %dma_wait3A_1589 = tpu.memref_slice %arg6[%add3A_10] : memref<2048xi32, #tpu.memory_space<hbm>> -> memref<64xi32, #tpu.memory_space<hbm>>
      tpu.wait_dma2 semaphore(%run_scoped3A : memref<!tpu.dma_semaphore, #tpu.memory_space<semaphore_mem>>) src(%dma_wait3A_1589 : memref<64xi32, #tpu.memory_space<hbm>>) dst(%arg18 : memref<64xi32, #tpu.memory_space<vmem>>)
      tpu.yield
    }) : () -> ()
    %add3A_11 = arith.constant 0 : i32
    %add3A_12 = arith.addi %mul3A_2, %add3A_11 : i32
    %dma_start3A_13 = arith.constant 0 : i32
    %dma_start3A_14 = arith.constant 0 : i32
    %dma_start3A_15 = tpu.memref_slice %arg13[%dma_start3A_13, %dma_start3A_14] : memref<120x512xf32, #tpu.memory_space<vmem>> -> memref<120x512xf32, #tpu.memory_space<vmem>>
    %dma_start3A_16 = arith.constant 0 : i32
    %dma_start3A_17 = tpu.memref_slice %arg7[%add3A_12, %dma_start3A_16] : memref<65536x512xf32, #tpu.memory_space<hbm>> -> memref<120x512xf32, #tpu.memory_space<hbm>>
    %dma_start3A_18 = arith.constant 0 : i32
    %dma_start3A_19 = arith.constant 0 : i32
    %dma_start3A_20 = tpu.memref_slice %arg13[%dma_start3A_18, %dma_start3A_19] : memref<120x512xf32, #tpu.memory_space<vmem>> -> memref<120x512xf32, #tpu.memory_space<vmem>>
    %dma_start3A_21 = arith.constant 0 : i32
    %dma_start3A_22 = tpu.memref_slice %arg7[%add3A_12, %dma_start3A_21] : memref<65536x512xf32, #tpu.memory_space<hbm>> -> memref<120x512xf32, #tpu.memory_space<hbm>>
    tpu.enqueue_dma source(%dma_start3A_22 : memref<120x512xf32, #tpu.memory_space<hbm>>) target(%dma_start3A_20 : memref<120x512xf32, #tpu.memory_space<vmem>>) target_semaphore(%arg19 : memref<!tpu.dma_semaphore, #tpu.memory_space<semaphore_mem>>)
    %add3A_23 = arith.constant 120 : i32
    %add3A_24 = arith.addi %mul3A_2, %add3A_23 : i32
    %dma_start3A_25 = arith.constant 0 : i32
    %dma_start3A_26 = arith.constant 0 : i32
    %dma_start3A_27 = tpu.memref_slice %arg14[%dma_start3A_25, %dma_start3A_26] : memref<120x512xf32, #tpu.memory_space<vmem>> -> memref<120x512xf32, #tpu.memory_space<vmem>>
    %dma_start3A_28 = arith.constant 0 : i32
    %dma_start3A_29 = tpu.memref_slice %arg7[%add3A_24, %dma_start3A_28] : memref<65536x512xf32, #tpu.memory_space<hbm>> -> memref<120x512xf32, #tpu.memory_space<hbm>>
    %dma_start3A_30 = arith.constant 0 : i32
    %dma_start3A_31 = arith.constant 0 : i32
    %dma_start3A_32 = tpu.memref_slice %arg14[%dma_start3A_30, %dma_start3A_31] : memref<120x512xf32, #tpu.memory_space<vmem>> -> memref<120x512xf32, #tpu.memory_space<vmem>>
    %dma_start3A_33 = arith.constant 0 : i32
    %dma_start3A_34 = tpu.memref_slice %arg7[%add3A_24, %dma_start3A_33] : memref<65536x512xf32, #tpu.memory_space<hbm>> -> memref<120x512xf32, #tpu.memory_space<hbm>>
    tpu.enqueue_dma source(%dma_start3A_34 : memref<120x512xf32, #tpu.memory_space<hbm>>) target(%dma_start3A_32 : memref<120x512xf32, #tpu.memory_space<vmem>>) target_semaphore(%arg20 : memref<!tpu.dma_semaphore, #tpu.memory_space<semaphore_mem>>)
    %dma_wait3A = arith.constant 0 : i32
    %dma_wait3A_35 = arith.constant 0 : i32
    %dma_wait3A_36 = tpu.memref_slice %arg13[%dma_wait3A, %dma_wait3A_35] : memref<120x512xf32, #tpu.memory_space<vmem>> -> memref<120x512xf32, #tpu.memory_space<vmem>>
    %dma_wait3A_37 = arith.constant 0 : i32
    %dma_wait3A_38 = tpu.memref_slice %arg7[%add3A_12, %dma_wait3A_37] : memref<65536x512xf32, #tpu.memory_space<hbm>> -> memref<120x512xf32, #tpu.memory_space<hbm>>
    %dma_wait3A_39 = arith.constant 0 : i32
    %dma_wait3A_40 = arith.constant 0 : i32
    %dma_wait3A_41 = tpu.memref_slice %arg13[%dma_wait3A_39, %dma_wait3A_40] : memref<120x512xf32, #tpu.memory_space<vmem>> -> memref<120x512xf32, #tpu.memory_space<vmem>>
    %dma_wait3A_42 = arith.constant 0 : i32
    %dma_wait3A_43 = tpu.memref_slice %arg7[%add3A_12, %dma_wait3A_42] : memref<65536x512xf32, #tpu.memory_space<hbm>> -> memref<120x512xf32, #tpu.memory_space<hbm>>
    tpu.wait_dma2 semaphore(%arg19 : memref<!tpu.dma_semaphore, #tpu.memory_space<semaphore_mem>>) src(%dma_wait3A_43 : memref<120x512xf32, #tpu.memory_space<hbm>>) dst(%dma_wait3A_41 : memref<120x512xf32, #tpu.memory_space<vmem>>)
    %add3A_44 = arith.constant 0 : i32
    %add3A_45 = arith.addi %mul3A_2, %add3A_44 : i32
    %dma_start3A_46 = arith.constant 0 : i32
    %dma_start3A_47 = arith.constant 0 : i32
    %dma_start3A_48 = tpu.memref_slice %arg13[%dma_start3A_46, %dma_start3A_47] : memref<120x512xf32, #tpu.memory_space<vmem>> -> memref<120x512xf32, #tpu.memory_space<vmem>>
    %dma_start3A_49 = arith.constant 0 : i32
    %dma_start3A_50 = tpu.memref_slice %arg10[%add3A_45, %dma_start3A_49] : memref<65536x512xf32, #tpu.memory_space<hbm>> -> memref<120x512xf32, #tpu.memory_space<hbm>>
    %dma_start3A_51 = arith.constant 0 : i32
    %dma_start3A_52 = tpu.memref_slice %arg10[%add3A_45, %dma_start3A_51] : memref<65536x512xf32, #tpu.memory_space<hbm>> -> memref<120x512xf32, #tpu.memory_space<hbm>>
    %dma_start3A_53 = arith.constant 0 : i32
    %dma_start3A_54 = arith.constant 0 : i32
    %dma_start3A_55 = tpu.memref_slice %arg13[%dma_start3A_53, %dma_start3A_54] : memref<120x512xf32, #tpu.memory_space<vmem>> -> memref<120x512xf32, #tpu.memory_space<vmem>>
    tpu.enqueue_dma source(%dma_start3A_55 : memref<120x512xf32, #tpu.memory_space<vmem>>) target(%dma_start3A_52 : memref<120x512xf32, #tpu.memory_space<hbm>>) target_semaphore(%arg21 : memref<!tpu.dma_semaphore, #tpu.memory_space<semaphore_mem>>)
    %dma_wait3A_56 = arith.constant 0 : i32
    %dma_wait3A_57 = arith.constant 0 : i32
    %dma_wait3A_58 = tpu.memref_slice %arg13[%dma_wait3A_56, %dma_wait3A_57] : memref<120x512xf32, #tpu.memory_space<vmem>> -> memref<120x512xf32, #tpu.memory_space<vmem>>
    %dma_wait3A_59 = arith.constant 0 : i32
    %dma_wait3A_60 = tpu.memref_slice %arg10[%add3A_45, %dma_wait3A_59] : memref<65536x512xf32, #tpu.memory_space<hbm>> -> memref<120x512xf32, #tpu.memory_space<hbm>>
    %dma_wait3A_61 = arith.constant 0 : i32
    %dma_wait3A_62 = tpu.memref_slice %arg10[%add3A_45, %dma_wait3A_61] : memref<65536x512xf32, #tpu.memory_space<hbm>> -> memref<120x512xf32, #tpu.memory_space<hbm>>
    %dma_wait3A_63 = arith.constant 0 : i32
    %dma_wait3A_64 = arith.constant 0 : i32
    %dma_wait3A_65 = tpu.memref_slice %arg13[%dma_wait3A_63, %dma_wait3A_64] : memref<120x512xf32, #tpu.memory_space<vmem>> -> memref<120x512xf32, #tpu.memory_space<vmem>>
    tpu.wait_dma2 semaphore(%arg21 : memref<!tpu.dma_semaphore, #tpu.memory_space<semaphore_mem>>) src(%dma_wait3A_65 : memref<120x512xf32, #tpu.memory_space<vmem>>) dst(%dma_wait3A_62 : memref<120x512xf32, #tpu.memory_space<hbm>>)
    %add3A_66 = arith.constant 240 : i32
    %add3A_67 = arith.addi %mul3A_2, %add3A_66 : i32
    %dma_start3A_68 = arith.constant 0 : i32
    %dma_start3A_69 = arith.constant 0 : i32
    %dma_start3A_70 = tpu.memref_slice %arg13[%dma_start3A_68, %dma_start3A_69] : memref<120x512xf32, #tpu.memory_space<vmem>> -> memref<120x512xf32, #tpu.memory_space<vmem>>
    %dma_start3A_71 = arith.constant 0 : i32
    %dma_start3A_72 = tpu.memref_slice %arg7[%add3A_67, %dma_start3A_71] : memref<65536x512xf32, #tpu.memory_space<hbm>> -> memref<120x512xf32, #tpu.memory_space<hbm>>
    %dma_start3A_73 = arith.constant 0 : i32
    %dma_start3A_74 = arith.constant 0 : i32
    %dma_start3A_75 = tpu.memref_slice %arg13[%dma_start3A_73, %dma_start3A_74] : memref<120x512xf32, #tpu.memory_space<vmem>> -> memref<120x512xf32, #tpu.memory_space<vmem>>
    %dma_start3A_76 = arith.constant 0 : i32
    %dma_start3A_77 = tpu.memref_slice %arg7[%add3A_67, %dma_start3A_76] : memref<65536x512xf32, #tpu.memory_space<hbm>> -> memref<120x512xf32, #tpu.memory_space<hbm>>
    tpu.enqueue_dma source(%dma_start3A_77 : memref<120x512xf32, #tpu.memory_space<hbm>>) target(%dma_start3A_75 : memref<120x512xf32, #tpu.memory_space<vmem>>) target_semaphore(%arg19 : memref<!tpu.dma_semaphore, #tpu.memory_space<semaphore_mem>>)
    %dma_wait3A_78 = arith.constant 0 : i32
    %dma_wait3A_79 = arith.constant 0 : i32
    %dma_wait3A_80 = tpu.memref_slice %arg14[%dma_wait3A_78, %dma_wait3A_79] : memref<120x512xf32, #tpu.memory_space<vmem>> -> memref<120x512xf32, #tpu.memory_space<vmem>>
    %dma_wait3A_81 = arith.constant 0 : i32
    %dma_wait3A_82 = tpu.memref_slice %arg7[%add3A_24, %dma_wait3A_81] : memref<65536x512xf32, #tpu.memory_space<hbm>> -> memref<120x512xf32, #tpu.memory_space<hbm>>
    %dma_wait3A_83 = arith.constant 0 : i32
    %dma_wait3A_84 = arith.constant 0 : i32
    %dma_wait3A_85 = tpu.memref_slice %arg14[%dma_wait3A_83, %dma_wait3A_84] : memref<120x512xf32, #tpu.memory_space<vmem>> -> memref<120x512xf32, #tpu.memory_space<vmem>>
    %dma_wait3A_86 = arith.constant 0 : i32
    %dma_wait3A_87 = tpu.memref_slice %arg7[%add3A_24, %dma_wait3A_86] : memref<65536x512xf32, #tpu.memory_space<hbm>> -> memref<120x512xf32, #tpu.memory_space<hbm>>
    tpu.wait_dma2 semaphore(%arg20 : memref<!tpu.dma_semaphore, #tpu.memory_space<semaphore_mem>>) src(%dma_wait3A_87 : memref<120x512xf32, #tpu.memory_space<hbm>>) dst(%dma_wait3A_85 : memref<120x512xf32, #tpu.memory_space<vmem>>)
    %add3A_88 = arith.constant 120 : i32
    %add3A_89 = arith.addi %mul3A_2, %add3A_88 : i32
    %dma_start3A_90 = arith.constant 0 : i32
    %dma_start3A_91 = arith.constant 0 : i32
    %dma_start3A_92 = tpu.memref_slice %arg14[%dma_start3A_90, %dma_start3A_91] : memref<120x512xf32, #tpu.memory_space<vmem>> -> memref<120x512xf32, #tpu.memory_space<vmem>>
    %dma_start3A_93 = arith.constant 0 : i32
    %dma_start3A_94 = tpu.memref_slice %arg10[%add3A_89, %dma_start3A_93] : memref<65536x512xf32, #tpu.memory_space<hbm>> -> memref<120x512xf32, #tpu.memory_space<hbm>>
    %dma_start3A_95 = arith.constant 0 : i32
    %dma_start3A_96 = tpu.memref_slice %arg10[%add3A_89, %dma_start3A_95] : memref<65536x512xf32, #tpu.memory_space<hbm>> -> memref<120x512xf32, #tpu.memory_space<hbm>>
    %dma_start3A_97 = arith.constant 0 : i32
    %dma_start3A_98 = arith.constant 0 : i32
    %dma_start3A_99 = tpu.memref_slice %arg14[%dma_start3A_97, %dma_start3A_98] : memref<120x512xf32, #tpu.memory_space<vmem>> -> memref<120x512xf32, #tpu.memory_space<vmem>>
    tpu.enqueue_dma source(%dma_start3A_99 : memref<120x512xf32, #tpu.memory_space<vmem>>) target(%dma_start3A_96 : memref<120x512xf32, #tpu.memory_space<hbm>>) target_semaphore(%arg22 : memref<!tpu.dma_semaphore, #tpu.memory_space<semaphore_mem>>)
    %dma_wait3A_100 = arith.constant 0 : i32
    %dma_wait3A_101 = arith.constant 0 : i32
    %dma_wait3A_102 = tpu.memref_slice %arg14[%dma_wait3A_100, %dma_wait3A_101] : memref<120x512xf32, #tpu.memory_space<vmem>> -> memref<120x512xf32, #tpu.memory_space<vmem>>
    %dma_wait3A_103 = arith.constant 0 : i32
    %dma_wait3A_104 = tpu.memref_slice %arg10[%add3A_89, %dma_wait3A_103] : memref<65536x512xf32, #tpu.memory_space<hbm>> -> memref<120x512xf32, #tpu.memory_space<hbm>>
    %dma_wait3A_105 = arith.constant 0 : i32
    %dma_wait3A_106 = tpu.memref_slice %arg10[%add3A_89, %dma_wait3A_105] : memref<65536x512xf32, #tpu.memory_space<hbm>> -> memref<120x512xf32, #tpu.memory_space<hbm>>
    %dma_wait3A_107 = arith.constant 0 : i32
    %dma_wait3A_108 = arith.constant 0 : i32
    %dma_wait3A_109 = tpu.memref_slice %arg14[%dma_wait3A_107, %dma_wait3A_108] : memref<120x512xf32, #tpu.memory_space<vmem>> -> memref<120x512xf32, #tpu.memory_space<vmem>>
    tpu.wait_dma2 semaphore(%arg22 : memref<!tpu.dma_semaphore, #tpu.memory_space<semaphore_mem>>) src(%dma_wait3A_109 : memref<120x512xf32, #tpu.memory_space<vmem>>) dst(%dma_wait3A_106 : memref<120x512xf32, #tpu.memory_space<hbm>>)
    %add3A_110 = arith.constant 360 : i32
    %add3A_111 = arith.addi %mul3A_2, %add3A_110 : i32
    %dma_start3A_112 = arith.constant 0 : i32
    %dma_start3A_113 = arith.constant 0 : i32
    %dma_start3A_114 = tpu.memref_slice %arg14[%dma_start3A_112, %dma_start3A_113] : memref<120x512xf32, #tpu.memory_space<vmem>> -> memref<120x512xf32, #tpu.memory_space<vmem>>
    %dma_start3A_115 = arith.constant 0 : i32
    %dma_start3A_116 = tpu.memref_slice %arg7[%add3A_111, %dma_start3A_115] : memref<65536x512xf32, #tpu.memory_space<hbm>> -> memref<120x512xf32, #tpu.memory_space<hbm>>
    %dma_start3A_117 = arith.constant 0 : i32
    %dma_start3A_118 = arith.constant 0 : i32
    %dma_start3A_119 = tpu.memref_slice %arg14[%dma_start3A_117, %dma_start3A_118] : memref<120x512xf32, #tpu.memory_space<vmem>> -> memref<120x512xf32, #tpu.memory_space<vmem>>
    %dma_start3A_120 = arith.constant 0 : i32
    %dma_start3A_121 = tpu.memref_slice %arg7[%add3A_111, %dma_start3A_120] : memref<65536x512xf32, #tpu.memory_space<hbm>> -> memref<120x512xf32, #tpu.memory_space<hbm>>
    tpu.enqueue_dma source(%dma_start3A_121 : memref<120x512xf32, #tpu.memory_space<hbm>>) target(%dma_start3A_119 : memref<120x512xf32, #tpu.memory_space<vmem>>) target_semaphore(%arg20 : memref<!tpu.dma_semaphore, #tpu.memory_space<semaphore_mem>>)
    %dma_wait3A_122 = arith.constant 0 : i32
    %dma_wait3A_123 = arith.constant 0 : i32
    %dma_wait3A_124 = tpu.memref_slice %arg13[%dma_wait3A_122, %dma_wait3A_123] : memref<120x512xf32, #tpu.memory_space<vmem>> -> memref<120x512xf32, #tpu.memory_space<vmem>>
    %dma_wait3A_125 = arith.constant 0 : i32
    %dma_wait3A_126 = tpu.memref_slice %arg7[%add3A_67, %dma_wait3A_125] : memref<65536x512xf32, #tpu.memory_space<hbm>> -> memref<120x512xf32, #tpu.memory_space<hbm>>
    %dma_wait3A_127 = arith.constant 0 : i32
    %dma_wait3A_128 = arith.constant 0 : i32
    %dma_wait3A_129 = tpu.memref_slice %arg13[%dma_wait3A_127, %dma_wait3A_128] : memref<120x512xf32, #tpu.memory_space<vmem>> -> memref<120x512xf32, #tpu.memory_space<vmem>>
    %dma_wait3A_130 = arith.constant 0 : i32
    %dma_wait3A_131 = tpu.memref_slice %arg7[%add3A_67, %dma_wait3A_130] : memref<65536x512xf32, #tpu.memory_space<hbm>> -> memref<120x512xf32, #tpu.memory_space<hbm>>
    tpu.wait_dma2 semaphore(%arg19 : memref<!tpu.dma_semaphore, #tpu.memory_space<semaphore_mem>>) src(%dma_wait3A_131 : memref<120x512xf32, #tpu.memory_space<hbm>>) dst(%dma_wait3A_129 : memref<120x512xf32, #tpu.memory_space<vmem>>)
    %add3A_132 = arith.constant 240 : i32
    %add3A_133 = arith.addi %mul3A_2, %add3A_132 : i32
    %dma_start3A_134 = arith.constant 0 : i32
    %dma_start3A_135 = arith.constant 0 : i32
    %dma_start3A_136 = tpu.memref_slice %arg13[%dma_start3A_134, %dma_start3A_135] : memref<120x512xf32, #tpu.memory_space<vmem>> -> memref<120x512xf32, #tpu.memory_space<vmem>>
    %dma_start3A_137 = arith.constant 0 : i32
    %dma_start3A_138 = tpu.memref_slice %arg10[%add3A_133, %dma_start3A_137] : memref<65536x512xf32, #tpu.memory_space<hbm>> -> memref<120x512xf32, #tpu.memory_space<hbm>>
    %dma_start3A_139 = arith.constant 0 : i32
    %dma_start3A_140 = tpu.memref_slice %arg10[%add3A_133, %dma_start3A_139] : memref<65536x512xf32, #tpu.memory_space<hbm>> -> memref<120x512xf32, #tpu.memory_space<hbm>>
    %dma_start3A_141 = arith.constant 0 : i32
    %dma_start3A_142 = arith.constant 0 : i32
    %dma_start3A_143 = tpu.memref_slice %arg13[%dma_start3A_141, %dma_start3A_142] : memref<120x512xf32, #tpu.memory_space<vmem>> -> memref<120x512xf32, #tpu.memory_space<vmem>>
    tpu.enqueue_dma source(%dma_start3A_143 : memref<120x512xf32, #tpu.memory_space<vmem>>) target(%dma_start3A_140 : memref<120x512xf32, #tpu.memory_space<hbm>>) target_semaphore(%arg21 : memref<!tpu.dma_semaphore, #tpu.memory_space<semaphore_mem>>)
    %dma_wait3A_144 = arith.constant 0 : i32
    %dma_wait3A_145 = arith.constant 0 : i32
    %dma_wait3A_146 = tpu.memref_slice %arg13[%dma_wait3A_144, %dma_wait3A_145] : memref<120x512xf32, #tpu.memory_space<vmem>> -> memref<120x512xf32, #tpu.memory_space<vmem>>
    %dma_wait3A_147 = arith.constant 0 : i32
    %dma_wait3A_148 = tpu.memref_slice %arg10[%add3A_133, %dma_wait3A_147] : memref<65536x512xf32, #tpu.memory_space<hbm>> -> memref<120x512xf32, #tpu.memory_space<hbm>>
    %dma_wait3A_149 = arith.constant 0 : i32
    %dma_wait3A_150 = tpu.memref_slice %arg10[%add3A_133, %dma_wait3A_149] : memref<65536x512xf32, #tpu.memory_space<hbm>> -> memref<120x512xf32, #tpu.memory_space<hbm>>
    %dma_wait3A_151 = arith.constant 0 : i32
    %dma_wait3A_152 = arith.constant 0 : i32
    %dma_wait3A_153 = tpu.memref_slice %arg13[%dma_wait3A_151, %dma_wait3A_152] : memref<120x512xf32, #tpu.memory_space<vmem>> -> memref<120x512xf32, #tpu.memory_space<vmem>>
    tpu.wait_dma2 semaphore(%arg21 : memref<!tpu.dma_semaphore, #tpu.memory_space<semaphore_mem>>) src(%dma_wait3A_153 : memref<120x512xf32, #tpu.memory_space<vmem>>) dst(%dma_wait3A_150 : memref<120x512xf32, #tpu.memory_space<hbm>>)
    %add3A_154 = arith.constant 480 : i32
    %add3A_155 = arith.addi %mul3A_2, %add3A_154 : i32
    %dma_start3A_156 = arith.constant 0 : i32
    %dma_start3A_157 = arith.constant 0 : i32
    %dma_start3A_158 = tpu.memref_slice %arg13[%dma_start3A_156, %dma_start3A_157] : memref<120x512xf32, #tpu.memory_space<vmem>> -> memref<120x512xf32, #tpu.memory_space<vmem>>
    %dma_start3A_159 = arith.constant 0 : i32
    %dma_start3A_160 = tpu.memref_slice %arg7[%add3A_155, %dma_start3A_159] : memref<65536x512xf32, #tpu.memory_space<hbm>> -> memref<120x512xf32, #tpu.memory_space<hbm>>
    %dma_start3A_161 = arith.constant 0 : i32
    %dma_start3A_162 = arith.constant 0 : i32
    %dma_start3A_163 = tpu.memref_slice %arg13[%dma_start3A_161, %dma_start3A_162] : memref<120x512xf32, #tpu.memory_space<vmem>> -> memref<120x512xf32, #tpu.memory_space<vmem>>
    %dma_start3A_164 = arith.constant 0 : i32
    %dma_start3A_165 = tpu.memref_slice %arg7[%add3A_155, %dma_start3A_164] : memref<65536x512xf32, #tpu.memory_space<hbm>> -> memref<120x512xf32, #tpu.memory_space<hbm>>
    tpu.enqueue_dma source(%dma_start3A_165 : memref<120x512xf32, #tpu.memory_space<hbm>>) target(%dma_start3A_163 : memref<120x512xf32, #tpu.memory_space<vmem>>) target_semaphore(%arg19 : memref<!tpu.dma_semaphore, #tpu.memory_space<semaphore_mem>>)
    %dma_wait3A_166 = arith.constant 0 : i32
    %dma_wait3A_167 = arith.constant 0 : i32
    %dma_wait3A_168 = tpu.memref_slice %arg14[%dma_wait3A_166, %dma_wait3A_167] : memref<120x512xf32, #tpu.memory_space<vmem>> -> memref<120x512xf32, #tpu.memory_space<vmem>>
    %dma_wait3A_169 = arith.constant 0 : i32
    %dma_wait3A_170 = tpu.memref_slice %arg7[%add3A_111, %dma_wait3A_169] : memref<65536x512xf32, #tpu.memory_space<hbm>> -> memref<120x512xf32, #tpu.memory_space<hbm>>
    %dma_wait3A_171 = arith.constant 0 : i32
    %dma_wait3A_172 = arith.constant 0 : i32
    %dma_wait3A_173 = tpu.memref_slice %arg14[%dma_wait3A_171, %dma_wait3A_172] : memref<120x512xf32, #tpu.memory_space<vmem>> -> memref<120x512xf32, #tpu.memory_space<vmem>>
    %dma_wait3A_174 = arith.constant 0 : i32
    %dma_wait3A_175 = tpu.memref_slice %arg7[%add3A_111, %dma_wait3A_174] : memref<65536x512xf32, #tpu.memory_space<hbm>> -> memref<120x512xf32, #tpu.memory_space<hbm>>
    tpu.wait_dma2 semaphore(%arg20 : memref<!tpu.dma_semaphore, #tpu.memory_space<semaphore_mem>>) src(%dma_wait3A_175 : memref<120x512xf32, #tpu.memory_space<hbm>>) dst(%dma_wait3A_173 : memref<120x512xf32, #tpu.memory_space<vmem>>)
    %add3A_176 = arith.constant 360 : i32
    %add3A_177 = arith.addi %mul3A_2, %add3A_176 : i32
    %dma_start3A_178 = arith.constant 0 : i32
    %dma_start3A_179 = arith.constant 0 : i32
    %dma_start3A_180 = tpu.memref_slice %arg14[%dma_start3A_178, %dma_start3A_179] : memref<120x512xf32, #tpu.memory_space<vmem>> -> memref<120x512xf32, #tpu.memory_space<vmem>>
    %dma_start3A_181 = arith.constant 0 : i32
    %dma_start3A_182 = tpu.memref_slice %arg10[%add3A_177, %dma_start3A_181] : memref<65536x512xf32, #tpu.memory_space<hbm>> -> memref<120x512xf32, #tpu.memory_space<hbm>>
    %dma_start3A_183 = arith.constant 0 : i32
    %dma_start3A_184 = tpu.memref_slice %arg10[%add3A_177, %dma_start3A_183] : memref<65536x512xf32, #tpu.memory_space<hbm>> -> memref<120x512xf32, #tpu.memory_space<hbm>>
    %dma_start3A_185 = arith.constant 0 : i32
    %dma_start3A_186 = arith.constant 0 : i32
    %dma_start3A_187 = tpu.memref_slice %arg14[%dma_start3A_185, %dma_start3A_186] : memref<120x512xf32, #tpu.memory_space<vmem>> -> memref<120x512xf32, #tpu.memory_space<vmem>>
    tpu.enqueue_dma source(%dma_start3A_187 : memref<120x512xf32, #tpu.memory_space<vmem>>) target(%dma_start3A_184 : memref<120x512xf32, #tpu.memory_space<hbm>>) target_semaphore(%arg22 : memref<!tpu.dma_semaphore, #tpu.memory_space<semaphore_mem>>)
    %dma_wait3A_188 = arith.constant 0 : i32
    %dma_wait3A_189 = arith.constant 0 : i32
    %dma_wait3A_190 = tpu.memref_slice %arg14[%dma_wait3A_188, %dma_wait3A_189] : memref<120x512xf32, #tpu.memory_space<vmem>> -> memref<120x512xf32, #tpu.memory_space<vmem>>
    %dma_wait3A_191 = arith.constant 0 : i32
    %dma_wait3A_192 = tpu.memref_slice %arg10[%add3A_177, %dma_wait3A_191] : memref<65536x512xf32, #tpu.memory_space<hbm>> -> memref<120x512xf32, #tpu.memory_space<hbm>>
    %dma_wait3A_193 = arith.constant 0 : i32
    %dma_wait3A_194 = tpu.memref_slice %arg10[%add3A_177, %dma_wait3A_193] : memref<65536x512xf32, #tpu.memory_space<hbm>> -> memref<120x512xf32, #tpu.memory_space<hbm>>
    %dma_wait3A_195 = arith.constant 0 : i32
    %dma_wait3A_196 = arith.constant 0 : i32
    %dma_wait3A_197 = tpu.memref_slice %arg14[%dma_wait3A_195, %dma_wait3A_196] : memref<120x512xf32, #tpu.memory_space<vmem>> -> memref<120x512xf32, #tpu.memory_space<vmem>>
    tpu.wait_dma2 semaphore(%arg22 : memref<!tpu.dma_semaphore, #tpu.memory_space<semaphore_mem>>) src(%dma_wait3A_197 : memref<120x512xf32, #tpu.memory_space<vmem>>) dst(%dma_wait3A_194 : memref<120x512xf32, #tpu.memory_space<hbm>>)
    %add3A_198 = arith.constant 600 : i32
    %add3A_199 = arith.addi %mul3A_2, %add3A_198 : i32
    %dma_start3A_200 = arith.constant 0 : i32
    %dma_start3A_201 = arith.constant 0 : i32
    %dma_start3A_202 = tpu.memref_slice %arg14[%dma_start3A_200, %dma_start3A_201] : memref<120x512xf32, #tpu.memory_space<vmem>> -> memref<120x512xf32, #tpu.memory_space<vmem>>
    %dma_start3A_203 = arith.constant 0 : i32
    %dma_start3A_204 = tpu.memref_slice %arg7[%add3A_199, %dma_start3A_203] : memref<65536x512xf32, #tpu.memory_space<hbm>> -> memref<120x512xf32, #tpu.memory_space<hbm>>
    %dma_start3A_205 = arith.constant 0 : i32
    %dma_start3A_206 = arith.constant 0 : i32
    %dma_start3A_207 = tpu.memref_slice %arg14[%dma_start3A_205, %dma_start3A_206] : memref<120x512xf32, #tpu.memory_space<vmem>> -> memref<120x512xf32, #tpu.memory_space<vmem>>
    %dma_start3A_208 = arith.constant 0 : i32
    %dma_start3A_209 = tpu.memref_slice %arg7[%add3A_199, %dma_start3A_208] : memref<65536x512xf32, #tpu.memory_space<hbm>> -> memref<120x512xf32, #tpu.memory_space<hbm>>
    tpu.enqueue_dma source(%dma_start3A_209 : memref<120x512xf32, #tpu.memory_space<hbm>>) target(%dma_start3A_207 : memref<120x512xf32, #tpu.memory_space<vmem>>) target_semaphore(%arg20 : memref<!tpu.dma_semaphore, #tpu.memory_space<semaphore_mem>>)
    %dma_wait3A_210 = arith.constant 0 : i32
    %dma_wait3A_211 = arith.constant 0 : i32
    %dma_wait3A_212 = tpu.memref_slice %arg13[%dma_wait3A_210, %dma_wait3A_211] : memref<120x512xf32, #tpu.memory_space<vmem>> -> memref<120x512xf32, #tpu.memory_space<vmem>>
    %dma_wait3A_213 = arith.constant 0 : i32
    %dma_wait3A_214 = tpu.memref_slice %arg7[%add3A_155, %dma_wait3A_213] : memref<65536x512xf32, #tpu.memory_space<hbm>> -> memref<120x512xf32, #tpu.memory_space<hbm>>
    %dma_wait3A_215 = arith.constant 0 : i32
    %dma_wait3A_216 = arith.constant 0 : i32
    %dma_wait3A_217 = tpu.memref_slice %arg13[%dma_wait3A_215, %dma_wait3A_216] : memref<120x512xf32, #tpu.memory_space<vmem>> -> memref<120x512xf32, #tpu.memory_space<vmem>>
    %dma_wait3A_218 = arith.constant 0 : i32
    %dma_wait3A_219 = tpu.memref_slice %arg7[%add3A_155, %dma_wait3A_218] : memref<65536x512xf32, #tpu.memory_space<hbm>> -> memref<120x512xf32, #tpu.memory_space<hbm>>
    tpu.wait_dma2 semaphore(%arg19 : memref<!tpu.dma_semaphore, #tpu.memory_space<semaphore_mem>>) src(%dma_wait3A_219 : memref<120x512xf32, #tpu.memory_space<hbm>>) dst(%dma_wait3A_217 : memref<120x512xf32, #tpu.memory_space<vmem>>)
    %add3A_220 = arith.constant 480 : i32
    %add3A_221 = arith.addi %mul3A_2, %add3A_220 : i32
    %dma_start3A_222 = arith.constant 0 : i32
    %dma_start3A_223 = arith.constant 0 : i32
    %dma_start3A_224 = tpu.memref_slice %arg13[%dma_start3A_222, %dma_start3A_223] : memref<120x512xf32, #tpu.memory_space<vmem>> -> memref<120x512xf32, #tpu.memory_space<vmem>>
    %dma_start3A_225 = arith.constant 0 : i32
    %dma_start3A_226 = tpu.memref_slice %arg10[%add3A_221, %dma_start3A_225] : memref<65536x512xf32, #tpu.memory_space<hbm>> -> memref<120x512xf32, #tpu.memory_space<hbm>>
    %dma_start3A_227 = arith.constant 0 : i32
    %dma_start3A_228 = tpu.memref_slice %arg10[%add3A_221, %dma_start3A_227] : memref<65536x512xf32, #tpu.memory_space<hbm>> -> memref<120x512xf32, #tpu.memory_space<hbm>>
    %dma_start3A_229 = arith.constant 0 : i32
    %dma_start3A_230 = arith.constant 0 : i32
    %dma_start3A_231 = tpu.memref_slice %arg13[%dma_start3A_229, %dma_start3A_230] : memref<120x512xf32, #tpu.memory_space<vmem>> -> memref<120x512xf32, #tpu.memory_space<vmem>>
    tpu.enqueue_dma source(%dma_start3A_231 : memref<120x512xf32, #tpu.memory_space<vmem>>) target(%dma_start3A_228 : memref<120x512xf32, #tpu.memory_space<hbm>>) target_semaphore(%arg21 : memref<!tpu.dma_semaphore, #tpu.memory_space<semaphore_mem>>)
    %dma_wait3A_232 = arith.constant 0 : i32
    %dma_wait3A_233 = arith.constant 0 : i32
    %dma_wait3A_234 = tpu.memref_slice %arg13[%dma_wait3A_232, %dma_wait3A_233] : memref<120x512xf32, #tpu.memory_space<vmem>> -> memref<120x512xf32, #tpu.memory_space<vmem>>
    %dma_wait3A_235 = arith.constant 0 : i32
    %dma_wait3A_236 = tpu.memref_slice %arg10[%add3A_221, %dma_wait3A_235] : memref<65536x512xf32, #tpu.memory_space<hbm>> -> memref<120x512xf32, #tpu.memory_space<hbm>>
    %dma_wait3A_237 = arith.constant 0 : i32
    %dma_wait3A_238 = tpu.memref_slice %arg10[%add3A_221, %dma_wait3A_237] : memref<65536x512xf32, #tpu.memory_space<hbm>> -> memref<120x512xf32, #tpu.memory_space<hbm>>
    %dma_wait3A_239 = arith.constant 0 : i32
    %dma_wait3A_240 = arith.constant 0 : i32
    %dma_wait3A_241 = tpu.memref_slice %arg13[%dma_wait3A_239, %dma_wait3A_240] : memref<120x512xf32, #tpu.memory_space<vmem>> -> memref<120x512xf32, #tpu.memory_space<vmem>>
    tpu.wait_dma2 semaphore(%arg21 : memref<!tpu.dma_semaphore, #tpu.memory_space<semaphore_mem>>) src(%dma_wait3A_241 : memref<120x512xf32, #tpu.memory_space<vmem>>) dst(%dma_wait3A_238 : memref<120x512xf32, #tpu.memory_space<hbm>>)
    %add3A_242 = arith.constant 720 : i32
    %add3A_243 = arith.addi %mul3A_2, %add3A_242 : i32
    %dma_start3A_244 = arith.constant 0 : i32
    %dma_start3A_245 = arith.constant 0 : i32
    %dma_start3A_246 = tpu.memref_slice %arg13[%dma_start3A_244, %dma_start3A_245] : memref<120x512xf32, #tpu.memory_space<vmem>> -> memref<120x512xf32, #tpu.memory_space<vmem>>
    %dma_start3A_247 = arith.constant 0 : i32
    %dma_start3A_248 = tpu.memref_slice %arg7[%add3A_243, %dma_start3A_247] : memref<65536x512xf32, #tpu.memory_space<hbm>> -> memref<120x512xf32, #tpu.memory_space<hbm>>
    %dma_start3A_249 = arith.constant 0 : i32
    %dma_start3A_250 = arith.constant 0 : i32
    %dma_start3A_251 = tpu.memref_slice %arg13[%dma_start3A_249, %dma_start3A_250] : memref<120x512xf32, #tpu.memory_space<vmem>> -> memref<120x512xf32, #tpu.memory_space<vmem>>
    %dma_start3A_252 = arith.constant 0 : i32
    %dma_start3A_253 = tpu.memref_slice %arg7[%add3A_243, %dma_start3A_252] : memref<65536x512xf32, #tpu.memory_space<hbm>> -> memref<120x512xf32, #tpu.memory_space<hbm>>
    tpu.enqueue_dma source(%dma_start3A_253 : memref<120x512xf32, #tpu.memory_space<hbm>>) target(%dma_start3A_251 : memref<120x512xf32, #tpu.memory_space<vmem>>) target_semaphore(%arg19 : memref<!tpu.dma_semaphore, #tpu.memory_space<semaphore_mem>>)
    %dma_wait3A_254 = arith.constant 0 : i32
    %dma_wait3A_255 = arith.constant 0 : i32
    %dma_wait3A_256 = tpu.memref_slice %arg14[%dma_wait3A_254, %dma_wait3A_255] : memref<120x512xf32, #tpu.memory_space<vmem>> -> memref<120x512xf32, #tpu.memory_space<vmem>>
    %dma_wait3A_257 = arith.constant 0 : i32
    %dma_wait3A_258 = tpu.memref_slice %arg7[%add3A_199, %dma_wait3A_257] : memref<65536x512xf32, #tpu.memory_space<hbm>> -> memref<120x512xf32, #tpu.memory_space<hbm>>
    %dma_wait3A_259 = arith.constant 0 : i32
    %dma_wait3A_260 = arith.constant 0 : i32
    %dma_wait3A_261 = tpu.memref_slice %arg14[%dma_wait3A_259, %dma_wait3A_260] : memref<120x512xf32, #tpu.memory_space<vmem>> -> memref<120x512xf32, #tpu.memory_space<vmem>>
    %dma_wait3A_262 = arith.constant 0 : i32
    %dma_wait3A_263 = tpu.memref_slice %arg7[%add3A_199, %dma_wait3A_262] : memref<65536x512xf32, #tpu.memory_space<hbm>> -> memref<120x512xf32, #tpu.memory_space<hbm>>
    tpu.wait_dma2 semaphore(%arg20 : memref<!tpu.dma_semaphore, #tpu.memory_space<semaphore_mem>>) src(%dma_wait3A_263 : memref<120x512xf32, #tpu.memory_space<hbm>>) dst(%dma_wait3A_261 : memref<120x512xf32, #tpu.memory_space<vmem>>)
    %add3A_264 = arith.constant 600 : i32
    %add3A_265 = arith.addi %mul3A_2, %add3A_264 : i32
    %dma_start3A_266 = arith.constant 0 : i32
    %dma_start3A_267 = arith.constant 0 : i32
    %dma_start3A_268 = tpu.memref_slice %arg14[%dma_start3A_266, %dma_start3A_267] : memref<120x512xf32, #tpu.memory_space<vmem>> -> memref<120x512xf32, #tpu.memory_space<vmem>>
    %dma_start3A_269 = arith.constant 0 : i32
    %dma_start3A_270 = tpu.memref_slice %arg10[%add3A_265, %dma_start3A_269] : memref<65536x512xf32, #tpu.memory_space<hbm>> -> memref<120x512xf32, #tpu.memory_space<hbm>>
    %dma_start3A_271 = arith.constant 0 : i32
    %dma_start3A_272 = tpu.memref_slice %arg10[%add3A_265, %dma_start3A_271] : memref<65536x512xf32, #tpu.memory_space<hbm>> -> memref<120x512xf32, #tpu.memory_space<hbm>>
    %dma_start3A_273 = arith.constant 0 : i32
    %dma_start3A_274 = arith.constant 0 : i32
    %dma_start3A_275 = tpu.memref_slice %arg14[%dma_start3A_273, %dma_start3A_274] : memref<120x512xf32, #tpu.memory_space<vmem>> -> memref<120x512xf32, #tpu.memory_space<vmem>>
    tpu.enqueue_dma source(%dma_start3A_275 : memref<120x512xf32, #tpu.memory_space<vmem>>) target(%dma_start3A_272 : memref<120x512xf32, #tpu.memory_space<hbm>>) target_semaphore(%arg22 : memref<!tpu.dma_semaphore, #tpu.memory_space<semaphore_mem>>)
    %dma_wait3A_276 = arith.constant 0 : i32
    %dma_wait3A_277 = arith.constant 0 : i32
    %dma_wait3A_278 = tpu.memref_slice %arg14[%dma_wait3A_276, %dma_wait3A_277] : memref<120x512xf32, #tpu.memory_space<vmem>> -> memref<120x512xf32, #tpu.memory_space<vmem>>
    %dma_wait3A_279 = arith.constant 0 : i32
    %dma_wait3A_280 = tpu.memref_slice %arg10[%add3A_265, %dma_wait3A_279] : memref<65536x512xf32, #tpu.memory_space<hbm>> -> memref<120x512xf32, #tpu.memory_space<hbm>>
    %dma_wait3A_281 = arith.constant 0 : i32
    %dma_wait3A_282 = tpu.memref_slice %arg10[%add3A_265, %dma_wait3A_281] : memref<65536x512xf32, #tpu.memory_space<hbm>> -> memref<120x512xf32, #tpu.memory_space<hbm>>
    %dma_wait3A_283 = arith.constant 0 : i32
    %dma_wait3A_284 = arith.constant 0 : i32
    %dma_wait3A_285 = tpu.memref_slice %arg14[%dma_wait3A_283, %dma_wait3A_284] : memref<120x512xf32, #tpu.memory_space<vmem>> -> memref<120x512xf32, #tpu.memory_space<vmem>>
    tpu.wait_dma2 semaphore(%arg22 : memref<!tpu.dma_semaphore, #tpu.memory_space<semaphore_mem>>) src(%dma_wait3A_285 : memref<120x512xf32, #tpu.memory_space<vmem>>) dst(%dma_wait3A_282 : memref<120x512xf32, #tpu.memory_space<hbm>>)
    %add3A_286 = arith.constant 840 : i32
    %add3A_287 = arith.addi %mul3A_2, %add3A_286 : i32
    %dma_start3A_288 = arith.constant 0 : i32
    %dma_start3A_289 = arith.constant 0 : i32
    %dma_start3A_290 = tpu.memref_slice %arg14[%dma_start3A_288, %dma_start3A_289] : memref<120x512xf32, #tpu.memory_space<vmem>> -> memref<120x512xf32, #tpu.memory_space<vmem>>
    %dma_start3A_291 = arith.constant 0 : i32
    %dma_start3A_292 = tpu.memref_slice %arg7[%add3A_287, %dma_start3A_291] : memref<65536x512xf32, #tpu.memory_space<hbm>> -> memref<120x512xf32, #tpu.memory_space<hbm>>
    %dma_start3A_293 = arith.constant 0 : i32
    %dma_start3A_294 = arith.constant 0 : i32
    %dma_start3A_295 = tpu.memref_slice %arg14[%dma_start3A_293, %dma_start3A_294] : memref<120x512xf32, #tpu.memory_space<vmem>> -> memref<120x512xf32, #tpu.memory_space<vmem>>
    %dma_start3A_296 = arith.constant 0 : i32
    %dma_start3A_297 = tpu.memref_slice %arg7[%add3A_287, %dma_start3A_296] : memref<65536x512xf32, #tpu.memory_space<hbm>> -> memref<120x512xf32, #tpu.memory_space<hbm>>
    tpu.enqueue_dma source(%dma_start3A_297 : memref<120x512xf32, #tpu.memory_space<hbm>>) target(%dma_start3A_295 : memref<120x512xf32, #tpu.memory_space<vmem>>) target_semaphore(%arg20 : memref<!tpu.dma_semaphore, #tpu.memory_space<semaphore_mem>>)
    %dma_wait3A_298 = arith.constant 0 : i32
    %dma_wait3A_299 = arith.constant 0 : i32
    %dma_wait3A_300 = tpu.memref_slice %arg13[%dma_wait3A_298, %dma_wait3A_299] : memref<120x512xf32, #tpu.memory_space<vmem>> -> memref<120x512xf32, #tpu.memory_space<vmem>>
    %dma_wait3A_301 = arith.constant 0 : i32
    %dma_wait3A_302 = tpu.memref_slice %arg7[%add3A_243, %dma_wait3A_301] : memref<65536x512xf32, #tpu.memory_space<hbm>> -> memref<120x512xf32, #tpu.memory_space<hbm>>
    %dma_wait3A_303 = arith.constant 0 : i32
    %dma_wait3A_304 = arith.constant 0 : i32
    %dma_wait3A_305 = tpu.memref_slice %arg13[%dma_wait3A_303, %dma_wait3A_304] : memref<120x512xf32, #tpu.memory_space<vmem>> -> memref<120x512xf32, #tpu.memory_space<vmem>>
    %dma_wait3A_306 = arith.constant 0 : i32
    %dma_wait3A_307 = tpu.memref_slice %arg7[%add3A_243, %dma_wait3A_306] : memref<65536x512xf32, #tpu.memory_space<hbm>> -> memref<120x512xf32, #tpu.memory_space<hbm>>
    tpu.wait_dma2 semaphore(%arg19 : memref<!tpu.dma_semaphore, #tpu.memory_space<semaphore_mem>>) src(%dma_wait3A_307 : memref<120x512xf32, #tpu.memory_space<hbm>>) dst(%dma_wait3A_305 : memref<120x512xf32, #tpu.memory_space<vmem>>)
    %add3A_308 = arith.constant 720 : i32
    %add3A_309 = arith.addi %mul3A_2, %add3A_308 : i32
    %dma_start3A_310 = arith.constant 0 : i32
    %dma_start3A_311 = arith.constant 0 : i32
    %dma_start3A_312 = tpu.memref_slice %arg13[%dma_start3A_310, %dma_start3A_311] : memref<120x512xf32, #tpu.memory_space<vmem>> -> memref<120x512xf32, #tpu.memory_space<vmem>>
    %dma_start3A_313 = arith.constant 0 : i32
    %dma_start3A_314 = tpu.memref_slice %arg10[%add3A_309, %dma_start3A_313] : memref<65536x512xf32, #tpu.memory_space<hbm>> -> memref<120x512xf32, #tpu.memory_space<hbm>>
    %dma_start3A_315 = arith.constant 0 : i32
    %dma_start3A_316 = tpu.memref_slice %arg10[%add3A_309, %dma_start3A_315] : memref<65536x512xf32, #tpu.memory_space<hbm>> -> memref<120x512xf32, #tpu.memory_space<hbm>>
    %dma_start3A_317 = arith.constant 0 : i32
    %dma_start3A_318 = arith.constant 0 : i32
    %dma_start3A_319 = tpu.memref_slice %arg13[%dma_start3A_317, %dma_start3A_318] : memref<120x512xf32, #tpu.memory_space<vmem>> -> memref<120x512xf32, #tpu.memory_space<vmem>>
    tpu.enqueue_dma source(%dma_start3A_319 : memref<120x512xf32, #tpu.memory_space<vmem>>) target(%dma_start3A_316 : memref<120x512xf32, #tpu.memory_space<hbm>>) target_semaphore(%arg21 : memref<!tpu.dma_semaphore, #tpu.memory_space<semaphore_mem>>)
    %dma_wait3A_320 = arith.constant 0 : i32
    %dma_wait3A_321 = arith.constant 0 : i32
    %dma_wait3A_322 = tpu.memref_slice %arg13[%dma_wait3A_320, %dma_wait3A_321] : memref<120x512xf32, #tpu.memory_space<vmem>> -> memref<120x512xf32, #tpu.memory_space<vmem>>
    %dma_wait3A_323 = arith.constant 0 : i32
    %dma_wait3A_324 = tpu.memref_slice %arg10[%add3A_309, %dma_wait3A_323] : memref<65536x512xf32, #tpu.memory_space<hbm>> -> memref<120x512xf32, #tpu.memory_space<hbm>>
    %dma_wait3A_325 = arith.constant 0 : i32
    %dma_wait3A_326 = tpu.memref_slice %arg10[%add3A_309, %dma_wait3A_325] : memref<65536x512xf32, #tpu.memory_space<hbm>> -> memref<120x512xf32, #tpu.memory_space<hbm>>
    %dma_wait3A_327 = arith.constant 0 : i32
    %dma_wait3A_328 = arith.constant 0 : i32
    %dma_wait3A_329 = tpu.memref_slice %arg13[%dma_wait3A_327, %dma_wait3A_328] : memref<120x512xf32, #tpu.memory_space<vmem>> -> memref<120x512xf32, #tpu.memory_space<vmem>>
    tpu.wait_dma2 semaphore(%arg21 : memref<!tpu.dma_semaphore, #tpu.memory_space<semaphore_mem>>) src(%dma_wait3A_329 : memref<120x512xf32, #tpu.memory_space<vmem>>) dst(%dma_wait3A_326 : memref<120x512xf32, #tpu.memory_space<hbm>>)
    %add3A_330 = arith.constant 960 : i32
    %add3A_331 = arith.addi %mul3A_2, %add3A_330 : i32
    %dma_start3A_332 = arith.constant 0 : i32
    %dma_start3A_333 = arith.constant 0 : i32
    %dma_start3A_334 = tpu.memref_slice %arg13[%dma_start3A_332, %dma_start3A_333] : memref<120x512xf32, #tpu.memory_space<vmem>> -> memref<120x512xf32, #tpu.memory_space<vmem>>
    %dma_start3A_335 = arith.constant 0 : i32
    %dma_start3A_336 = tpu.memref_slice %arg7[%add3A_331, %dma_start3A_335] : memref<65536x512xf32, #tpu.memory_space<hbm>> -> memref<120x512xf32, #tpu.memory_space<hbm>>
    %dma_start3A_337 = arith.constant 0 : i32
    %dma_start3A_338 = arith.constant 0 : i32
    %dma_start3A_339 = tpu.memref_slice %arg13[%dma_start3A_337, %dma_start3A_338] : memref<120x512xf32, #tpu.memory_space<vmem>> -> memref<120x512xf32, #tpu.memory_space<vmem>>
    %dma_start3A_340 = arith.constant 0 : i32
    %dma_start3A_341 = tpu.memref_slice %arg7[%add3A_331, %dma_start3A_340] : memref<65536x512xf32, #tpu.memory_space<hbm>> -> memref<120x512xf32, #tpu.memory_space<hbm>>
    tpu.enqueue_dma source(%dma_start3A_341 : memref<120x512xf32, #tpu.memory_space<hbm>>) target(%dma_start3A_339 : memref<120x512xf32, #tpu.memory_space<vmem>>) target_semaphore(%arg19 : memref<!tpu.dma_semaphore, #tpu.memory_space<semaphore_mem>>)
    %dma_wait3A_342 = arith.constant 0 : i32
    %dma_wait3A_343 = arith.constant 0 : i32
    %dma_wait3A_344 = tpu.memref_slice %arg14[%dma_wait3A_342, %dma_wait3A_343] : memref<120x512xf32, #tpu.memory_space<vmem>> -> memref<120x512xf32, #tpu.memory_space<vmem>>
    %dma_wait3A_345 = arith.constant 0 : i32
    %dma_wait3A_346 = tpu.memref_slice %arg7[%add3A_287, %dma_wait3A_345] : memref<65536x512xf32, #tpu.memory_space<hbm>> -> memref<120x512xf32, #tpu.memory_space<hbm>>
    %dma_wait3A_347 = arith.constant 0 : i32
    %dma_wait3A_348 = arith.constant 0 : i32
    %dma_wait3A_349 = tpu.memref_slice %arg14[%dma_wait3A_347, %dma_wait3A_348] : memref<120x512xf32, #tpu.memory_space<vmem>> -> memref<120x512xf32, #tpu.memory_space<vmem>>
    %dma_wait3A_350 = arith.constant 0 : i32
    %dma_wait3A_351 = tpu.memref_slice %arg7[%add3A_287, %dma_wait3A_350] : memref<65536x512xf32, #tpu.memory_space<hbm>> -> memref<120x512xf32, #tpu.memory_space<hbm>>
    tpu.wait_dma2 semaphore(%arg20 : memref<!tpu.dma_semaphore, #tpu.memory_space<semaphore_mem>>) src(%dma_wait3A_351 : memref<120x512xf32, #tpu.memory_space<hbm>>) dst(%dma_wait3A_349 : memref<120x512xf32, #tpu.memory_space<vmem>>)
    %add3A_352 = arith.constant 840 : i32
    %add3A_353 = arith.addi %mul3A_2, %add3A_352 : i32
    %dma_start3A_354 = arith.constant 0 : i32
    %dma_start3A_355 = arith.constant 0 : i32
    %dma_start3A_356 = tpu.memref_slice %arg14[%dma_start3A_354, %dma_start3A_355] : memref<120x512xf32, #tpu.memory_space<vmem>> -> memref<120x512xf32, #tpu.memory_space<vmem>>
    %dma_start3A_357 = arith.constant 0 : i32
    %dma_start3A_358 = tpu.memref_slice %arg10[%add3A_353, %dma_start3A_357] : memref<65536x512xf32, #tpu.memory_space<hbm>> -> memref<120x512xf32, #tpu.memory_space<hbm>>
    %dma_start3A_359 = arith.constant 0 : i32
    %dma_start3A_360 = tpu.memref_slice %arg10[%add3A_353, %dma_start3A_359] : memref<65536x512xf32, #tpu.memory_space<hbm>> -> memref<120x512xf32, #tpu.memory_space<hbm>>
    %dma_start3A_361 = arith.constant 0 : i32
    %dma_start3A_362 = arith.constant 0 : i32
    %dma_start3A_363 = tpu.memref_slice %arg14[%dma_start3A_361, %dma_start3A_362] : memref<120x512xf32, #tpu.memory_space<vmem>> -> memref<120x512xf32, #tpu.memory_space<vmem>>
    tpu.enqueue_dma source(%dma_start3A_363 : memref<120x512xf32, #tpu.memory_space<vmem>>) target(%dma_start3A_360 : memref<120x512xf32, #tpu.memory_space<hbm>>) target_semaphore(%arg22 : memref<!tpu.dma_semaphore, #tpu.memory_space<semaphore_mem>>)
    %dma_wait3A_364 = arith.constant 0 : i32
    %dma_wait3A_365 = arith.constant 0 : i32
    %dma_wait3A_366 = tpu.memref_slice %arg14[%dma_wait3A_364, %dma_wait3A_365] : memref<120x512xf32, #tpu.memory_space<vmem>> -> memref<120x512xf32, #tpu.memory_space<vmem>>
    %dma_wait3A_367 = arith.constant 0 : i32
    %dma_wait3A_368 = tpu.memref_slice %arg10[%add3A_353, %dma_wait3A_367] : memref<65536x512xf32, #tpu.memory_space<hbm>> -> memref<120x512xf32, #tpu.memory_space<hbm>>
    %dma_wait3A_369 = arith.constant 0 : i32
    %dma_wait3A_370 = tpu.memref_slice %arg10[%add3A_353, %dma_wait3A_369] : memref<65536x512xf32, #tpu.memory_space<hbm>> -> memref<120x512xf32, #tpu.memory_space<hbm>>
    %dma_wait3A_371 = arith.constant 0 : i32
    %dma_wait3A_372 = arith.constant 0 : i32
    %dma_wait3A_373 = tpu.memref_slice %arg14[%dma_wait3A_371, %dma_wait3A_372] : memref<120x512xf32, #tpu.memory_space<vmem>> -> memref<120x512xf32, #tpu.memory_space<vmem>>
    tpu.wait_dma2 semaphore(%arg22 : memref<!tpu.dma_semaphore, #tpu.memory_space<semaphore_mem>>) src(%dma_wait3A_373 : memref<120x512xf32, #tpu.memory_space<vmem>>) dst(%dma_wait3A_370 : memref<120x512xf32, #tpu.memory_space<hbm>>)
    %add3A_374 = arith.constant 1080 : i32
    %add3A_375 = arith.addi %mul3A_2, %add3A_374 : i32
    %dma_start3A_376 = arith.constant 0 : i32
    %dma_start3A_377 = arith.constant 0 : i32
    %dma_start3A_378 = tpu.memref_slice %arg14[%dma_start3A_376, %dma_start3A_377] : memref<120x512xf32, #tpu.memory_space<vmem>> -> memref<120x512xf32, #tpu.memory_space<vmem>>
    %dma_start3A_379 = arith.constant 0 : i32
    %dma_start3A_380 = tpu.memref_slice %arg7[%add3A_375, %dma_start3A_379] : memref<65536x512xf32, #tpu.memory_space<hbm>> -> memref<120x512xf32, #tpu.memory_space<hbm>>
    %dma_start3A_381 = arith.constant 0 : i32
    %dma_start3A_382 = arith.constant 0 : i32
    %dma_start3A_383 = tpu.memref_slice %arg14[%dma_start3A_381, %dma_start3A_382] : memref<120x512xf32, #tpu.memory_space<vmem>> -> memref<120x512xf32, #tpu.memory_space<vmem>>
    %dma_start3A_384 = arith.constant 0 : i32
    %dma_start3A_385 = tpu.memref_slice %arg7[%add3A_375, %dma_start3A_384] : memref<65536x512xf32, #tpu.memory_space<hbm>> -> memref<120x512xf32, #tpu.memory_space<hbm>>
    tpu.enqueue_dma source(%dma_start3A_385 : memref<120x512xf32, #tpu.memory_space<hbm>>) target(%dma_start3A_383 : memref<120x512xf32, #tpu.memory_space<vmem>>) target_semaphore(%arg20 : memref<!tpu.dma_semaphore, #tpu.memory_space<semaphore_mem>>)
    %dma_wait3A_386 = arith.constant 0 : i32
    %dma_wait3A_387 = arith.constant 0 : i32
    %dma_wait3A_388 = tpu.memref_slice %arg13[%dma_wait3A_386, %dma_wait3A_387] : memref<120x512xf32, #tpu.memory_space<vmem>> -> memref<120x512xf32, #tpu.memory_space<vmem>>
    %dma_wait3A_389 = arith.constant 0 : i32
    %dma_wait3A_390 = tpu.memref_slice %arg7[%add3A_331, %dma_wait3A_389] : memref<65536x512xf32, #tpu.memory_space<hbm>> -> memref<120x512xf32, #tpu.memory_space<hbm>>
    %dma_wait3A_391 = arith.constant 0 : i32
    %dma_wait3A_392 = arith.constant 0 : i32
    %dma_wait3A_393 = tpu.memref_slice %arg13[%dma_wait3A_391, %dma_wait3A_392] : memref<120x512xf32, #tpu.memory_space<vmem>> -> memref<120x512xf32, #tpu.memory_space<vmem>>
    %dma_wait3A_394 = arith.constant 0 : i32
    %dma_wait3A_395 = tpu.memref_slice %arg7[%add3A_331, %dma_wait3A_394] : memref<65536x512xf32, #tpu.memory_space<hbm>> -> memref<120x512xf32, #tpu.memory_space<hbm>>
    tpu.wait_dma2 semaphore(%arg19 : memref<!tpu.dma_semaphore, #tpu.memory_space<semaphore_mem>>) src(%dma_wait3A_395 : memref<120x512xf32, #tpu.memory_space<hbm>>) dst(%dma_wait3A_393 : memref<120x512xf32, #tpu.memory_space<vmem>>)
    %add3A_396 = arith.constant 960 : i32
    %add3A_397 = arith.addi %mul3A_2, %add3A_396 : i32
    %dma_start3A_398 = arith.constant 0 : i32
    %dma_start3A_399 = arith.constant 0 : i32
    %dma_start3A_400 = tpu.memref_slice %arg13[%dma_start3A_398, %dma_start3A_399] : memref<120x512xf32, #tpu.memory_space<vmem>> -> memref<120x512xf32, #tpu.memory_space<vmem>>
    %dma_start3A_401 = arith.constant 0 : i32
    %dma_start3A_402 = tpu.memref_slice %arg10[%add3A_397, %dma_start3A_401] : memref<65536x512xf32, #tpu.memory_space<hbm>> -> memref<120x512xf32, #tpu.memory_space<hbm>>
    %dma_start3A_403 = arith.constant 0 : i32
    %dma_start3A_404 = tpu.memref_slice %arg10[%add3A_397, %dma_start3A_403] : memref<65536x512xf32, #tpu.memory_space<hbm>> -> memref<120x512xf32, #tpu.memory_space<hbm>>
    %dma_start3A_405 = arith.constant 0 : i32
    %dma_start3A_406 = arith.constant 0 : i32
    %dma_start3A_407 = tpu.memref_slice %arg13[%dma_start3A_405, %dma_start3A_406] : memref<120x512xf32, #tpu.memory_space<vmem>> -> memref<120x512xf32, #tpu.memory_space<vmem>>
    tpu.enqueue_dma source(%dma_start3A_407 : memref<120x512xf32, #tpu.memory_space<vmem>>) target(%dma_start3A_404 : memref<120x512xf32, #tpu.memory_space<hbm>>) target_semaphore(%arg21 : memref<!tpu.dma_semaphore, #tpu.memory_space<semaphore_mem>>)
    %dma_wait3A_408 = arith.constant 0 : i32
    %dma_wait3A_409 = arith.constant 0 : i32
    %dma_wait3A_410 = tpu.memref_slice %arg13[%dma_wait3A_408, %dma_wait3A_409] : memref<120x512xf32, #tpu.memory_space<vmem>> -> memref<120x512xf32, #tpu.memory_space<vmem>>
    %dma_wait3A_411 = arith.constant 0 : i32
    %dma_wait3A_412 = tpu.memref_slice %arg10[%add3A_397, %dma_wait3A_411] : memref<65536x512xf32, #tpu.memory_space<hbm>> -> memref<120x512xf32, #tpu.memory_space<hbm>>
    %dma_wait3A_413 = arith.constant 0 : i32
    %dma_wait3A_414 = tpu.memref_slice %arg10[%add3A_397, %dma_wait3A_413] : memref<65536x512xf32, #tpu.memory_space<hbm>> -> memref<120x512xf32, #tpu.memory_space<hbm>>
    %dma_wait3A_415 = arith.constant 0 : i32
    %dma_wait3A_416 = arith.constant 0 : i32
    %dma_wait3A_417 = tpu.memref_slice %arg13[%dma_wait3A_415, %dma_wait3A_416] : memref<120x512xf32, #tpu.memory_space<vmem>> -> memref<120x512xf32, #tpu.memory_space<vmem>>
    tpu.wait_dma2 semaphore(%arg21 : memref<!tpu.dma_semaphore, #tpu.memory_space<semaphore_mem>>) src(%dma_wait3A_417 : memref<120x512xf32, #tpu.memory_space<vmem>>) dst(%dma_wait3A_414 : memref<120x512xf32, #tpu.memory_space<hbm>>)
    %add3A_418 = arith.constant 1200 : i32
    %add3A_419 = arith.addi %mul3A_2, %add3A_418 : i32
    %dma_start3A_420 = arith.constant 0 : i32
    %dma_start3A_421 = arith.constant 0 : i32
    %dma_start3A_422 = tpu.memref_slice %arg13[%dma_start3A_420, %dma_start3A_421] : memref<120x512xf32, #tpu.memory_space<vmem>> -> memref<120x512xf32, #tpu.memory_space<vmem>>
    %dma_start3A_423 = arith.constant 0 : i32
    %dma_start3A_424 = tpu.memref_slice %arg7[%add3A_419, %dma_start3A_423] : memref<65536x512xf32, #tpu.memory_space<hbm>> -> memref<120x512xf32, #tpu.memory_space<hbm>>
    %dma_start3A_425 = arith.constant 0 : i32
    %dma_start3A_426 = arith.constant 0 : i32
    %dma_start3A_427 = tpu.memref_slice %arg13[%dma_start3A_425, %dma_start3A_426] : memref<120x512xf32, #tpu.memory_space<vmem>> -> memref<120x512xf32, #tpu.memory_space<vmem>>
    %dma_start3A_428 = arith.constant 0 : i32
    %dma_start3A_429 = tpu.memref_slice %arg7[%add3A_419, %dma_start3A_428] : memref<65536x512xf32, #tpu.memory_space<hbm>> -> memref<120x512xf32, #tpu.memory_space<hbm>>
    tpu.enqueue_dma source(%dma_start3A_429 : memref<120x512xf32, #tpu.memory_space<hbm>>) target(%dma_start3A_427 : memref<120x512xf32, #tpu.memory_space<vmem>>) target_semaphore(%arg19 : memref<!tpu.dma_semaphore, #tpu.memory_space<semaphore_mem>>)
    %dma_wait3A_430 = arith.constant 0 : i32
    %dma_wait3A_431 = arith.constant 0 : i32
    %dma_wait3A_432 = tpu.memref_slice %arg14[%dma_wait3A_430, %dma_wait3A_431] : memref<120x512xf32, #tpu.memory_space<vmem>> -> memref<120x512xf32, #tpu.memory_space<vmem>>
    %dma_wait3A_433 = arith.constant 0 : i32
    %dma_wait3A_434 = tpu.memref_slice %arg7[%add3A_375, %dma_wait3A_433] : memref<65536x512xf32, #tpu.memory_space<hbm>> -> memref<120x512xf32, #tpu.memory_space<hbm>>
    %dma_wait3A_435 = arith.constant 0 : i32
    %dma_wait3A_436 = arith.constant 0 : i32
    %dma_wait3A_437 = tpu.memref_slice %arg14[%dma_wait3A_435, %dma_wait3A_436] : memref<120x512xf32, #tpu.memory_space<vmem>> -> memref<120x512xf32, #tpu.memory_space<vmem>>
    %dma_wait3A_438 = arith.constant 0 : i32
    %dma_wait3A_439 = tpu.memref_slice %arg7[%add3A_375, %dma_wait3A_438] : memref<65536x512xf32, #tpu.memory_space<hbm>> -> memref<120x512xf32, #tpu.memory_space<hbm>>
    tpu.wait_dma2 semaphore(%arg20 : memref<!tpu.dma_semaphore, #tpu.memory_space<semaphore_mem>>) src(%dma_wait3A_439 : memref<120x512xf32, #tpu.memory_space<hbm>>) dst(%dma_wait3A_437 : memref<120x512xf32, #tpu.memory_space<vmem>>)
    %add3A_440 = arith.constant 1080 : i32
    %add3A_441 = arith.addi %mul3A_2, %add3A_440 : i32
    %dma_start3A_442 = arith.constant 0 : i32
    %dma_start3A_443 = arith.constant 0 : i32
    %dma_start3A_444 = tpu.memref_slice %arg14[%dma_start3A_442, %dma_start3A_443] : memref<120x512xf32, #tpu.memory_space<vmem>> -> memref<120x512xf32, #tpu.memory_space<vmem>>
    %dma_start3A_445 = arith.constant 0 : i32
    %dma_start3A_446 = tpu.memref_slice %arg10[%add3A_441, %dma_start3A_445] : memref<65536x512xf32, #tpu.memory_space<hbm>> -> memref<120x512xf32, #tpu.memory_space<hbm>>
    %dma_start3A_447 = arith.constant 0 : i32
    %dma_start3A_448 = tpu.memref_slice %arg10[%add3A_441, %dma_start3A_447] : memref<65536x512xf32, #tpu.memory_space<hbm>> -> memref<120x512xf32, #tpu.memory_space<hbm>>
    %dma_start3A_449 = arith.constant 0 : i32
    %dma_start3A_450 = arith.constant 0 : i32
    %dma_start3A_451 = tpu.memref_slice %arg14[%dma_start3A_449, %dma_start3A_450] : memref<120x512xf32, #tpu.memory_space<vmem>> -> memref<120x512xf32, #tpu.memory_space<vmem>>
    tpu.enqueue_dma source(%dma_start3A_451 : memref<120x512xf32, #tpu.memory_space<vmem>>) target(%dma_start3A_448 : memref<120x512xf32, #tpu.memory_space<hbm>>) target_semaphore(%arg22 : memref<!tpu.dma_semaphore, #tpu.memory_space<semaphore_mem>>)
    %dma_wait3A_452 = arith.constant 0 : i32
    %dma_wait3A_453 = arith.constant 0 : i32
    %dma_wait3A_454 = tpu.memref_slice %arg14[%dma_wait3A_452, %dma_wait3A_453] : memref<120x512xf32, #tpu.memory_space<vmem>> -> memref<120x512xf32, #tpu.memory_space<vmem>>
    %dma_wait3A_455 = arith.constant 0 : i32
    %dma_wait3A_456 = tpu.memref_slice %arg10[%add3A_441, %dma_wait3A_455] : memref<65536x512xf32, #tpu.memory_space<hbm>> -> memref<120x512xf32, #tpu.memory_space<hbm>>
    %dma_wait3A_457 = arith.constant 0 : i32
    %dma_wait3A_458 = tpu.memref_slice %arg10[%add3A_441, %dma_wait3A_457] : memref<65536x512xf32, #tpu.memory_space<hbm>> -> memref<120x512xf32, #tpu.memory_space<hbm>>
    %dma_wait3A_459 = arith.constant 0 : i32
    %dma_wait3A_460 = arith.constant 0 : i32
    %dma_wait3A_461 = tpu.memref_slice %arg14[%dma_wait3A_459, %dma_wait3A_460] : memref<120x512xf32, #tpu.memory_space<vmem>> -> memref<120x512xf32, #tpu.memory_space<vmem>>
    tpu.wait_dma2 semaphore(%arg22 : memref<!tpu.dma_semaphore, #tpu.memory_space<semaphore_mem>>) src(%dma_wait3A_461 : memref<120x512xf32, #tpu.memory_space<vmem>>) dst(%dma_wait3A_458 : memref<120x512xf32, #tpu.memory_space<hbm>>)
    %add3A_462 = arith.constant 1320 : i32
    %add3A_463 = arith.addi %mul3A_2, %add3A_462 : i32
    %dma_start3A_464 = arith.constant 0 : i32
    %dma_start3A_465 = arith.constant 0 : i32
    %dma_start3A_466 = tpu.memref_slice %arg14[%dma_start3A_464, %dma_start3A_465] : memref<120x512xf32, #tpu.memory_space<vmem>> -> memref<120x512xf32, #tpu.memory_space<vmem>>
    %dma_start3A_467 = arith.constant 0 : i32
    %dma_start3A_468 = tpu.memref_slice %arg7[%add3A_463, %dma_start3A_467] : memref<65536x512xf32, #tpu.memory_space<hbm>> -> memref<120x512xf32, #tpu.memory_space<hbm>>
    %dma_start3A_469 = arith.constant 0 : i32
    %dma_start3A_470 = arith.constant 0 : i32
    %dma_start3A_471 = tpu.memref_slice %arg14[%dma_start3A_469, %dma_start3A_470] : memref<120x512xf32, #tpu.memory_space<vmem>> -> memref<120x512xf32, #tpu.memory_space<vmem>>
    %dma_start3A_472 = arith.constant 0 : i32
    %dma_start3A_473 = tpu.memref_slice %arg7[%add3A_463, %dma_start3A_472] : memref<65536x512xf32, #tpu.memory_space<hbm>> -> memref<120x512xf32, #tpu.memory_space<hbm>>
    tpu.enqueue_dma source(%dma_start3A_473 : memref<120x512xf32, #tpu.memory_space<hbm>>) target(%dma_start3A_471 : memref<120x512xf32, #tpu.memory_space<vmem>>) target_semaphore(%arg20 : memref<!tpu.dma_semaphore, #tpu.memory_space<semaphore_mem>>)
    %dma_wait3A_474 = arith.constant 0 : i32
    %dma_wait3A_475 = arith.constant 0 : i32
    %dma_wait3A_476 = tpu.memref_slice %arg13[%dma_wait3A_474, %dma_wait3A_475] : memref<120x512xf32, #tpu.memory_space<vmem>> -> memref<120x512xf32, #tpu.memory_space<vmem>>
    %dma_wait3A_477 = arith.constant 0 : i32
    %dma_wait3A_478 = tpu.memref_slice %arg7[%add3A_419, %dma_wait3A_477] : memref<65536x512xf32, #tpu.memory_space<hbm>> -> memref<120x512xf32, #tpu.memory_space<hbm>>
    %dma_wait3A_479 = arith.constant 0 : i32
    %dma_wait3A_480 = arith.constant 0 : i32
    %dma_wait3A_481 = tpu.memref_slice %arg13[%dma_wait3A_479, %dma_wait3A_480] : memref<120x512xf32, #tpu.memory_space<vmem>> -> memref<120x512xf32, #tpu.memory_space<vmem>>
    %dma_wait3A_482 = arith.constant 0 : i32
    %dma_wait3A_483 = tpu.memref_slice %arg7[%add3A_419, %dma_wait3A_482] : memref<65536x512xf32, #tpu.memory_space<hbm>> -> memref<120x512xf32, #tpu.memory_space<hbm>>
    tpu.wait_dma2 semaphore(%arg19 : memref<!tpu.dma_semaphore, #tpu.memory_space<semaphore_mem>>) src(%dma_wait3A_483 : memref<120x512xf32, #tpu.memory_space<hbm>>) dst(%dma_wait3A_481 : memref<120x512xf32, #tpu.memory_space<vmem>>)
    %add3A_484 = arith.constant 1200 : i32
    %add3A_485 = arith.addi %mul3A_2, %add3A_484 : i32
    %dma_start3A_486 = arith.constant 0 : i32
    %dma_start3A_487 = arith.constant 0 : i32
    %dma_start3A_488 = tpu.memref_slice %arg13[%dma_start3A_486, %dma_start3A_487] : memref<120x512xf32, #tpu.memory_space<vmem>> -> memref<120x512xf32, #tpu.memory_space<vmem>>
    %dma_start3A_489 = arith.constant 0 : i32
    %dma_start3A_490 = tpu.memref_slice %arg10[%add3A_485, %dma_start3A_489] : memref<65536x512xf32, #tpu.memory_space<hbm>> -> memref<120x512xf32, #tpu.memory_space<hbm>>
    %dma_start3A_491 = arith.constant 0 : i32
    %dma_start3A_492 = tpu.memref_slice %arg10[%add3A_485, %dma_start3A_491] : memref<65536x512xf32, #tpu.memory_space<hbm>> -> memref<120x512xf32, #tpu.memory_space<hbm>>
    %dma_start3A_493 = arith.constant 0 : i32
    %dma_start3A_494 = arith.constant 0 : i32
    %dma_start3A_495 = tpu.memref_slice %arg13[%dma_start3A_493, %dma_start3A_494] : memref<120x512xf32, #tpu.memory_space<vmem>> -> memref<120x512xf32, #tpu.memory_space<vmem>>
    tpu.enqueue_dma source(%dma_start3A_495 : memref<120x512xf32, #tpu.memory_space<vmem>>) target(%dma_start3A_492 : memref<120x512xf32, #tpu.memory_space<hbm>>) target_semaphore(%arg21 : memref<!tpu.dma_semaphore, #tpu.memory_space<semaphore_mem>>)
    %dma_wait3A_496 = arith.constant 0 : i32
    %dma_wait3A_497 = arith.constant 0 : i32
    %dma_wait3A_498 = tpu.memref_slice %arg13[%dma_wait3A_496, %dma_wait3A_497] : memref<120x512xf32, #tpu.memory_space<vmem>> -> memref<120x512xf32, #tpu.memory_space<vmem>>
    %dma_wait3A_499 = arith.constant 0 : i32
    %dma_wait3A_500 = tpu.memref_slice %arg10[%add3A_485, %dma_wait3A_499] : memref<65536x512xf32, #tpu.memory_space<hbm>> -> memref<120x512xf32, #tpu.memory_space<hbm>>
    %dma_wait3A_501 = arith.constant 0 : i32
    %dma_wait3A_502 = tpu.memref_slice %arg10[%add3A_485, %dma_wait3A_501] : memref<65536x512xf32, #tpu.memory_space<hbm>> -> memref<120x512xf32, #tpu.memory_space<hbm>>
    %dma_wait3A_503 = arith.constant 0 : i32
    %dma_wait3A_504 = arith.constant 0 : i32
    %dma_wait3A_505 = tpu.memref_slice %arg13[%dma_wait3A_503, %dma_wait3A_504] : memref<120x512xf32, #tpu.memory_space<vmem>> -> memref<120x512xf32, #tpu.memory_space<vmem>>
    tpu.wait_dma2 semaphore(%arg21 : memref<!tpu.dma_semaphore, #tpu.memory_space<semaphore_mem>>) src(%dma_wait3A_505 : memref<120x512xf32, #tpu.memory_space<vmem>>) dst(%dma_wait3A_502 : memref<120x512xf32, #tpu.memory_space<hbm>>)
    %add3A_506 = arith.constant 1440 : i32
    %add3A_507 = arith.addi %mul3A_2, %add3A_506 : i32
    %dma_start3A_508 = arith.constant 0 : i32
    %dma_start3A_509 = arith.constant 0 : i32
    %dma_start3A_510 = tpu.memref_slice %arg13[%dma_start3A_508, %dma_start3A_509] : memref<120x512xf32, #tpu.memory_space<vmem>> -> memref<120x512xf32, #tpu.memory_space<vmem>>
    %dma_start3A_511 = arith.constant 0 : i32
    %dma_start3A_512 = tpu.memref_slice %arg7[%add3A_507, %dma_start3A_511] : memref<65536x512xf32, #tpu.memory_space<hbm>> -> memref<120x512xf32, #tpu.memory_space<hbm>>
    %dma_start3A_513 = arith.constant 0 : i32
    %dma_start3A_514 = arith.constant 0 : i32
    %dma_start3A_515 = tpu.memref_slice %arg13[%dma_start3A_513, %dma_start3A_514] : memref<120x512xf32, #tpu.memory_space<vmem>> -> memref<120x512xf32, #tpu.memory_space<vmem>>
    %dma_start3A_516 = arith.constant 0 : i32
    %dma_start3A_517 = tpu.memref_slice %arg7[%add3A_507, %dma_start3A_516] : memref<65536x512xf32, #tpu.memory_space<hbm>> -> memref<120x512xf32, #tpu.memory_space<hbm>>
    tpu.enqueue_dma source(%dma_start3A_517 : memref<120x512xf32, #tpu.memory_space<hbm>>) target(%dma_start3A_515 : memref<120x512xf32, #tpu.memory_space<vmem>>) target_semaphore(%arg19 : memref<!tpu.dma_semaphore, #tpu.memory_space<semaphore_mem>>)
    %dma_wait3A_518 = arith.constant 0 : i32
    %dma_wait3A_519 = arith.constant 0 : i32
    %dma_wait3A_520 = tpu.memref_slice %arg14[%dma_wait3A_518, %dma_wait3A_519] : memref<120x512xf32, #tpu.memory_space<vmem>> -> memref<120x512xf32, #tpu.memory_space<vmem>>
    %dma_wait3A_521 = arith.constant 0 : i32
    %dma_wait3A_522 = tpu.memref_slice %arg7[%add3A_463, %dma_wait3A_521] : memref<65536x512xf32, #tpu.memory_space<hbm>> -> memref<120x512xf32, #tpu.memory_space<hbm>>
    %dma_wait3A_523 = arith.constant 0 : i32
    %dma_wait3A_524 = arith.constant 0 : i32
    %dma_wait3A_525 = tpu.memref_slice %arg14[%dma_wait3A_523, %dma_wait3A_524] : memref<120x512xf32, #tpu.memory_space<vmem>> -> memref<120x512xf32, #tpu.memory_space<vmem>>
    %dma_wait3A_526 = arith.constant 0 : i32
    %dma_wait3A_527 = tpu.memref_slice %arg7[%add3A_463, %dma_wait3A_526] : memref<65536x512xf32, #tpu.memory_space<hbm>> -> memref<120x512xf32, #tpu.memory_space<hbm>>
    tpu.wait_dma2 semaphore(%arg20 : memref<!tpu.dma_semaphore, #tpu.memory_space<semaphore_mem>>) src(%dma_wait3A_527 : memref<120x512xf32, #tpu.memory_space<hbm>>) dst(%dma_wait3A_525 : memref<120x512xf32, #tpu.memory_space<vmem>>)
    %add3A_528 = arith.constant 1320 : i32
    %add3A_529 = arith.addi %mul3A_2, %add3A_528 : i32
    %dma_start3A_530 = arith.constant 0 : i32
    %dma_start3A_531 = arith.constant 0 : i32
    %dma_start3A_532 = tpu.memref_slice %arg14[%dma_start3A_530, %dma_start3A_531] : memref<120x512xf32, #tpu.memory_space<vmem>> -> memref<120x512xf32, #tpu.memory_space<vmem>>
    %dma_start3A_533 = arith.constant 0 : i32
    %dma_start3A_534 = tpu.memref_slice %arg10[%add3A_529, %dma_start3A_533] : memref<65536x512xf32, #tpu.memory_space<hbm>> -> memref<120x512xf32, #tpu.memory_space<hbm>>
    %dma_start3A_535 = arith.constant 0 : i32
    %dma_start3A_536 = tpu.memref_slice %arg10[%add3A_529, %dma_start3A_535] : memref<65536x512xf32, #tpu.memory_space<hbm>> -> memref<120x512xf32, #tpu.memory_space<hbm>>
    %dma_start3A_537 = arith.constant 0 : i32
    %dma_start3A_538 = arith.constant 0 : i32
    %dma_start3A_539 = tpu.memref_slice %arg14[%dma_start3A_537, %dma_start3A_538] : memref<120x512xf32, #tpu.memory_space<vmem>> -> memref<120x512xf32, #tpu.memory_space<vmem>>
    tpu.enqueue_dma source(%dma_start3A_539 : memref<120x512xf32, #tpu.memory_space<vmem>>) target(%dma_start3A_536 : memref<120x512xf32, #tpu.memory_space<hbm>>) target_semaphore(%arg22 : memref<!tpu.dma_semaphore, #tpu.memory_space<semaphore_mem>>)
    %dma_wait3A_540 = arith.constant 0 : i32
    %dma_wait3A_541 = arith.constant 0 : i32
    %dma_wait3A_542 = tpu.memref_slice %arg14[%dma_wait3A_540, %dma_wait3A_541] : memref<120x512xf32, #tpu.memory_space<vmem>> -> memref<120x512xf32, #tpu.memory_space<vmem>>
    %dma_wait3A_543 = arith.constant 0 : i32
    %dma_wait3A_544 = tpu.memref_slice %arg10[%add3A_529, %dma_wait3A_543] : memref<65536x512xf32, #tpu.memory_space<hbm>> -> memref<120x512xf32, #tpu.memory_space<hbm>>
    %dma_wait3A_545 = arith.constant 0 : i32
    %dma_wait3A_546 = tpu.memref_slice %arg10[%add3A_529, %dma_wait3A_545] : memref<65536x512xf32, #tpu.memory_space<hbm>> -> memref<120x512xf32, #tpu.memory_space<hbm>>
    %dma_wait3A_547 = arith.constant 0 : i32
    %dma_wait3A_548 = arith.constant 0 : i32
    %dma_wait3A_549 = tpu.memref_slice %arg14[%dma_wait3A_547, %dma_wait3A_548] : memref<120x512xf32, #tpu.memory_space<vmem>> -> memref<120x512xf32, #tpu.memory_space<vmem>>
    tpu.wait_dma2 semaphore(%arg22 : memref<!tpu.dma_semaphore, #tpu.memory_space<semaphore_mem>>) src(%dma_wait3A_549 : memref<120x512xf32, #tpu.memory_space<vmem>>) dst(%dma_wait3A_546 : memref<120x512xf32, #tpu.memory_space<hbm>>)
    %add3A_550 = arith.constant 1560 : i32
    %add3A_551 = arith.addi %mul3A_2, %add3A_550 : i32
    %dma_start3A_552 = arith.constant 0 : i32
    %dma_start3A_553 = arith.constant 0 : i32
    %dma_start3A_554 = tpu.memref_slice %arg14[%dma_start3A_552, %dma_start3A_553] : memref<120x512xf32, #tpu.memory_space<vmem>> -> memref<120x512xf32, #tpu.memory_space<vmem>>
    %dma_start3A_555 = arith.constant 0 : i32
    %dma_start3A_556 = tpu.memref_slice %arg7[%add3A_551, %dma_start3A_555] : memref<65536x512xf32, #tpu.memory_space<hbm>> -> memref<120x512xf32, #tpu.memory_space<hbm>>
    %dma_start3A_557 = arith.constant 0 : i32
    %dma_start3A_558 = arith.constant 0 : i32
    %dma_start3A_559 = tpu.memref_slice %arg14[%dma_start3A_557, %dma_start3A_558] : memref<120x512xf32, #tpu.memory_space<vmem>> -> memref<120x512xf32, #tpu.memory_space<vmem>>
    %dma_start3A_560 = arith.constant 0 : i32
    %dma_start3A_561 = tpu.memref_slice %arg7[%add3A_551, %dma_start3A_560] : memref<65536x512xf32, #tpu.memory_space<hbm>> -> memref<120x512xf32, #tpu.memory_space<hbm>>
    tpu.enqueue_dma source(%dma_start3A_561 : memref<120x512xf32, #tpu.memory_space<hbm>>) target(%dma_start3A_559 : memref<120x512xf32, #tpu.memory_space<vmem>>) target_semaphore(%arg20 : memref<!tpu.dma_semaphore, #tpu.memory_space<semaphore_mem>>)
    %dma_wait3A_562 = arith.constant 0 : i32
    %dma_wait3A_563 = arith.constant 0 : i32
    %dma_wait3A_564 = tpu.memref_slice %arg13[%dma_wait3A_562, %dma_wait3A_563] : memref<120x512xf32, #tpu.memory_space<vmem>> -> memref<120x512xf32, #tpu.memory_space<vmem>>
    %dma_wait3A_565 = arith.constant 0 : i32
    %dma_wait3A_566 = tpu.memref_slice %arg7[%add3A_507, %dma_wait3A_565] : memref<65536x512xf32, #tpu.memory_space<hbm>> -> memref<120x512xf32, #tpu.memory_space<hbm>>
    %dma_wait3A_567 = arith.constant 0 : i32
    %dma_wait3A_568 = arith.constant 0 : i32
    %dma_wait3A_569 = tpu.memref_slice %arg13[%dma_wait3A_567, %dma_wait3A_568] : memref<120x512xf32, #tpu.memory_space<vmem>> -> memref<120x512xf32, #tpu.memory_space<vmem>>
    %dma_wait3A_570 = arith.constant 0 : i32
    %dma_wait3A_571 = tpu.memref_slice %arg7[%add3A_507, %dma_wait3A_570] : memref<65536x512xf32, #tpu.memory_space<hbm>> -> memref<120x512xf32, #tpu.memory_space<hbm>>
    tpu.wait_dma2 semaphore(%arg19 : memref<!tpu.dma_semaphore, #tpu.memory_space<semaphore_mem>>) src(%dma_wait3A_571 : memref<120x512xf32, #tpu.memory_space<hbm>>) dst(%dma_wait3A_569 : memref<120x512xf32, #tpu.memory_space<vmem>>)
    %add3A_572 = arith.constant 1440 : i32
    %add3A_573 = arith.addi %mul3A_2, %add3A_572 : i32
    %dma_start3A_574 = arith.constant 0 : i32
    %dma_start3A_575 = arith.constant 0 : i32
    %dma_start3A_576 = tpu.memref_slice %arg13[%dma_start3A_574, %dma_start3A_575] : memref<120x512xf32, #tpu.memory_space<vmem>> -> memref<120x512xf32, #tpu.memory_space<vmem>>
    %dma_start3A_577 = arith.constant 0 : i32
    %dma_start3A_578 = tpu.memref_slice %arg10[%add3A_573, %dma_start3A_577] : memref<65536x512xf32, #tpu.memory_space<hbm>> -> memref<120x512xf32, #tpu.memory_space<hbm>>
    %dma_start3A_579 = arith.constant 0 : i32
    %dma_start3A_580 = tpu.memref_slice %arg10[%add3A_573, %dma_start3A_579] : memref<65536x512xf32, #tpu.memory_space<hbm>> -> memref<120x512xf32, #tpu.memory_space<hbm>>
    %dma_start3A_581 = arith.constant 0 : i32
    %dma_start3A_582 = arith.constant 0 : i32
    %dma_start3A_583 = tpu.memref_slice %arg13[%dma_start3A_581, %dma_start3A_582] : memref<120x512xf32, #tpu.memory_space<vmem>> -> memref<120x512xf32, #tpu.memory_space<vmem>>
    tpu.enqueue_dma source(%dma_start3A_583 : memref<120x512xf32, #tpu.memory_space<vmem>>) target(%dma_start3A_580 : memref<120x512xf32, #tpu.memory_space<hbm>>) target_semaphore(%arg21 : memref<!tpu.dma_semaphore, #tpu.memory_space<semaphore_mem>>)
    %dma_wait3A_584 = arith.constant 0 : i32
    %dma_wait3A_585 = arith.constant 0 : i32
    %dma_wait3A_586 = tpu.memref_slice %arg13[%dma_wait3A_584, %dma_wait3A_585] : memref<120x512xf32, #tpu.memory_space<vmem>> -> memref<120x512xf32, #tpu.memory_space<vmem>>
    %dma_wait3A_587 = arith.constant 0 : i32
    %dma_wait3A_588 = tpu.memref_slice %arg10[%add3A_573, %dma_wait3A_587] : memref<65536x512xf32, #tpu.memory_space<hbm>> -> memref<120x512xf32, #tpu.memory_space<hbm>>
    %dma_wait3A_589 = arith.constant 0 : i32
    %dma_wait3A_590 = tpu.memref_slice %arg10[%add3A_573, %dma_wait3A_589] : memref<65536x512xf32, #tpu.memory_space<hbm>> -> memref<120x512xf32, #tpu.memory_space<hbm>>
    %dma_wait3A_591 = arith.constant 0 : i32
    %dma_wait3A_592 = arith.constant 0 : i32
    %dma_wait3A_593 = tpu.memref_slice %arg13[%dma_wait3A_591, %dma_wait3A_592] : memref<120x512xf32, #tpu.memory_space<vmem>> -> memref<120x512xf32, #tpu.memory_space<vmem>>
    tpu.wait_dma2 semaphore(%arg21 : memref<!tpu.dma_semaphore, #tpu.memory_space<semaphore_mem>>) src(%dma_wait3A_593 : memref<120x512xf32, #tpu.memory_space<vmem>>) dst(%dma_wait3A_590 : memref<120x512xf32, #tpu.memory_space<hbm>>)
    %add3A_594 = arith.constant 1680 : i32
    %add3A_595 = arith.addi %mul3A_2, %add3A_594 : i32
    %dma_start3A_596 = arith.constant 0 : i32
    %dma_start3A_597 = arith.constant 0 : i32
    %dma_start3A_598 = tpu.memref_slice %arg13[%dma_start3A_596, %dma_start3A_597] : memref<120x512xf32, #tpu.memory_space<vmem>> -> memref<120x512xf32, #tpu.memory_space<vmem>>
    %dma_start3A_599 = arith.constant 0 : i32
    %dma_start3A_600 = tpu.memref_slice %arg7[%add3A_595, %dma_start3A_599] : memref<65536x512xf32, #tpu.memory_space<hbm>> -> memref<120x512xf32, #tpu.memory_space<hbm>>
    %dma_start3A_601 = arith.constant 0 : i32
    %dma_start3A_602 = arith.constant 0 : i32
    %dma_start3A_603 = tpu.memref_slice %arg13[%dma_start3A_601, %dma_start3A_602] : memref<120x512xf32, #tpu.memory_space<vmem>> -> memref<120x512xf32, #tpu.memory_space<vmem>>
    %dma_start3A_604 = arith.constant 0 : i32
    %dma_start3A_605 = tpu.memref_slice %arg7[%add3A_595, %dma_start3A_604] : memref<65536x512xf32, #tpu.memory_space<hbm>> -> memref<120x512xf32, #tpu.memory_space<hbm>>
    tpu.enqueue_dma source(%dma_start3A_605 : memref<120x512xf32, #tpu.memory_space<hbm>>) target(%dma_start3A_603 : memref<120x512xf32, #tpu.memory_space<vmem>>) target_semaphore(%arg19 : memref<!tpu.dma_semaphore, #tpu.memory_space<semaphore_mem>>)
    %dma_wait3A_606 = arith.constant 0 : i32
    %dma_wait3A_607 = arith.constant 0 : i32
    %dma_wait3A_608 = tpu.memref_slice %arg14[%dma_wait3A_606, %dma_wait3A_607] : memref<120x512xf32, #tpu.memory_space<vmem>> -> memref<120x512xf32, #tpu.memory_space<vmem>>
    %dma_wait3A_609 = arith.constant 0 : i32
    %dma_wait3A_610 = tpu.memref_slice %arg7[%add3A_551, %dma_wait3A_609] : memref<65536x512xf32, #tpu.memory_space<hbm>> -> memref<120x512xf32, #tpu.memory_space<hbm>>
    %dma_wait3A_611 = arith.constant 0 : i32
    %dma_wait3A_612 = arith.constant 0 : i32
    %dma_wait3A_613 = tpu.memref_slice %arg14[%dma_wait3A_611, %dma_wait3A_612] : memref<120x512xf32, #tpu.memory_space<vmem>> -> memref<120x512xf32, #tpu.memory_space<vmem>>
    %dma_wait3A_614 = arith.constant 0 : i32
    %dma_wait3A_615 = tpu.memref_slice %arg7[%add3A_551, %dma_wait3A_614] : memref<65536x512xf32, #tpu.memory_space<hbm>> -> memref<120x512xf32, #tpu.memory_space<hbm>>
    tpu.wait_dma2 semaphore(%arg20 : memref<!tpu.dma_semaphore, #tpu.memory_space<semaphore_mem>>) src(%dma_wait3A_615 : memref<120x512xf32, #tpu.memory_space<hbm>>) dst(%dma_wait3A_613 : memref<120x512xf32, #tpu.memory_space<vmem>>)
    %add3A_616 = arith.constant 1560 : i32
    %add3A_617 = arith.addi %mul3A_2, %add3A_616 : i32
    %dma_start3A_618 = arith.constant 0 : i32
    %dma_start3A_619 = arith.constant 0 : i32
    %dma_start3A_620 = tpu.memref_slice %arg14[%dma_start3A_618, %dma_start3A_619] : memref<120x512xf32, #tpu.memory_space<vmem>> -> memref<120x512xf32, #tpu.memory_space<vmem>>
    %dma_start3A_621 = arith.constant 0 : i32
    %dma_start3A_622 = tpu.memref_slice %arg10[%add3A_617, %dma_start3A_621] : memref<65536x512xf32, #tpu.memory_space<hbm>> -> memref<120x512xf32, #tpu.memory_space<hbm>>
    %dma_start3A_623 = arith.constant 0 : i32
    %dma_start3A_624 = tpu.memref_slice %arg10[%add3A_617, %dma_start3A_623] : memref<65536x512xf32, #tpu.memory_space<hbm>> -> memref<120x512xf32, #tpu.memory_space<hbm>>
    %dma_start3A_625 = arith.constant 0 : i32
    %dma_start3A_626 = arith.constant 0 : i32
    %dma_start3A_627 = tpu.memref_slice %arg14[%dma_start3A_625, %dma_start3A_626] : memref<120x512xf32, #tpu.memory_space<vmem>> -> memref<120x512xf32, #tpu.memory_space<vmem>>
    tpu.enqueue_dma source(%dma_start3A_627 : memref<120x512xf32, #tpu.memory_space<vmem>>) target(%dma_start3A_624 : memref<120x512xf32, #tpu.memory_space<hbm>>) target_semaphore(%arg22 : memref<!tpu.dma_semaphore, #tpu.memory_space<semaphore_mem>>)
    %dma_wait3A_628 = arith.constant 0 : i32
    %dma_wait3A_629 = arith.constant 0 : i32
    %dma_wait3A_630 = tpu.memref_slice %arg14[%dma_wait3A_628, %dma_wait3A_629] : memref<120x512xf32, #tpu.memory_space<vmem>> -> memref<120x512xf32, #tpu.memory_space<vmem>>
    %dma_wait3A_631 = arith.constant 0 : i32
    %dma_wait3A_632 = tpu.memref_slice %arg10[%add3A_617, %dma_wait3A_631] : memref<65536x512xf32, #tpu.memory_space<hbm>> -> memref<120x512xf32, #tpu.memory_space<hbm>>
    %dma_wait3A_633 = arith.constant 0 : i32
    %dma_wait3A_634 = tpu.memref_slice %arg10[%add3A_617, %dma_wait3A_633] : memref<65536x512xf32, #tpu.memory_space<hbm>> -> memref<120x512xf32, #tpu.memory_space<hbm>>
    %dma_wait3A_635 = arith.constant 0 : i32
    %dma_wait3A_636 = arith.constant 0 : i32
    %dma_wait3A_637 = tpu.memref_slice %arg14[%dma_wait3A_635, %dma_wait3A_636] : memref<120x512xf32, #tpu.memory_space<vmem>> -> memref<120x512xf32, #tpu.memory_space<vmem>>
    tpu.wait_dma2 semaphore(%arg22 : memref<!tpu.dma_semaphore, #tpu.memory_space<semaphore_mem>>) src(%dma_wait3A_637 : memref<120x512xf32, #tpu.memory_space<vmem>>) dst(%dma_wait3A_634 : memref<120x512xf32, #tpu.memory_space<hbm>>)
    %add3A_638 = arith.constant 1800 : i32
    %add3A_639 = arith.addi %mul3A_2, %add3A_638 : i32
    %dma_start3A_640 = arith.constant 0 : i32
    %dma_start3A_641 = arith.constant 0 : i32
    %dma_start3A_642 = tpu.memref_slice %arg14[%dma_start3A_640, %dma_start3A_641] : memref<120x512xf32, #tpu.memory_space<vmem>> -> memref<120x512xf32, #tpu.memory_space<vmem>>
    %dma_start3A_643 = arith.constant 0 : i32
    %dma_start3A_644 = tpu.memref_slice %arg7[%add3A_639, %dma_start3A_643] : memref<65536x512xf32, #tpu.memory_space<hbm>> -> memref<120x512xf32, #tpu.memory_space<hbm>>
    %dma_start3A_645 = arith.constant 0 : i32
    %dma_start3A_646 = arith.constant 0 : i32
    %dma_start3A_647 = tpu.memref_slice %arg14[%dma_start3A_645, %dma_start3A_646] : memref<120x512xf32, #tpu.memory_space<vmem>> -> memref<120x512xf32, #tpu.memory_space<vmem>>
    %dma_start3A_648 = arith.constant 0 : i32
    %dma_start3A_649 = tpu.memref_slice %arg7[%add3A_639, %dma_start3A_648] : memref<65536x512xf32, #tpu.memory_space<hbm>> -> memref<120x512xf32, #tpu.memory_space<hbm>>
    tpu.enqueue_dma source(%dma_start3A_649 : memref<120x512xf32, #tpu.memory_space<hbm>>) target(%dma_start3A_647 : memref<120x512xf32, #tpu.memory_space<vmem>>) target_semaphore(%arg20 : memref<!tpu.dma_semaphore, #tpu.memory_space<semaphore_mem>>)
    %dma_wait3A_650 = arith.constant 0 : i32
    %dma_wait3A_651 = arith.constant 0 : i32
    %dma_wait3A_652 = tpu.memref_slice %arg13[%dma_wait3A_650, %dma_wait3A_651] : memref<120x512xf32, #tpu.memory_space<vmem>> -> memref<120x512xf32, #tpu.memory_space<vmem>>
    %dma_wait3A_653 = arith.constant 0 : i32
    %dma_wait3A_654 = tpu.memref_slice %arg7[%add3A_595, %dma_wait3A_653] : memref<65536x512xf32, #tpu.memory_space<hbm>> -> memref<120x512xf32, #tpu.memory_space<hbm>>
    %dma_wait3A_655 = arith.constant 0 : i32
    %dma_wait3A_656 = arith.constant 0 : i32
    %dma_wait3A_657 = tpu.memref_slice %arg13[%dma_wait3A_655, %dma_wait3A_656] : memref<120x512xf32, #tpu.memory_space<vmem>> -> memref<120x512xf32, #tpu.memory_space<vmem>>
    %dma_wait3A_658 = arith.constant 0 : i32
    %dma_wait3A_659 = tpu.memref_slice %arg7[%add3A_595, %dma_wait3A_658] : memref<65536x512xf32, #tpu.memory_space<hbm>> -> memref<120x512xf32, #tpu.memory_space<hbm>>
    tpu.wait_dma2 semaphore(%arg19 : memref<!tpu.dma_semaphore, #tpu.memory_space<semaphore_mem>>) src(%dma_wait3A_659 : memref<120x512xf32, #tpu.memory_space<hbm>>) dst(%dma_wait3A_657 : memref<120x512xf32, #tpu.memory_space<vmem>>)
    %add3A_660 = arith.constant 1680 : i32
    %add3A_661 = arith.addi %mul3A_2, %add3A_660 : i32
    %dma_start3A_662 = arith.constant 0 : i32
    %dma_start3A_663 = arith.constant 0 : i32
    %dma_start3A_664 = tpu.memref_slice %arg13[%dma_start3A_662, %dma_start3A_663] : memref<120x512xf32, #tpu.memory_space<vmem>> -> memref<120x512xf32, #tpu.memory_space<vmem>>
    %dma_start3A_665 = arith.constant 0 : i32
    %dma_start3A_666 = tpu.memref_slice %arg10[%add3A_661, %dma_start3A_665] : memref<65536x512xf32, #tpu.memory_space<hbm>> -> memref<120x512xf32, #tpu.memory_space<hbm>>
    %dma_start3A_667 = arith.constant 0 : i32
    %dma_start3A_668 = tpu.memref_slice %arg10[%add3A_661, %dma_start3A_667] : memref<65536x512xf32, #tpu.memory_space<hbm>> -> memref<120x512xf32, #tpu.memory_space<hbm>>
    %dma_start3A_669 = arith.constant 0 : i32
    %dma_start3A_670 = arith.constant 0 : i32
    %dma_start3A_671 = tpu.memref_slice %arg13[%dma_start3A_669, %dma_start3A_670] : memref<120x512xf32, #tpu.memory_space<vmem>> -> memref<120x512xf32, #tpu.memory_space<vmem>>
    tpu.enqueue_dma source(%dma_start3A_671 : memref<120x512xf32, #tpu.memory_space<vmem>>) target(%dma_start3A_668 : memref<120x512xf32, #tpu.memory_space<hbm>>) target_semaphore(%arg21 : memref<!tpu.dma_semaphore, #tpu.memory_space<semaphore_mem>>)
    %dma_wait3A_672 = arith.constant 0 : i32
    %dma_wait3A_673 = arith.constant 0 : i32
    %dma_wait3A_674 = tpu.memref_slice %arg13[%dma_wait3A_672, %dma_wait3A_673] : memref<120x512xf32, #tpu.memory_space<vmem>> -> memref<120x512xf32, #tpu.memory_space<vmem>>
    %dma_wait3A_675 = arith.constant 0 : i32
    %dma_wait3A_676 = tpu.memref_slice %arg10[%add3A_661, %dma_wait3A_675] : memref<65536x512xf32, #tpu.memory_space<hbm>> -> memref<120x512xf32, #tpu.memory_space<hbm>>
    %dma_wait3A_677 = arith.constant 0 : i32
    %dma_wait3A_678 = tpu.memref_slice %arg10[%add3A_661, %dma_wait3A_677] : memref<65536x512xf32, #tpu.memory_space<hbm>> -> memref<120x512xf32, #tpu.memory_space<hbm>>
    %dma_wait3A_679 = arith.constant 0 : i32
    %dma_wait3A_680 = arith.constant 0 : i32
    %dma_wait3A_681 = tpu.memref_slice %arg13[%dma_wait3A_679, %dma_wait3A_680] : memref<120x512xf32, #tpu.memory_space<vmem>> -> memref<120x512xf32, #tpu.memory_space<vmem>>
    tpu.wait_dma2 semaphore(%arg21 : memref<!tpu.dma_semaphore, #tpu.memory_space<semaphore_mem>>) src(%dma_wait3A_681 : memref<120x512xf32, #tpu.memory_space<vmem>>) dst(%dma_wait3A_678 : memref<120x512xf32, #tpu.memory_space<hbm>>)
    %add3A_682 = arith.constant 1920 : i32
    %add3A_683 = arith.addi %mul3A_2, %add3A_682 : i32
    %dma_start3A_684 = arith.constant 0 : i32
    %dma_start3A_685 = arith.constant 0 : i32
    %dma_start3A_686 = tpu.memref_slice %arg13[%dma_start3A_684, %dma_start3A_685] : memref<120x512xf32, #tpu.memory_space<vmem>> -> memref<120x512xf32, #tpu.memory_space<vmem>>
    %dma_start3A_687 = arith.constant 0 : i32
    %dma_start3A_688 = tpu.memref_slice %arg7[%add3A_683, %dma_start3A_687] : memref<65536x512xf32, #tpu.memory_space<hbm>> -> memref<120x512xf32, #tpu.memory_space<hbm>>
    %dma_start3A_689 = arith.constant 0 : i32
    %dma_start3A_690 = arith.constant 0 : i32
    %dma_start3A_691 = tpu.memref_slice %arg13[%dma_start3A_689, %dma_start3A_690] : memref<120x512xf32, #tpu.memory_space<vmem>> -> memref<120x512xf32, #tpu.memory_space<vmem>>
    %dma_start3A_692 = arith.constant 0 : i32
    %dma_start3A_693 = tpu.memref_slice %arg7[%add3A_683, %dma_start3A_692] : memref<65536x512xf32, #tpu.memory_space<hbm>> -> memref<120x512xf32, #tpu.memory_space<hbm>>
    tpu.enqueue_dma source(%dma_start3A_693 : memref<120x512xf32, #tpu.memory_space<hbm>>) target(%dma_start3A_691 : memref<120x512xf32, #tpu.memory_space<vmem>>) target_semaphore(%arg19 : memref<!tpu.dma_semaphore, #tpu.memory_space<semaphore_mem>>)
    %dma_wait3A_694 = arith.constant 0 : i32
    %dma_wait3A_695 = arith.constant 0 : i32
    %dma_wait3A_696 = tpu.memref_slice %arg14[%dma_wait3A_694, %dma_wait3A_695] : memref<120x512xf32, #tpu.memory_space<vmem>> -> memref<120x512xf32, #tpu.memory_space<vmem>>
    %dma_wait3A_697 = arith.constant 0 : i32
    %dma_wait3A_698 = tpu.memref_slice %arg7[%add3A_639, %dma_wait3A_697] : memref<65536x512xf32, #tpu.memory_space<hbm>> -> memref<120x512xf32, #tpu.memory_space<hbm>>
    %dma_wait3A_699 = arith.constant 0 : i32
    %dma_wait3A_700 = arith.constant 0 : i32
    %dma_wait3A_701 = tpu.memref_slice %arg14[%dma_wait3A_699, %dma_wait3A_700] : memref<120x512xf32, #tpu.memory_space<vmem>> -> memref<120x512xf32, #tpu.memory_space<vmem>>
    %dma_wait3A_702 = arith.constant 0 : i32
    %dma_wait3A_703 = tpu.memref_slice %arg7[%add3A_639, %dma_wait3A_702] : memref<65536x512xf32, #tpu.memory_space<hbm>> -> memref<120x512xf32, #tpu.memory_space<hbm>>
    tpu.wait_dma2 semaphore(%arg20 : memref<!tpu.dma_semaphore, #tpu.memory_space<semaphore_mem>>) src(%dma_wait3A_703 : memref<120x512xf32, #tpu.memory_space<hbm>>) dst(%dma_wait3A_701 : memref<120x512xf32, #tpu.memory_space<vmem>>)
    %add3A_704 = arith.constant 1800 : i32
    %add3A_705 = arith.addi %mul3A_2, %add3A_704 : i32
    %dma_start3A_706 = arith.constant 0 : i32
    %dma_start3A_707 = arith.constant 0 : i32
    %dma_start3A_708 = tpu.memref_slice %arg14[%dma_start3A_706, %dma_start3A_707] : memref<120x512xf32, #tpu.memory_space<vmem>> -> memref<120x512xf32, #tpu.memory_space<vmem>>
    %dma_start3A_709 = arith.constant 0 : i32
    %dma_start3A_710 = tpu.memref_slice %arg10[%add3A_705, %dma_start3A_709] : memref<65536x512xf32, #tpu.memory_space<hbm>> -> memref<120x512xf32, #tpu.memory_space<hbm>>
    %dma_start3A_711 = arith.constant 0 : i32
    %dma_start3A_712 = tpu.memref_slice %arg10[%add3A_705, %dma_start3A_711] : memref<65536x512xf32, #tpu.memory_space<hbm>> -> memref<120x512xf32, #tpu.memory_space<hbm>>
    %dma_start3A_713 = arith.constant 0 : i32
    %dma_start3A_714 = arith.constant 0 : i32
    %dma_start3A_715 = tpu.memref_slice %arg14[%dma_start3A_713, %dma_start3A_714] : memref<120x512xf32, #tpu.memory_space<vmem>> -> memref<120x512xf32, #tpu.memory_space<vmem>>
    tpu.enqueue_dma source(%dma_start3A_715 : memref<120x512xf32, #tpu.memory_space<vmem>>) target(%dma_start3A_712 : memref<120x512xf32, #tpu.memory_space<hbm>>) target_semaphore(%arg22 : memref<!tpu.dma_semaphore, #tpu.memory_space<semaphore_mem>>)
    %dma_wait3A_716 = arith.constant 0 : i32
    %dma_wait3A_717 = arith.constant 0 : i32
    %dma_wait3A_718 = tpu.memref_slice %arg14[%dma_wait3A_716, %dma_wait3A_717] : memref<120x512xf32, #tpu.memory_space<vmem>> -> memref<120x512xf32, #tpu.memory_space<vmem>>
    %dma_wait3A_719 = arith.constant 0 : i32
    %dma_wait3A_720 = tpu.memref_slice %arg10[%add3A_705, %dma_wait3A_719] : memref<65536x512xf32, #tpu.memory_space<hbm>> -> memref<120x512xf32, #tpu.memory_space<hbm>>
    %dma_wait3A_721 = arith.constant 0 : i32
    %dma_wait3A_722 = tpu.memref_slice %arg10[%add3A_705, %dma_wait3A_721] : memref<65536x512xf32, #tpu.memory_space<hbm>> -> memref<120x512xf32, #tpu.memory_space<hbm>>
    %dma_wait3A_723 = arith.constant 0 : i32
    %dma_wait3A_724 = arith.constant 0 : i32
    %dma_wait3A_725 = tpu.memref_slice %arg14[%dma_wait3A_723, %dma_wait3A_724] : memref<120x512xf32, #tpu.memory_space<vmem>> -> memref<120x512xf32, #tpu.memory_space<vmem>>
    tpu.wait_dma2 semaphore(%arg22 : memref<!tpu.dma_semaphore, #tpu.memory_space<semaphore_mem>>) src(%dma_wait3A_725 : memref<120x512xf32, #tpu.memory_space<vmem>>) dst(%dma_wait3A_722 : memref<120x512xf32, #tpu.memory_space<hbm>>)
    %add3A_726 = arith.constant 2040 : i32
    %add3A_727 = arith.addi %mul3A_2, %add3A_726 : i32
    %dma_start3A_728 = arith.constant 0 : i32
    %dma_start3A_729 = arith.constant 0 : i32
    %dma_start3A_730 = tpu.memref_slice %arg14[%dma_start3A_728, %dma_start3A_729] : memref<120x512xf32, #tpu.memory_space<vmem>> -> memref<120x512xf32, #tpu.memory_space<vmem>>
    %dma_start3A_731 = arith.constant 0 : i32
    %dma_start3A_732 = tpu.memref_slice %arg7[%add3A_727, %dma_start3A_731] : memref<65536x512xf32, #tpu.memory_space<hbm>> -> memref<120x512xf32, #tpu.memory_space<hbm>>
    %dma_start3A_733 = arith.constant 0 : i32
    %dma_start3A_734 = arith.constant 0 : i32
    %dma_start3A_735 = tpu.memref_slice %arg14[%dma_start3A_733, %dma_start3A_734] : memref<120x512xf32, #tpu.memory_space<vmem>> -> memref<120x512xf32, #tpu.memory_space<vmem>>
    %dma_start3A_736 = arith.constant 0 : i32
    %dma_start3A_737 = tpu.memref_slice %arg7[%add3A_727, %dma_start3A_736] : memref<65536x512xf32, #tpu.memory_space<hbm>> -> memref<120x512xf32, #tpu.memory_space<hbm>>
    tpu.enqueue_dma source(%dma_start3A_737 : memref<120x512xf32, #tpu.memory_space<hbm>>) target(%dma_start3A_735 : memref<120x512xf32, #tpu.memory_space<vmem>>) target_semaphore(%arg20 : memref<!tpu.dma_semaphore, #tpu.memory_space<semaphore_mem>>)
    %dma_wait3A_738 = arith.constant 0 : i32
    %dma_wait3A_739 = arith.constant 0 : i32
    %dma_wait3A_740 = tpu.memref_slice %arg13[%dma_wait3A_738, %dma_wait3A_739] : memref<120x512xf32, #tpu.memory_space<vmem>> -> memref<120x512xf32, #tpu.memory_space<vmem>>
    %dma_wait3A_741 = arith.constant 0 : i32
    %dma_wait3A_742 = tpu.memref_slice %arg7[%add3A_683, %dma_wait3A_741] : memref<65536x512xf32, #tpu.memory_space<hbm>> -> memref<120x512xf32, #tpu.memory_space<hbm>>
    %dma_wait3A_743 = arith.constant 0 : i32
    %dma_wait3A_744 = arith.constant 0 : i32
    %dma_wait3A_745 = tpu.memref_slice %arg13[%dma_wait3A_743, %dma_wait3A_744] : memref<120x512xf32, #tpu.memory_space<vmem>> -> memref<120x512xf32, #tpu.memory_space<vmem>>
    %dma_wait3A_746 = arith.constant 0 : i32
    %dma_wait3A_747 = tpu.memref_slice %arg7[%add3A_683, %dma_wait3A_746] : memref<65536x512xf32, #tpu.memory_space<hbm>> -> memref<120x512xf32, #tpu.memory_space<hbm>>
    tpu.wait_dma2 semaphore(%arg19 : memref<!tpu.dma_semaphore, #tpu.memory_space<semaphore_mem>>) src(%dma_wait3A_747 : memref<120x512xf32, #tpu.memory_space<hbm>>) dst(%dma_wait3A_745 : memref<120x512xf32, #tpu.memory_space<vmem>>)
    %add3A_748 = arith.constant 1920 : i32
    %add3A_749 = arith.addi %mul3A_2, %add3A_748 : i32
    %dma_start3A_750 = arith.constant 0 : i32
    %dma_start3A_751 = arith.constant 0 : i32
    %dma_start3A_752 = tpu.memref_slice %arg13[%dma_start3A_750, %dma_start3A_751] : memref<120x512xf32, #tpu.memory_space<vmem>> -> memref<120x512xf32, #tpu.memory_space<vmem>>
    %dma_start3A_753 = arith.constant 0 : i32
    %dma_start3A_754 = tpu.memref_slice %arg10[%add3A_749, %dma_start3A_753] : memref<65536x512xf32, #tpu.memory_space<hbm>> -> memref<120x512xf32, #tpu.memory_space<hbm>>
    %dma_start3A_755 = arith.constant 0 : i32
    %dma_start3A_756 = tpu.memref_slice %arg10[%add3A_749, %dma_start3A_755] : memref<65536x512xf32, #tpu.memory_space<hbm>> -> memref<120x512xf32, #tpu.memory_space<hbm>>
    %dma_start3A_757 = arith.constant 0 : i32
    %dma_start3A_758 = arith.constant 0 : i32
    %dma_start3A_759 = tpu.memref_slice %arg13[%dma_start3A_757, %dma_start3A_758] : memref<120x512xf32, #tpu.memory_space<vmem>> -> memref<120x512xf32, #tpu.memory_space<vmem>>
    tpu.enqueue_dma source(%dma_start3A_759 : memref<120x512xf32, #tpu.memory_space<vmem>>) target(%dma_start3A_756 : memref<120x512xf32, #tpu.memory_space<hbm>>) target_semaphore(%arg21 : memref<!tpu.dma_semaphore, #tpu.memory_space<semaphore_mem>>)
    %dma_wait3A_760 = arith.constant 0 : i32
    %dma_wait3A_761 = arith.constant 0 : i32
    %dma_wait3A_762 = tpu.memref_slice %arg13[%dma_wait3A_760, %dma_wait3A_761] : memref<120x512xf32, #tpu.memory_space<vmem>> -> memref<120x512xf32, #tpu.memory_space<vmem>>
    %dma_wait3A_763 = arith.constant 0 : i32
    %dma_wait3A_764 = tpu.memref_slice %arg10[%add3A_749, %dma_wait3A_763] : memref<65536x512xf32, #tpu.memory_space<hbm>> -> memref<120x512xf32, #tpu.memory_space<hbm>>
    %dma_wait3A_765 = arith.constant 0 : i32
    %dma_wait3A_766 = tpu.memref_slice %arg10[%add3A_749, %dma_wait3A_765] : memref<65536x512xf32, #tpu.memory_space<hbm>> -> memref<120x512xf32, #tpu.memory_space<hbm>>
    %dma_wait3A_767 = arith.constant 0 : i32
    %dma_wait3A_768 = arith.constant 0 : i32
    %dma_wait3A_769 = tpu.memref_slice %arg13[%dma_wait3A_767, %dma_wait3A_768] : memref<120x512xf32, #tpu.memory_space<vmem>> -> memref<120x512xf32, #tpu.memory_space<vmem>>
    tpu.wait_dma2 semaphore(%arg21 : memref<!tpu.dma_semaphore, #tpu.memory_space<semaphore_mem>>) src(%dma_wait3A_769 : memref<120x512xf32, #tpu.memory_space<vmem>>) dst(%dma_wait3A_766 : memref<120x512xf32, #tpu.memory_space<hbm>>)
    %add3A_770 = arith.constant 2160 : i32
    %add3A_771 = arith.addi %mul3A_2, %add3A_770 : i32
    %dma_start3A_772 = arith.constant 0 : i32
    %dma_start3A_773 = arith.constant 0 : i32
    %dma_start3A_774 = tpu.memref_slice %arg13[%dma_start3A_772, %dma_start3A_773] : memref<120x512xf32, #tpu.memory_space<vmem>> -> memref<120x512xf32, #tpu.memory_space<vmem>>
    %dma_start3A_775 = arith.constant 0 : i32
    %dma_start3A_776 = tpu.memref_slice %arg7[%add3A_771, %dma_start3A_775] : memref<65536x512xf32, #tpu.memory_space<hbm>> -> memref<120x512xf32, #tpu.memory_space<hbm>>
    %dma_start3A_777 = arith.constant 0 : i32
    %dma_start3A_778 = arith.constant 0 : i32
    %dma_start3A_779 = tpu.memref_slice %arg13[%dma_start3A_777, %dma_start3A_778] : memref<120x512xf32, #tpu.memory_space<vmem>> -> memref<120x512xf32, #tpu.memory_space<vmem>>
    %dma_start3A_780 = arith.constant 0 : i32
    %dma_start3A_781 = tpu.memref_slice %arg7[%add3A_771, %dma_start3A_780] : memref<65536x512xf32, #tpu.memory_space<hbm>> -> memref<120x512xf32, #tpu.memory_space<hbm>>
    tpu.enqueue_dma source(%dma_start3A_781 : memref<120x512xf32, #tpu.memory_space<hbm>>) target(%dma_start3A_779 : memref<120x512xf32, #tpu.memory_space<vmem>>) target_semaphore(%arg19 : memref<!tpu.dma_semaphore, #tpu.memory_space<semaphore_mem>>)
    %dma_wait3A_782 = arith.constant 0 : i32
    %dma_wait3A_783 = arith.constant 0 : i32
    %dma_wait3A_784 = tpu.memref_slice %arg14[%dma_wait3A_782, %dma_wait3A_783] : memref<120x512xf32, #tpu.memory_space<vmem>> -> memref<120x512xf32, #tpu.memory_space<vmem>>
    %dma_wait3A_785 = arith.constant 0 : i32
    %dma_wait3A_786 = tpu.memref_slice %arg7[%add3A_727, %dma_wait3A_785] : memref<65536x512xf32, #tpu.memory_space<hbm>> -> memref<120x512xf32, #tpu.memory_space<hbm>>
    %dma_wait3A_787 = arith.constant 0 : i32
    %dma_wait3A_788 = arith.constant 0 : i32
    %dma_wait3A_789 = tpu.memref_slice %arg14[%dma_wait3A_787, %dma_wait3A_788] : memref<120x512xf32, #tpu.memory_space<vmem>> -> memref<120x512xf32, #tpu.memory_space<vmem>>
    %dma_wait3A_790 = arith.constant 0 : i32
    %dma_wait3A_791 = tpu.memref_slice %arg7[%add3A_727, %dma_wait3A_790] : memref<65536x512xf32, #tpu.memory_space<hbm>> -> memref<120x512xf32, #tpu.memory_space<hbm>>
    tpu.wait_dma2 semaphore(%arg20 : memref<!tpu.dma_semaphore, #tpu.memory_space<semaphore_mem>>) src(%dma_wait3A_791 : memref<120x512xf32, #tpu.memory_space<hbm>>) dst(%dma_wait3A_789 : memref<120x512xf32, #tpu.memory_space<vmem>>)
    %add3A_792 = arith.constant 2040 : i32
    %add3A_793 = arith.addi %mul3A_2, %add3A_792 : i32
    %dma_start3A_794 = arith.constant 0 : i32
    %dma_start3A_795 = arith.constant 0 : i32
    %dma_start3A_796 = tpu.memref_slice %arg14[%dma_start3A_794, %dma_start3A_795] : memref<120x512xf32, #tpu.memory_space<vmem>> -> memref<120x512xf32, #tpu.memory_space<vmem>>
    %dma_start3A_797 = arith.constant 0 : i32
    %dma_start3A_798 = tpu.memref_slice %arg10[%add3A_793, %dma_start3A_797] : memref<65536x512xf32, #tpu.memory_space<hbm>> -> memref<120x512xf32, #tpu.memory_space<hbm>>
    %dma_start3A_799 = arith.constant 0 : i32
    %dma_start3A_800 = tpu.memref_slice %arg10[%add3A_793, %dma_start3A_799] : memref<65536x512xf32, #tpu.memory_space<hbm>> -> memref<120x512xf32, #tpu.memory_space<hbm>>
    %dma_start3A_801 = arith.constant 0 : i32
    %dma_start3A_802 = arith.constant 0 : i32
    %dma_start3A_803 = tpu.memref_slice %arg14[%dma_start3A_801, %dma_start3A_802] : memref<120x512xf32, #tpu.memory_space<vmem>> -> memref<120x512xf32, #tpu.memory_space<vmem>>
    tpu.enqueue_dma source(%dma_start3A_803 : memref<120x512xf32, #tpu.memory_space<vmem>>) target(%dma_start3A_800 : memref<120x512xf32, #tpu.memory_space<hbm>>) target_semaphore(%arg22 : memref<!tpu.dma_semaphore, #tpu.memory_space<semaphore_mem>>)
    %dma_wait3A_804 = arith.constant 0 : i32
    %dma_wait3A_805 = arith.constant 0 : i32
    %dma_wait3A_806 = tpu.memref_slice %arg14[%dma_wait3A_804, %dma_wait3A_805] : memref<120x512xf32, #tpu.memory_space<vmem>> -> memref<120x512xf32, #tpu.memory_space<vmem>>
    %dma_wait3A_807 = arith.constant 0 : i32
    %dma_wait3A_808 = tpu.memref_slice %arg10[%add3A_793, %dma_wait3A_807] : memref<65536x512xf32, #tpu.memory_space<hbm>> -> memref<120x512xf32, #tpu.memory_space<hbm>>
    %dma_wait3A_809 = arith.constant 0 : i32
    %dma_wait3A_810 = tpu.memref_slice %arg10[%add3A_793, %dma_wait3A_809] : memref<65536x512xf32, #tpu.memory_space<hbm>> -> memref<120x512xf32, #tpu.memory_space<hbm>>
    %dma_wait3A_811 = arith.constant 0 : i32
    %dma_wait3A_812 = arith.constant 0 : i32
    %dma_wait3A_813 = tpu.memref_slice %arg14[%dma_wait3A_811, %dma_wait3A_812] : memref<120x512xf32, #tpu.memory_space<vmem>> -> memref<120x512xf32, #tpu.memory_space<vmem>>
    tpu.wait_dma2 semaphore(%arg22 : memref<!tpu.dma_semaphore, #tpu.memory_space<semaphore_mem>>) src(%dma_wait3A_813 : memref<120x512xf32, #tpu.memory_space<vmem>>) dst(%dma_wait3A_810 : memref<120x512xf32, #tpu.memory_space<hbm>>)
    %add3A_814 = arith.constant 2280 : i32
    %add3A_815 = arith.addi %mul3A_2, %add3A_814 : i32
    %dma_start3A_816 = arith.constant 0 : i32
    %dma_start3A_817 = arith.constant 0 : i32
    %dma_start3A_818 = tpu.memref_slice %arg14[%dma_start3A_816, %dma_start3A_817] : memref<120x512xf32, #tpu.memory_space<vmem>> -> memref<120x512xf32, #tpu.memory_space<vmem>>
    %dma_start3A_819 = arith.constant 0 : i32
    %dma_start3A_820 = tpu.memref_slice %arg7[%add3A_815, %dma_start3A_819] : memref<65536x512xf32, #tpu.memory_space<hbm>> -> memref<120x512xf32, #tpu.memory_space<hbm>>
    %dma_start3A_821 = arith.constant 0 : i32
    %dma_start3A_822 = arith.constant 0 : i32
    %dma_start3A_823 = tpu.memref_slice %arg14[%dma_start3A_821, %dma_start3A_822] : memref<120x512xf32, #tpu.memory_space<vmem>> -> memref<120x512xf32, #tpu.memory_space<vmem>>
    %dma_start3A_824 = arith.constant 0 : i32
    %dma_start3A_825 = tpu.memref_slice %arg7[%add3A_815, %dma_start3A_824] : memref<65536x512xf32, #tpu.memory_space<hbm>> -> memref<120x512xf32, #tpu.memory_space<hbm>>
    tpu.enqueue_dma source(%dma_start3A_825 : memref<120x512xf32, #tpu.memory_space<hbm>>) target(%dma_start3A_823 : memref<120x512xf32, #tpu.memory_space<vmem>>) target_semaphore(%arg20 : memref<!tpu.dma_semaphore, #tpu.memory_space<semaphore_mem>>)
    %dma_wait3A_826 = arith.constant 0 : i32
    %dma_wait3A_827 = arith.constant 0 : i32
    %dma_wait3A_828 = tpu.memref_slice %arg13[%dma_wait3A_826, %dma_wait3A_827] : memref<120x512xf32, #tpu.memory_space<vmem>> -> memref<120x512xf32, #tpu.memory_space<vmem>>
    %dma_wait3A_829 = arith.constant 0 : i32
    %dma_wait3A_830 = tpu.memref_slice %arg7[%add3A_771, %dma_wait3A_829] : memref<65536x512xf32, #tpu.memory_space<hbm>> -> memref<120x512xf32, #tpu.memory_space<hbm>>
    %dma_wait3A_831 = arith.constant 0 : i32
    %dma_wait3A_832 = arith.constant 0 : i32
    %dma_wait3A_833 = tpu.memref_slice %arg13[%dma_wait3A_831, %dma_wait3A_832] : memref<120x512xf32, #tpu.memory_space<vmem>> -> memref<120x512xf32, #tpu.memory_space<vmem>>
    %dma_wait3A_834 = arith.constant 0 : i32
    %dma_wait3A_835 = tpu.memref_slice %arg7[%add3A_771, %dma_wait3A_834] : memref<65536x512xf32, #tpu.memory_space<hbm>> -> memref<120x512xf32, #tpu.memory_space<hbm>>
    tpu.wait_dma2 semaphore(%arg19 : memref<!tpu.dma_semaphore, #tpu.memory_space<semaphore_mem>>) src(%dma_wait3A_835 : memref<120x512xf32, #tpu.memory_space<hbm>>) dst(%dma_wait3A_833 : memref<120x512xf32, #tpu.memory_space<vmem>>)
    %add3A_836 = arith.constant 2160 : i32
    %add3A_837 = arith.addi %mul3A_2, %add3A_836 : i32
    %dma_start3A_838 = arith.constant 0 : i32
    %dma_start3A_839 = arith.constant 0 : i32
    %dma_start3A_840 = tpu.memref_slice %arg13[%dma_start3A_838, %dma_start3A_839] : memref<120x512xf32, #tpu.memory_space<vmem>> -> memref<120x512xf32, #tpu.memory_space<vmem>>
    %dma_start3A_841 = arith.constant 0 : i32
    %dma_start3A_842 = tpu.memref_slice %arg10[%add3A_837, %dma_start3A_841] : memref<65536x512xf32, #tpu.memory_space<hbm>> -> memref<120x512xf32, #tpu.memory_space<hbm>>
    %dma_start3A_843 = arith.constant 0 : i32
    %dma_start3A_844 = tpu.memref_slice %arg10[%add3A_837, %dma_start3A_843] : memref<65536x512xf32, #tpu.memory_space<hbm>> -> memref<120x512xf32, #tpu.memory_space<hbm>>
    %dma_start3A_845 = arith.constant 0 : i32
    %dma_start3A_846 = arith.constant 0 : i32
    %dma_start3A_847 = tpu.memref_slice %arg13[%dma_start3A_845, %dma_start3A_846] : memref<120x512xf32, #tpu.memory_space<vmem>> -> memref<120x512xf32, #tpu.memory_space<vmem>>
    tpu.enqueue_dma source(%dma_start3A_847 : memref<120x512xf32, #tpu.memory_space<vmem>>) target(%dma_start3A_844 : memref<120x512xf32, #tpu.memory_space<hbm>>) target_semaphore(%arg21 : memref<!tpu.dma_semaphore, #tpu.memory_space<semaphore_mem>>)
    %dma_wait3A_848 = arith.constant 0 : i32
    %dma_wait3A_849 = arith.constant 0 : i32
    %dma_wait3A_850 = tpu.memref_slice %arg13[%dma_wait3A_848, %dma_wait3A_849] : memref<120x512xf32, #tpu.memory_space<vmem>> -> memref<120x512xf32, #tpu.memory_space<vmem>>
    %dma_wait3A_851 = arith.constant 0 : i32
    %dma_wait3A_852 = tpu.memref_slice %arg10[%add3A_837, %dma_wait3A_851] : memref<65536x512xf32, #tpu.memory_space<hbm>> -> memref<120x512xf32, #tpu.memory_space<hbm>>
    %dma_wait3A_853 = arith.constant 0 : i32
    %dma_wait3A_854 = tpu.memref_slice %arg10[%add3A_837, %dma_wait3A_853] : memref<65536x512xf32, #tpu.memory_space<hbm>> -> memref<120x512xf32, #tpu.memory_space<hbm>>
    %dma_wait3A_855 = arith.constant 0 : i32
    %dma_wait3A_856 = arith.constant 0 : i32
    %dma_wait3A_857 = tpu.memref_slice %arg13[%dma_wait3A_855, %dma_wait3A_856] : memref<120x512xf32, #tpu.memory_space<vmem>> -> memref<120x512xf32, #tpu.memory_space<vmem>>
    tpu.wait_dma2 semaphore(%arg21 : memref<!tpu.dma_semaphore, #tpu.memory_space<semaphore_mem>>) src(%dma_wait3A_857 : memref<120x512xf32, #tpu.memory_space<vmem>>) dst(%dma_wait3A_854 : memref<120x512xf32, #tpu.memory_space<hbm>>)
    %add3A_858 = arith.constant 2400 : i32
    %add3A_859 = arith.addi %mul3A_2, %add3A_858 : i32
    %dma_start3A_860 = arith.constant 0 : i32
    %dma_start3A_861 = arith.constant 0 : i32
    %dma_start3A_862 = tpu.memref_slice %arg13[%dma_start3A_860, %dma_start3A_861] : memref<120x512xf32, #tpu.memory_space<vmem>> -> memref<120x512xf32, #tpu.memory_space<vmem>>
    %dma_start3A_863 = arith.constant 0 : i32
    %dma_start3A_864 = tpu.memref_slice %arg7[%add3A_859, %dma_start3A_863] : memref<65536x512xf32, #tpu.memory_space<hbm>> -> memref<120x512xf32, #tpu.memory_space<hbm>>
    %dma_start3A_865 = arith.constant 0 : i32
    %dma_start3A_866 = arith.constant 0 : i32
    %dma_start3A_867 = tpu.memref_slice %arg13[%dma_start3A_865, %dma_start3A_866] : memref<120x512xf32, #tpu.memory_space<vmem>> -> memref<120x512xf32, #tpu.memory_space<vmem>>
    %dma_start3A_868 = arith.constant 0 : i32
    %dma_start3A_869 = tpu.memref_slice %arg7[%add3A_859, %dma_start3A_868] : memref<65536x512xf32, #tpu.memory_space<hbm>> -> memref<120x512xf32, #tpu.memory_space<hbm>>
    tpu.enqueue_dma source(%dma_start3A_869 : memref<120x512xf32, #tpu.memory_space<hbm>>) target(%dma_start3A_867 : memref<120x512xf32, #tpu.memory_space<vmem>>) target_semaphore(%arg19 : memref<!tpu.dma_semaphore, #tpu.memory_space<semaphore_mem>>)
    %dma_wait3A_870 = arith.constant 0 : i32
    %dma_wait3A_871 = arith.constant 0 : i32
    %dma_wait3A_872 = tpu.memref_slice %arg14[%dma_wait3A_870, %dma_wait3A_871] : memref<120x512xf32, #tpu.memory_space<vmem>> -> memref<120x512xf32, #tpu.memory_space<vmem>>
    %dma_wait3A_873 = arith.constant 0 : i32
    %dma_wait3A_874 = tpu.memref_slice %arg7[%add3A_815, %dma_wait3A_873] : memref<65536x512xf32, #tpu.memory_space<hbm>> -> memref<120x512xf32, #tpu.memory_space<hbm>>
    %dma_wait3A_875 = arith.constant 0 : i32
    %dma_wait3A_876 = arith.constant 0 : i32
    %dma_wait3A_877 = tpu.memref_slice %arg14[%dma_wait3A_875, %dma_wait3A_876] : memref<120x512xf32, #tpu.memory_space<vmem>> -> memref<120x512xf32, #tpu.memory_space<vmem>>
    %dma_wait3A_878 = arith.constant 0 : i32
    %dma_wait3A_879 = tpu.memref_slice %arg7[%add3A_815, %dma_wait3A_878] : memref<65536x512xf32, #tpu.memory_space<hbm>> -> memref<120x512xf32, #tpu.memory_space<hbm>>
    tpu.wait_dma2 semaphore(%arg20 : memref<!tpu.dma_semaphore, #tpu.memory_space<semaphore_mem>>) src(%dma_wait3A_879 : memref<120x512xf32, #tpu.memory_space<hbm>>) dst(%dma_wait3A_877 : memref<120x512xf32, #tpu.memory_space<vmem>>)
    %add3A_880 = arith.constant 2280 : i32
    %add3A_881 = arith.addi %mul3A_2, %add3A_880 : i32
    %dma_start3A_882 = arith.constant 0 : i32
    %dma_start3A_883 = arith.constant 0 : i32
    %dma_start3A_884 = tpu.memref_slice %arg14[%dma_start3A_882, %dma_start3A_883] : memref<120x512xf32, #tpu.memory_space<vmem>> -> memref<120x512xf32, #tpu.memory_space<vmem>>
    %dma_start3A_885 = arith.constant 0 : i32
    %dma_start3A_886 = tpu.memref_slice %arg10[%add3A_881, %dma_start3A_885] : memref<65536x512xf32, #tpu.memory_space<hbm>> -> memref<120x512xf32, #tpu.memory_space<hbm>>
    %dma_start3A_887 = arith.constant 0 : i32
    %dma_start3A_888 = tpu.memref_slice %arg10[%add3A_881, %dma_start3A_887] : memref<65536x512xf32, #tpu.memory_space<hbm>> -> memref<120x512xf32, #tpu.memory_space<hbm>>
    %dma_start3A_889 = arith.constant 0 : i32
    %dma_start3A_890 = arith.constant 0 : i32
    %dma_start3A_891 = tpu.memref_slice %arg14[%dma_start3A_889, %dma_start3A_890] : memref<120x512xf32, #tpu.memory_space<vmem>> -> memref<120x512xf32, #tpu.memory_space<vmem>>
    tpu.enqueue_dma source(%dma_start3A_891 : memref<120x512xf32, #tpu.memory_space<vmem>>) target(%dma_start3A_888 : memref<120x512xf32, #tpu.memory_space<hbm>>) target_semaphore(%arg22 : memref<!tpu.dma_semaphore, #tpu.memory_space<semaphore_mem>>)
    %dma_wait3A_892 = arith.constant 0 : i32
    %dma_wait3A_893 = arith.constant 0 : i32
    %dma_wait3A_894 = tpu.memref_slice %arg14[%dma_wait3A_892, %dma_wait3A_893] : memref<120x512xf32, #tpu.memory_space<vmem>> -> memref<120x512xf32, #tpu.memory_space<vmem>>
    %dma_wait3A_895 = arith.constant 0 : i32
    %dma_wait3A_896 = tpu.memref_slice %arg10[%add3A_881, %dma_wait3A_895] : memref<65536x512xf32, #tpu.memory_space<hbm>> -> memref<120x512xf32, #tpu.memory_space<hbm>>
    %dma_wait3A_897 = arith.constant 0 : i32
    %dma_wait3A_898 = tpu.memref_slice %arg10[%add3A_881, %dma_wait3A_897] : memref<65536x512xf32, #tpu.memory_space<hbm>> -> memref<120x512xf32, #tpu.memory_space<hbm>>
    %dma_wait3A_899 = arith.constant 0 : i32
    %dma_wait3A_900 = arith.constant 0 : i32
    %dma_wait3A_901 = tpu.memref_slice %arg14[%dma_wait3A_899, %dma_wait3A_900] : memref<120x512xf32, #tpu.memory_space<vmem>> -> memref<120x512xf32, #tpu.memory_space<vmem>>
    tpu.wait_dma2 semaphore(%arg22 : memref<!tpu.dma_semaphore, #tpu.memory_space<semaphore_mem>>) src(%dma_wait3A_901 : memref<120x512xf32, #tpu.memory_space<vmem>>) dst(%dma_wait3A_898 : memref<120x512xf32, #tpu.memory_space<hbm>>)
    %add3A_902 = arith.constant 2520 : i32
    %add3A_903 = arith.addi %mul3A_2, %add3A_902 : i32
    %dma_start3A_904 = arith.constant 0 : i32
    %dma_start3A_905 = arith.constant 0 : i32
    %dma_start3A_906 = tpu.memref_slice %arg14[%dma_start3A_904, %dma_start3A_905] : memref<120x512xf32, #tpu.memory_space<vmem>> -> memref<120x512xf32, #tpu.memory_space<vmem>>
    %dma_start3A_907 = arith.constant 0 : i32
    %dma_start3A_908 = tpu.memref_slice %arg7[%add3A_903, %dma_start3A_907] : memref<65536x512xf32, #tpu.memory_space<hbm>> -> memref<120x512xf32, #tpu.memory_space<hbm>>
    %dma_start3A_909 = arith.constant 0 : i32
    %dma_start3A_910 = arith.constant 0 : i32
    %dma_start3A_911 = tpu.memref_slice %arg14[%dma_start3A_909, %dma_start3A_910] : memref<120x512xf32, #tpu.memory_space<vmem>> -> memref<120x512xf32, #tpu.memory_space<vmem>>
    %dma_start3A_912 = arith.constant 0 : i32
    %dma_start3A_913 = tpu.memref_slice %arg7[%add3A_903, %dma_start3A_912] : memref<65536x512xf32, #tpu.memory_space<hbm>> -> memref<120x512xf32, #tpu.memory_space<hbm>>
    tpu.enqueue_dma source(%dma_start3A_913 : memref<120x512xf32, #tpu.memory_space<hbm>>) target(%dma_start3A_911 : memref<120x512xf32, #tpu.memory_space<vmem>>) target_semaphore(%arg20 : memref<!tpu.dma_semaphore, #tpu.memory_space<semaphore_mem>>)
    %dma_wait3A_914 = arith.constant 0 : i32
    %dma_wait3A_915 = arith.constant 0 : i32
    %dma_wait3A_916 = tpu.memref_slice %arg13[%dma_wait3A_914, %dma_wait3A_915] : memref<120x512xf32, #tpu.memory_space<vmem>> -> memref<120x512xf32, #tpu.memory_space<vmem>>
    %dma_wait3A_917 = arith.constant 0 : i32
    %dma_wait3A_918 = tpu.memref_slice %arg7[%add3A_859, %dma_wait3A_917] : memref<65536x512xf32, #tpu.memory_space<hbm>> -> memref<120x512xf32, #tpu.memory_space<hbm>>
    %dma_wait3A_919 = arith.constant 0 : i32
    %dma_wait3A_920 = arith.constant 0 : i32
    %dma_wait3A_921 = tpu.memref_slice %arg13[%dma_wait3A_919, %dma_wait3A_920] : memref<120x512xf32, #tpu.memory_space<vmem>> -> memref<120x512xf32, #tpu.memory_space<vmem>>
    %dma_wait3A_922 = arith.constant 0 : i32
    %dma_wait3A_923 = tpu.memref_slice %arg7[%add3A_859, %dma_wait3A_922] : memref<65536x512xf32, #tpu.memory_space<hbm>> -> memref<120x512xf32, #tpu.memory_space<hbm>>
    tpu.wait_dma2 semaphore(%arg19 : memref<!tpu.dma_semaphore, #tpu.memory_space<semaphore_mem>>) src(%dma_wait3A_923 : memref<120x512xf32, #tpu.memory_space<hbm>>) dst(%dma_wait3A_921 : memref<120x512xf32, #tpu.memory_space<vmem>>)
    %add3A_924 = arith.constant 2400 : i32
    %add3A_925 = arith.addi %mul3A_2, %add3A_924 : i32
    %dma_start3A_926 = arith.constant 0 : i32
    %dma_start3A_927 = arith.constant 0 : i32
    %dma_start3A_928 = tpu.memref_slice %arg13[%dma_start3A_926, %dma_start3A_927] : memref<120x512xf32, #tpu.memory_space<vmem>> -> memref<120x512xf32, #tpu.memory_space<vmem>>
    %dma_start3A_929 = arith.constant 0 : i32
    %dma_start3A_930 = tpu.memref_slice %arg10[%add3A_925, %dma_start3A_929] : memref<65536x512xf32, #tpu.memory_space<hbm>> -> memref<120x512xf32, #tpu.memory_space<hbm>>
    %dma_start3A_931 = arith.constant 0 : i32
    %dma_start3A_932 = tpu.memref_slice %arg10[%add3A_925, %dma_start3A_931] : memref<65536x512xf32, #tpu.memory_space<hbm>> -> memref<120x512xf32, #tpu.memory_space<hbm>>
    %dma_start3A_933 = arith.constant 0 : i32
    %dma_start3A_934 = arith.constant 0 : i32
    %dma_start3A_935 = tpu.memref_slice %arg13[%dma_start3A_933, %dma_start3A_934] : memref<120x512xf32, #tpu.memory_space<vmem>> -> memref<120x512xf32, #tpu.memory_space<vmem>>
    tpu.enqueue_dma source(%dma_start3A_935 : memref<120x512xf32, #tpu.memory_space<vmem>>) target(%dma_start3A_932 : memref<120x512xf32, #tpu.memory_space<hbm>>) target_semaphore(%arg21 : memref<!tpu.dma_semaphore, #tpu.memory_space<semaphore_mem>>)
    %dma_wait3A_936 = arith.constant 0 : i32
    %dma_wait3A_937 = arith.constant 0 : i32
    %dma_wait3A_938 = tpu.memref_slice %arg13[%dma_wait3A_936, %dma_wait3A_937] : memref<120x512xf32, #tpu.memory_space<vmem>> -> memref<120x512xf32, #tpu.memory_space<vmem>>
    %dma_wait3A_939 = arith.constant 0 : i32
    %dma_wait3A_940 = tpu.memref_slice %arg10[%add3A_925, %dma_wait3A_939] : memref<65536x512xf32, #tpu.memory_space<hbm>> -> memref<120x512xf32, #tpu.memory_space<hbm>>
    %dma_wait3A_941 = arith.constant 0 : i32
    %dma_wait3A_942 = tpu.memref_slice %arg10[%add3A_925, %dma_wait3A_941] : memref<65536x512xf32, #tpu.memory_space<hbm>> -> memref<120x512xf32, #tpu.memory_space<hbm>>
    %dma_wait3A_943 = arith.constant 0 : i32
    %dma_wait3A_944 = arith.constant 0 : i32
    %dma_wait3A_945 = tpu.memref_slice %arg13[%dma_wait3A_943, %dma_wait3A_944] : memref<120x512xf32, #tpu.memory_space<vmem>> -> memref<120x512xf32, #tpu.memory_space<vmem>>
    tpu.wait_dma2 semaphore(%arg21 : memref<!tpu.dma_semaphore, #tpu.memory_space<semaphore_mem>>) src(%dma_wait3A_945 : memref<120x512xf32, #tpu.memory_space<vmem>>) dst(%dma_wait3A_942 : memref<120x512xf32, #tpu.memory_space<hbm>>)
    %add3A_946 = arith.constant 2640 : i32
    %add3A_947 = arith.addi %mul3A_2, %add3A_946 : i32
    %dma_start3A_948 = arith.constant 0 : i32
    %dma_start3A_949 = arith.constant 0 : i32
    %dma_start3A_950 = tpu.memref_slice %arg13[%dma_start3A_948, %dma_start3A_949] : memref<120x512xf32, #tpu.memory_space<vmem>> -> memref<120x512xf32, #tpu.memory_space<vmem>>
    %dma_start3A_951 = arith.constant 0 : i32
    %dma_start3A_952 = tpu.memref_slice %arg7[%add3A_947, %dma_start3A_951] : memref<65536x512xf32, #tpu.memory_space<hbm>> -> memref<120x512xf32, #tpu.memory_space<hbm>>
    %dma_start3A_953 = arith.constant 0 : i32
    %dma_start3A_954 = arith.constant 0 : i32
    %dma_start3A_955 = tpu.memref_slice %arg13[%dma_start3A_953, %dma_start3A_954] : memref<120x512xf32, #tpu.memory_space<vmem>> -> memref<120x512xf32, #tpu.memory_space<vmem>>
    %dma_start3A_956 = arith.constant 0 : i32
    %dma_start3A_957 = tpu.memref_slice %arg7[%add3A_947, %dma_start3A_956] : memref<65536x512xf32, #tpu.memory_space<hbm>> -> memref<120x512xf32, #tpu.memory_space<hbm>>
    tpu.enqueue_dma source(%dma_start3A_957 : memref<120x512xf32, #tpu.memory_space<hbm>>) target(%dma_start3A_955 : memref<120x512xf32, #tpu.memory_space<vmem>>) target_semaphore(%arg19 : memref<!tpu.dma_semaphore, #tpu.memory_space<semaphore_mem>>)
    %dma_wait3A_958 = arith.constant 0 : i32
    %dma_wait3A_959 = arith.constant 0 : i32
    %dma_wait3A_960 = tpu.memref_slice %arg14[%dma_wait3A_958, %dma_wait3A_959] : memref<120x512xf32, #tpu.memory_space<vmem>> -> memref<120x512xf32, #tpu.memory_space<vmem>>
    %dma_wait3A_961 = arith.constant 0 : i32
    %dma_wait3A_962 = tpu.memref_slice %arg7[%add3A_903, %dma_wait3A_961] : memref<65536x512xf32, #tpu.memory_space<hbm>> -> memref<120x512xf32, #tpu.memory_space<hbm>>
    %dma_wait3A_963 = arith.constant 0 : i32
    %dma_wait3A_964 = arith.constant 0 : i32
    %dma_wait3A_965 = tpu.memref_slice %arg14[%dma_wait3A_963, %dma_wait3A_964] : memref<120x512xf32, #tpu.memory_space<vmem>> -> memref<120x512xf32, #tpu.memory_space<vmem>>
    %dma_wait3A_966 = arith.constant 0 : i32
    %dma_wait3A_967 = tpu.memref_slice %arg7[%add3A_903, %dma_wait3A_966] : memref<65536x512xf32, #tpu.memory_space<hbm>> -> memref<120x512xf32, #tpu.memory_space<hbm>>
    tpu.wait_dma2 semaphore(%arg20 : memref<!tpu.dma_semaphore, #tpu.memory_space<semaphore_mem>>) src(%dma_wait3A_967 : memref<120x512xf32, #tpu.memory_space<hbm>>) dst(%dma_wait3A_965 : memref<120x512xf32, #tpu.memory_space<vmem>>)
    %add3A_968 = arith.constant 2520 : i32
    %add3A_969 = arith.addi %mul3A_2, %add3A_968 : i32
    %dma_start3A_970 = arith.constant 0 : i32
    %dma_start3A_971 = arith.constant 0 : i32
    %dma_start3A_972 = tpu.memref_slice %arg14[%dma_start3A_970, %dma_start3A_971] : memref<120x512xf32, #tpu.memory_space<vmem>> -> memref<120x512xf32, #tpu.memory_space<vmem>>
    %dma_start3A_973 = arith.constant 0 : i32
    %dma_start3A_974 = tpu.memref_slice %arg10[%add3A_969, %dma_start3A_973] : memref<65536x512xf32, #tpu.memory_space<hbm>> -> memref<120x512xf32, #tpu.memory_space<hbm>>
    %dma_start3A_975 = arith.constant 0 : i32
    %dma_start3A_976 = tpu.memref_slice %arg10[%add3A_969, %dma_start3A_975] : memref<65536x512xf32, #tpu.memory_space<hbm>> -> memref<120x512xf32, #tpu.memory_space<hbm>>
    %dma_start3A_977 = arith.constant 0 : i32
    %dma_start3A_978 = arith.constant 0 : i32
    %dma_start3A_979 = tpu.memref_slice %arg14[%dma_start3A_977, %dma_start3A_978] : memref<120x512xf32, #tpu.memory_space<vmem>> -> memref<120x512xf32, #tpu.memory_space<vmem>>
    tpu.enqueue_dma source(%dma_start3A_979 : memref<120x512xf32, #tpu.memory_space<vmem>>) target(%dma_start3A_976 : memref<120x512xf32, #tpu.memory_space<hbm>>) target_semaphore(%arg22 : memref<!tpu.dma_semaphore, #tpu.memory_space<semaphore_mem>>)
    %dma_wait3A_980 = arith.constant 0 : i32
    %dma_wait3A_981 = arith.constant 0 : i32
    %dma_wait3A_982 = tpu.memref_slice %arg14[%dma_wait3A_980, %dma_wait3A_981] : memref<120x512xf32, #tpu.memory_space<vmem>> -> memref<120x512xf32, #tpu.memory_space<vmem>>
    %dma_wait3A_983 = arith.constant 0 : i32
    %dma_wait3A_984 = tpu.memref_slice %arg10[%add3A_969, %dma_wait3A_983] : memref<65536x512xf32, #tpu.memory_space<hbm>> -> memref<120x512xf32, #tpu.memory_space<hbm>>
    %dma_wait3A_985 = arith.constant 0 : i32
    %dma_wait3A_986 = tpu.memref_slice %arg10[%add3A_969, %dma_wait3A_985] : memref<65536x512xf32, #tpu.memory_space<hbm>> -> memref<120x512xf32, #tpu.memory_space<hbm>>
    %dma_wait3A_987 = arith.constant 0 : i32
    %dma_wait3A_988 = arith.constant 0 : i32
    %dma_wait3A_989 = tpu.memref_slice %arg14[%dma_wait3A_987, %dma_wait3A_988] : memref<120x512xf32, #tpu.memory_space<vmem>> -> memref<120x512xf32, #tpu.memory_space<vmem>>
    tpu.wait_dma2 semaphore(%arg22 : memref<!tpu.dma_semaphore, #tpu.memory_space<semaphore_mem>>) src(%dma_wait3A_989 : memref<120x512xf32, #tpu.memory_space<vmem>>) dst(%dma_wait3A_986 : memref<120x512xf32, #tpu.memory_space<hbm>>)
    %add3A_990 = arith.constant 2760 : i32
    %add3A_991 = arith.addi %mul3A_2, %add3A_990 : i32
    %dma_start3A_992 = arith.constant 0 : i32
    %dma_start3A_993 = arith.constant 0 : i32
    %dma_start3A_994 = tpu.memref_slice %arg14[%dma_start3A_992, %dma_start3A_993] : memref<120x512xf32, #tpu.memory_space<vmem>> -> memref<120x512xf32, #tpu.memory_space<vmem>>
    %dma_start3A_995 = arith.constant 0 : i32
    %dma_start3A_996 = tpu.memref_slice %arg7[%add3A_991, %dma_start3A_995] : memref<65536x512xf32, #tpu.memory_space<hbm>> -> memref<120x512xf32, #tpu.memory_space<hbm>>
    %dma_start3A_997 = arith.constant 0 : i32
    %dma_start3A_998 = arith.constant 0 : i32
    %dma_start3A_999 = tpu.memref_slice %arg14[%dma_start3A_997, %dma_start3A_998] : memref<120x512xf32, #tpu.memory_space<vmem>> -> memref<120x512xf32, #tpu.memory_space<vmem>>
    %dma_start3A_1000 = arith.constant 0 : i32
    %dma_start3A_1001 = tpu.memref_slice %arg7[%add3A_991, %dma_start3A_1000] : memref<65536x512xf32, #tpu.memory_space<hbm>> -> memref<120x512xf32, #tpu.memory_space<hbm>>
    tpu.enqueue_dma source(%dma_start3A_1001 : memref<120x512xf32, #tpu.memory_space<hbm>>) target(%dma_start3A_999 : memref<120x512xf32, #tpu.memory_space<vmem>>) target_semaphore(%arg20 : memref<!tpu.dma_semaphore, #tpu.memory_space<semaphore_mem>>)
    %dma_wait3A_1002 = arith.constant 0 : i32
    %dma_wait3A_1003 = arith.constant 0 : i32
    %dma_wait3A_1004 = tpu.memref_slice %arg13[%dma_wait3A_1002, %dma_wait3A_1003] : memref<120x512xf32, #tpu.memory_space<vmem>> -> memref<120x512xf32, #tpu.memory_space<vmem>>
    %dma_wait3A_1005 = arith.constant 0 : i32
    %dma_wait3A_1006 = tpu.memref_slice %arg7[%add3A_947, %dma_wait3A_1005] : memref<65536x512xf32, #tpu.memory_space<hbm>> -> memref<120x512xf32, #tpu.memory_space<hbm>>
    %dma_wait3A_1007 = arith.constant 0 : i32
    %dma_wait3A_1008 = arith.constant 0 : i32
    %dma_wait3A_1009 = tpu.memref_slice %arg13[%dma_wait3A_1007, %dma_wait3A_1008] : memref<120x512xf32, #tpu.memory_space<vmem>> -> memref<120x512xf32, #tpu.memory_space<vmem>>
    %dma_wait3A_1010 = arith.constant 0 : i32
    %dma_wait3A_1011 = tpu.memref_slice %arg7[%add3A_947, %dma_wait3A_1010] : memref<65536x512xf32, #tpu.memory_space<hbm>> -> memref<120x512xf32, #tpu.memory_space<hbm>>
    tpu.wait_dma2 semaphore(%arg19 : memref<!tpu.dma_semaphore, #tpu.memory_space<semaphore_mem>>) src(%dma_wait3A_1011 : memref<120x512xf32, #tpu.memory_space<hbm>>) dst(%dma_wait3A_1009 : memref<120x512xf32, #tpu.memory_space<vmem>>)
    %add3A_1012 = arith.constant 2640 : i32
    %add3A_1013 = arith.addi %mul3A_2, %add3A_1012 : i32
    %dma_start3A_1014 = arith.constant 0 : i32
    %dma_start3A_1015 = arith.constant 0 : i32
    %dma_start3A_1016 = tpu.memref_slice %arg13[%dma_start3A_1014, %dma_start3A_1015] : memref<120x512xf32, #tpu.memory_space<vmem>> -> memref<120x512xf32, #tpu.memory_space<vmem>>
    %dma_start3A_1017 = arith.constant 0 : i32
    %dma_start3A_1018 = tpu.memref_slice %arg10[%add3A_1013, %dma_start3A_1017] : memref<65536x512xf32, #tpu.memory_space<hbm>> -> memref<120x512xf32, #tpu.memory_space<hbm>>
    %dma_start3A_1019 = arith.constant 0 : i32
    %dma_start3A_1020 = tpu.memref_slice %arg10[%add3A_1013, %dma_start3A_1019] : memref<65536x512xf32, #tpu.memory_space<hbm>> -> memref<120x512xf32, #tpu.memory_space<hbm>>
    %dma_start3A_1021 = arith.constant 0 : i32
    %dma_start3A_1022 = arith.constant 0 : i32
    %dma_start3A_1023 = tpu.memref_slice %arg13[%dma_start3A_1021, %dma_start3A_1022] : memref<120x512xf32, #tpu.memory_space<vmem>> -> memref<120x512xf32, #tpu.memory_space<vmem>>
    tpu.enqueue_dma source(%dma_start3A_1023 : memref<120x512xf32, #tpu.memory_space<vmem>>) target(%dma_start3A_1020 : memref<120x512xf32, #tpu.memory_space<hbm>>) target_semaphore(%arg21 : memref<!tpu.dma_semaphore, #tpu.memory_space<semaphore_mem>>)
    %dma_wait3A_1024 = arith.constant 0 : i32
    %dma_wait3A_1025 = arith.constant 0 : i32
    %dma_wait3A_1026 = tpu.memref_slice %arg13[%dma_wait3A_1024, %dma_wait3A_1025] : memref<120x512xf32, #tpu.memory_space<vmem>> -> memref<120x512xf32, #tpu.memory_space<vmem>>
    %dma_wait3A_1027 = arith.constant 0 : i32
    %dma_wait3A_1028 = tpu.memref_slice %arg10[%add3A_1013, %dma_wait3A_1027] : memref<65536x512xf32, #tpu.memory_space<hbm>> -> memref<120x512xf32, #tpu.memory_space<hbm>>
    %dma_wait3A_1029 = arith.constant 0 : i32
    %dma_wait3A_1030 = tpu.memref_slice %arg10[%add3A_1013, %dma_wait3A_1029] : memref<65536x512xf32, #tpu.memory_space<hbm>> -> memref<120x512xf32, #tpu.memory_space<hbm>>
    %dma_wait3A_1031 = arith.constant 0 : i32
    %dma_wait3A_1032 = arith.constant 0 : i32
    %dma_wait3A_1033 = tpu.memref_slice %arg13[%dma_wait3A_1031, %dma_wait3A_1032] : memref<120x512xf32, #tpu.memory_space<vmem>> -> memref<120x512xf32, #tpu.memory_space<vmem>>
    tpu.wait_dma2 semaphore(%arg21 : memref<!tpu.dma_semaphore, #tpu.memory_space<semaphore_mem>>) src(%dma_wait3A_1033 : memref<120x512xf32, #tpu.memory_space<vmem>>) dst(%dma_wait3A_1030 : memref<120x512xf32, #tpu.memory_space<hbm>>)
    %add3A_1034 = arith.constant 2880 : i32
    %add3A_1035 = arith.addi %mul3A_2, %add3A_1034 : i32
    %dma_start3A_1036 = arith.constant 0 : i32
    %dma_start3A_1037 = arith.constant 0 : i32
    %dma_start3A_1038 = tpu.memref_slice %arg13[%dma_start3A_1036, %dma_start3A_1037] : memref<120x512xf32, #tpu.memory_space<vmem>> -> memref<120x512xf32, #tpu.memory_space<vmem>>
    %dma_start3A_1039 = arith.constant 0 : i32
    %dma_start3A_1040 = tpu.memref_slice %arg7[%add3A_1035, %dma_start3A_1039] : memref<65536x512xf32, #tpu.memory_space<hbm>> -> memref<120x512xf32, #tpu.memory_space<hbm>>
    %dma_start3A_1041 = arith.constant 0 : i32
    %dma_start3A_1042 = arith.constant 0 : i32
    %dma_start3A_1043 = tpu.memref_slice %arg13[%dma_start3A_1041, %dma_start3A_1042] : memref<120x512xf32, #tpu.memory_space<vmem>> -> memref<120x512xf32, #tpu.memory_space<vmem>>
    %dma_start3A_1044 = arith.constant 0 : i32
    %dma_start3A_1045 = tpu.memref_slice %arg7[%add3A_1035, %dma_start3A_1044] : memref<65536x512xf32, #tpu.memory_space<hbm>> -> memref<120x512xf32, #tpu.memory_space<hbm>>
    tpu.enqueue_dma source(%dma_start3A_1045 : memref<120x512xf32, #tpu.memory_space<hbm>>) target(%dma_start3A_1043 : memref<120x512xf32, #tpu.memory_space<vmem>>) target_semaphore(%arg19 : memref<!tpu.dma_semaphore, #tpu.memory_space<semaphore_mem>>)
    %dma_wait3A_1046 = arith.constant 0 : i32
    %dma_wait3A_1047 = arith.constant 0 : i32
    %dma_wait3A_1048 = tpu.memref_slice %arg14[%dma_wait3A_1046, %dma_wait3A_1047] : memref<120x512xf32, #tpu.memory_space<vmem>> -> memref<120x512xf32, #tpu.memory_space<vmem>>
    %dma_wait3A_1049 = arith.constant 0 : i32
    %dma_wait3A_1050 = tpu.memref_slice %arg7[%add3A_991, %dma_wait3A_1049] : memref<65536x512xf32, #tpu.memory_space<hbm>> -> memref<120x512xf32, #tpu.memory_space<hbm>>
    %dma_wait3A_1051 = arith.constant 0 : i32
    %dma_wait3A_1052 = arith.constant 0 : i32
    %dma_wait3A_1053 = tpu.memref_slice %arg14[%dma_wait3A_1051, %dma_wait3A_1052] : memref<120x512xf32, #tpu.memory_space<vmem>> -> memref<120x512xf32, #tpu.memory_space<vmem>>
    %dma_wait3A_1054 = arith.constant 0 : i32
    %dma_wait3A_1055 = tpu.memref_slice %arg7[%add3A_991, %dma_wait3A_1054] : memref<65536x512xf32, #tpu.memory_space<hbm>> -> memref<120x512xf32, #tpu.memory_space<hbm>>
    tpu.wait_dma2 semaphore(%arg20 : memref<!tpu.dma_semaphore, #tpu.memory_space<semaphore_mem>>) src(%dma_wait3A_1055 : memref<120x512xf32, #tpu.memory_space<hbm>>) dst(%dma_wait3A_1053 : memref<120x512xf32, #tpu.memory_space<vmem>>)
    %add3A_1056 = arith.constant 2760 : i32
    %add3A_1057 = arith.addi %mul3A_2, %add3A_1056 : i32
    %dma_start3A_1058 = arith.constant 0 : i32
    %dma_start3A_1059 = arith.constant 0 : i32
    %dma_start3A_1060 = tpu.memref_slice %arg14[%dma_start3A_1058, %dma_start3A_1059] : memref<120x512xf32, #tpu.memory_space<vmem>> -> memref<120x512xf32, #tpu.memory_space<vmem>>
    %dma_start3A_1061 = arith.constant 0 : i32
    %dma_start3A_1062 = tpu.memref_slice %arg10[%add3A_1057, %dma_start3A_1061] : memref<65536x512xf32, #tpu.memory_space<hbm>> -> memref<120x512xf32, #tpu.memory_space<hbm>>
    %dma_start3A_1063 = arith.constant 0 : i32
    %dma_start3A_1064 = tpu.memref_slice %arg10[%add3A_1057, %dma_start3A_1063] : memref<65536x512xf32, #tpu.memory_space<hbm>> -> memref<120x512xf32, #tpu.memory_space<hbm>>
    %dma_start3A_1065 = arith.constant 0 : i32
    %dma_start3A_1066 = arith.constant 0 : i32
    %dma_start3A_1067 = tpu.memref_slice %arg14[%dma_start3A_1065, %dma_start3A_1066] : memref<120x512xf32, #tpu.memory_space<vmem>> -> memref<120x512xf32, #tpu.memory_space<vmem>>
    tpu.enqueue_dma source(%dma_start3A_1067 : memref<120x512xf32, #tpu.memory_space<vmem>>) target(%dma_start3A_1064 : memref<120x512xf32, #tpu.memory_space<hbm>>) target_semaphore(%arg22 : memref<!tpu.dma_semaphore, #tpu.memory_space<semaphore_mem>>)
    %dma_wait3A_1068 = arith.constant 0 : i32
    %dma_wait3A_1069 = arith.constant 0 : i32
    %dma_wait3A_1070 = tpu.memref_slice %arg14[%dma_wait3A_1068, %dma_wait3A_1069] : memref<120x512xf32, #tpu.memory_space<vmem>> -> memref<120x512xf32, #tpu.memory_space<vmem>>
    %dma_wait3A_1071 = arith.constant 0 : i32
    %dma_wait3A_1072 = tpu.memref_slice %arg10[%add3A_1057, %dma_wait3A_1071] : memref<65536x512xf32, #tpu.memory_space<hbm>> -> memref<120x512xf32, #tpu.memory_space<hbm>>
    %dma_wait3A_1073 = arith.constant 0 : i32
    %dma_wait3A_1074 = tpu.memref_slice %arg10[%add3A_1057, %dma_wait3A_1073] : memref<65536x512xf32, #tpu.memory_space<hbm>> -> memref<120x512xf32, #tpu.memory_space<hbm>>
    %dma_wait3A_1075 = arith.constant 0 : i32
    %dma_wait3A_1076 = arith.constant 0 : i32
    %dma_wait3A_1077 = tpu.memref_slice %arg14[%dma_wait3A_1075, %dma_wait3A_1076] : memref<120x512xf32, #tpu.memory_space<vmem>> -> memref<120x512xf32, #tpu.memory_space<vmem>>
    tpu.wait_dma2 semaphore(%arg22 : memref<!tpu.dma_semaphore, #tpu.memory_space<semaphore_mem>>) src(%dma_wait3A_1077 : memref<120x512xf32, #tpu.memory_space<vmem>>) dst(%dma_wait3A_1074 : memref<120x512xf32, #tpu.memory_space<hbm>>)
    %add3A_1078 = arith.constant 3000 : i32
    %add3A_1079 = arith.addi %mul3A_2, %add3A_1078 : i32
    %dma_start3A_1080 = arith.constant 0 : i32
    %dma_start3A_1081 = arith.constant 0 : i32
    %dma_start3A_1082 = tpu.memref_slice %arg14[%dma_start3A_1080, %dma_start3A_1081] : memref<120x512xf32, #tpu.memory_space<vmem>> -> memref<120x512xf32, #tpu.memory_space<vmem>>
    %dma_start3A_1083 = arith.constant 0 : i32
    %dma_start3A_1084 = tpu.memref_slice %arg7[%add3A_1079, %dma_start3A_1083] : memref<65536x512xf32, #tpu.memory_space<hbm>> -> memref<120x512xf32, #tpu.memory_space<hbm>>
    %dma_start3A_1085 = arith.constant 0 : i32
    %dma_start3A_1086 = arith.constant 0 : i32
    %dma_start3A_1087 = tpu.memref_slice %arg14[%dma_start3A_1085, %dma_start3A_1086] : memref<120x512xf32, #tpu.memory_space<vmem>> -> memref<120x512xf32, #tpu.memory_space<vmem>>
    %dma_start3A_1088 = arith.constant 0 : i32
    %dma_start3A_1089 = tpu.memref_slice %arg7[%add3A_1079, %dma_start3A_1088] : memref<65536x512xf32, #tpu.memory_space<hbm>> -> memref<120x512xf32, #tpu.memory_space<hbm>>
    tpu.enqueue_dma source(%dma_start3A_1089 : memref<120x512xf32, #tpu.memory_space<hbm>>) target(%dma_start3A_1087 : memref<120x512xf32, #tpu.memory_space<vmem>>) target_semaphore(%arg20 : memref<!tpu.dma_semaphore, #tpu.memory_space<semaphore_mem>>)
    %dma_wait3A_1090 = arith.constant 0 : i32
    %dma_wait3A_1091 = arith.constant 0 : i32
    %dma_wait3A_1092 = tpu.memref_slice %arg13[%dma_wait3A_1090, %dma_wait3A_1091] : memref<120x512xf32, #tpu.memory_space<vmem>> -> memref<120x512xf32, #tpu.memory_space<vmem>>
    %dma_wait3A_1093 = arith.constant 0 : i32
    %dma_wait3A_1094 = tpu.memref_slice %arg7[%add3A_1035, %dma_wait3A_1093] : memref<65536x512xf32, #tpu.memory_space<hbm>> -> memref<120x512xf32, #tpu.memory_space<hbm>>
    %dma_wait3A_1095 = arith.constant 0 : i32
    %dma_wait3A_1096 = arith.constant 0 : i32
    %dma_wait3A_1097 = tpu.memref_slice %arg13[%dma_wait3A_1095, %dma_wait3A_1096] : memref<120x512xf32, #tpu.memory_space<vmem>> -> memref<120x512xf32, #tpu.memory_space<vmem>>
    %dma_wait3A_1098 = arith.constant 0 : i32
    %dma_wait3A_1099 = tpu.memref_slice %arg7[%add3A_1035, %dma_wait3A_1098] : memref<65536x512xf32, #tpu.memory_space<hbm>> -> memref<120x512xf32, #tpu.memory_space<hbm>>
    tpu.wait_dma2 semaphore(%arg19 : memref<!tpu.dma_semaphore, #tpu.memory_space<semaphore_mem>>) src(%dma_wait3A_1099 : memref<120x512xf32, #tpu.memory_space<hbm>>) dst(%dma_wait3A_1097 : memref<120x512xf32, #tpu.memory_space<vmem>>)
    %add3A_1100 = arith.constant 2880 : i32
    %add3A_1101 = arith.addi %mul3A_2, %add3A_1100 : i32
    %dma_start3A_1102 = arith.constant 0 : i32
    %dma_start3A_1103 = arith.constant 0 : i32
    %dma_start3A_1104 = tpu.memref_slice %arg13[%dma_start3A_1102, %dma_start3A_1103] : memref<120x512xf32, #tpu.memory_space<vmem>> -> memref<120x512xf32, #tpu.memory_space<vmem>>
    %dma_start3A_1105 = arith.constant 0 : i32
    %dma_start3A_1106 = tpu.memref_slice %arg10[%add3A_1101, %dma_start3A_1105] : memref<65536x512xf32, #tpu.memory_space<hbm>> -> memref<120x512xf32, #tpu.memory_space<hbm>>
    %dma_start3A_1107 = arith.constant 0 : i32
    %dma_start3A_1108 = tpu.memref_slice %arg10[%add3A_1101, %dma_start3A_1107] : memref<65536x512xf32, #tpu.memory_space<hbm>> -> memref<120x512xf32, #tpu.memory_space<hbm>>
    %dma_start3A_1109 = arith.constant 0 : i32
    %dma_start3A_1110 = arith.constant 0 : i32
    %dma_start3A_1111 = tpu.memref_slice %arg13[%dma_start3A_1109, %dma_start3A_1110] : memref<120x512xf32, #tpu.memory_space<vmem>> -> memref<120x512xf32, #tpu.memory_space<vmem>>
    tpu.enqueue_dma source(%dma_start3A_1111 : memref<120x512xf32, #tpu.memory_space<vmem>>) target(%dma_start3A_1108 : memref<120x512xf32, #tpu.memory_space<hbm>>) target_semaphore(%arg21 : memref<!tpu.dma_semaphore, #tpu.memory_space<semaphore_mem>>)
    %dma_wait3A_1112 = arith.constant 0 : i32
    %dma_wait3A_1113 = arith.constant 0 : i32
    %dma_wait3A_1114 = tpu.memref_slice %arg13[%dma_wait3A_1112, %dma_wait3A_1113] : memref<120x512xf32, #tpu.memory_space<vmem>> -> memref<120x512xf32, #tpu.memory_space<vmem>>
    %dma_wait3A_1115 = arith.constant 0 : i32
    %dma_wait3A_1116 = tpu.memref_slice %arg10[%add3A_1101, %dma_wait3A_1115] : memref<65536x512xf32, #tpu.memory_space<hbm>> -> memref<120x512xf32, #tpu.memory_space<hbm>>
    %dma_wait3A_1117 = arith.constant 0 : i32
    %dma_wait3A_1118 = tpu.memref_slice %arg10[%add3A_1101, %dma_wait3A_1117] : memref<65536x512xf32, #tpu.memory_space<hbm>> -> memref<120x512xf32, #tpu.memory_space<hbm>>
    %dma_wait3A_1119 = arith.constant 0 : i32
    %dma_wait3A_1120 = arith.constant 0 : i32
    %dma_wait3A_1121 = tpu.memref_slice %arg13[%dma_wait3A_1119, %dma_wait3A_1120] : memref<120x512xf32, #tpu.memory_space<vmem>> -> memref<120x512xf32, #tpu.memory_space<vmem>>
    tpu.wait_dma2 semaphore(%arg21 : memref<!tpu.dma_semaphore, #tpu.memory_space<semaphore_mem>>) src(%dma_wait3A_1121 : memref<120x512xf32, #tpu.memory_space<vmem>>) dst(%dma_wait3A_1118 : memref<120x512xf32, #tpu.memory_space<hbm>>)
    %add3A_1122 = arith.constant 3120 : i32
    %add3A_1123 = arith.addi %mul3A_2, %add3A_1122 : i32
    %dma_start3A_1124 = arith.constant 0 : i32
    %dma_start3A_1125 = arith.constant 0 : i32
    %dma_start3A_1126 = tpu.memref_slice %arg13[%dma_start3A_1124, %dma_start3A_1125] : memref<120x512xf32, #tpu.memory_space<vmem>> -> memref<120x512xf32, #tpu.memory_space<vmem>>
    %dma_start3A_1127 = arith.constant 0 : i32
    %dma_start3A_1128 = tpu.memref_slice %arg7[%add3A_1123, %dma_start3A_1127] : memref<65536x512xf32, #tpu.memory_space<hbm>> -> memref<120x512xf32, #tpu.memory_space<hbm>>
    %dma_start3A_1129 = arith.constant 0 : i32
    %dma_start3A_1130 = arith.constant 0 : i32
    %dma_start3A_1131 = tpu.memref_slice %arg13[%dma_start3A_1129, %dma_start3A_1130] : memref<120x512xf32, #tpu.memory_space<vmem>> -> memref<120x512xf32, #tpu.memory_space<vmem>>
    %dma_start3A_1132 = arith.constant 0 : i32
    %dma_start3A_1133 = tpu.memref_slice %arg7[%add3A_1123, %dma_start3A_1132] : memref<65536x512xf32, #tpu.memory_space<hbm>> -> memref<120x512xf32, #tpu.memory_space<hbm>>
    tpu.enqueue_dma source(%dma_start3A_1133 : memref<120x512xf32, #tpu.memory_space<hbm>>) target(%dma_start3A_1131 : memref<120x512xf32, #tpu.memory_space<vmem>>) target_semaphore(%arg19 : memref<!tpu.dma_semaphore, #tpu.memory_space<semaphore_mem>>)
    %dma_wait3A_1134 = arith.constant 0 : i32
    %dma_wait3A_1135 = arith.constant 0 : i32
    %dma_wait3A_1136 = tpu.memref_slice %arg14[%dma_wait3A_1134, %dma_wait3A_1135] : memref<120x512xf32, #tpu.memory_space<vmem>> -> memref<120x512xf32, #tpu.memory_space<vmem>>
    %dma_wait3A_1137 = arith.constant 0 : i32
    %dma_wait3A_1138 = tpu.memref_slice %arg7[%add3A_1079, %dma_wait3A_1137] : memref<65536x512xf32, #tpu.memory_space<hbm>> -> memref<120x512xf32, #tpu.memory_space<hbm>>
    %dma_wait3A_1139 = arith.constant 0 : i32
    %dma_wait3A_1140 = arith.constant 0 : i32
    %dma_wait3A_1141 = tpu.memref_slice %arg14[%dma_wait3A_1139, %dma_wait3A_1140] : memref<120x512xf32, #tpu.memory_space<vmem>> -> memref<120x512xf32, #tpu.memory_space<vmem>>
    %dma_wait3A_1142 = arith.constant 0 : i32
    %dma_wait3A_1143 = tpu.memref_slice %arg7[%add3A_1079, %dma_wait3A_1142] : memref<65536x512xf32, #tpu.memory_space<hbm>> -> memref<120x512xf32, #tpu.memory_space<hbm>>
    tpu.wait_dma2 semaphore(%arg20 : memref<!tpu.dma_semaphore, #tpu.memory_space<semaphore_mem>>) src(%dma_wait3A_1143 : memref<120x512xf32, #tpu.memory_space<hbm>>) dst(%dma_wait3A_1141 : memref<120x512xf32, #tpu.memory_space<vmem>>)
    %add3A_1144 = arith.constant 3000 : i32
    %add3A_1145 = arith.addi %mul3A_2, %add3A_1144 : i32
    %dma_start3A_1146 = arith.constant 0 : i32
    %dma_start3A_1147 = arith.constant 0 : i32
    %dma_start3A_1148 = tpu.memref_slice %arg14[%dma_start3A_1146, %dma_start3A_1147] : memref<120x512xf32, #tpu.memory_space<vmem>> -> memref<120x512xf32, #tpu.memory_space<vmem>>
    %dma_start3A_1149 = arith.constant 0 : i32
    %dma_start3A_1150 = tpu.memref_slice %arg10[%add3A_1145, %dma_start3A_1149] : memref<65536x512xf32, #tpu.memory_space<hbm>> -> memref<120x512xf32, #tpu.memory_space<hbm>>
    %dma_start3A_1151 = arith.constant 0 : i32
    %dma_start3A_1152 = tpu.memref_slice %arg10[%add3A_1145, %dma_start3A_1151] : memref<65536x512xf32, #tpu.memory_space<hbm>> -> memref<120x512xf32, #tpu.memory_space<hbm>>
    %dma_start3A_1153 = arith.constant 0 : i32
    %dma_start3A_1154 = arith.constant 0 : i32
    %dma_start3A_1155 = tpu.memref_slice %arg14[%dma_start3A_1153, %dma_start3A_1154] : memref<120x512xf32, #tpu.memory_space<vmem>> -> memref<120x512xf32, #tpu.memory_space<vmem>>
    tpu.enqueue_dma source(%dma_start3A_1155 : memref<120x512xf32, #tpu.memory_space<vmem>>) target(%dma_start3A_1152 : memref<120x512xf32, #tpu.memory_space<hbm>>) target_semaphore(%arg22 : memref<!tpu.dma_semaphore, #tpu.memory_space<semaphore_mem>>)
    %dma_wait3A_1156 = arith.constant 0 : i32
    %dma_wait3A_1157 = arith.constant 0 : i32
    %dma_wait3A_1158 = tpu.memref_slice %arg14[%dma_wait3A_1156, %dma_wait3A_1157] : memref<120x512xf32, #tpu.memory_space<vmem>> -> memref<120x512xf32, #tpu.memory_space<vmem>>
    %dma_wait3A_1159 = arith.constant 0 : i32
    %dma_wait3A_1160 = tpu.memref_slice %arg10[%add3A_1145, %dma_wait3A_1159] : memref<65536x512xf32, #tpu.memory_space<hbm>> -> memref<120x512xf32, #tpu.memory_space<hbm>>
    %dma_wait3A_1161 = arith.constant 0 : i32
    %dma_wait3A_1162 = tpu.memref_slice %arg10[%add3A_1145, %dma_wait3A_1161] : memref<65536x512xf32, #tpu.memory_space<hbm>> -> memref<120x512xf32, #tpu.memory_space<hbm>>
    %dma_wait3A_1163 = arith.constant 0 : i32
    %dma_wait3A_1164 = arith.constant 0 : i32
    %dma_wait3A_1165 = tpu.memref_slice %arg14[%dma_wait3A_1163, %dma_wait3A_1164] : memref<120x512xf32, #tpu.memory_space<vmem>> -> memref<120x512xf32, #tpu.memory_space<vmem>>
    tpu.wait_dma2 semaphore(%arg22 : memref<!tpu.dma_semaphore, #tpu.memory_space<semaphore_mem>>) src(%dma_wait3A_1165 : memref<120x512xf32, #tpu.memory_space<vmem>>) dst(%dma_wait3A_1162 : memref<120x512xf32, #tpu.memory_space<hbm>>)
    %add3A_1166 = arith.constant 3240 : i32
    %add3A_1167 = arith.addi %mul3A_2, %add3A_1166 : i32
    %dma_start3A_1168 = arith.constant 0 : i32
    %dma_start3A_1169 = arith.constant 0 : i32
    %dma_start3A_1170 = tpu.memref_slice %arg14[%dma_start3A_1168, %dma_start3A_1169] : memref<120x512xf32, #tpu.memory_space<vmem>> -> memref<120x512xf32, #tpu.memory_space<vmem>>
    %dma_start3A_1171 = arith.constant 0 : i32
    %dma_start3A_1172 = tpu.memref_slice %arg7[%add3A_1167, %dma_start3A_1171] : memref<65536x512xf32, #tpu.memory_space<hbm>> -> memref<120x512xf32, #tpu.memory_space<hbm>>
    %dma_start3A_1173 = arith.constant 0 : i32
    %dma_start3A_1174 = arith.constant 0 : i32
    %dma_start3A_1175 = tpu.memref_slice %arg14[%dma_start3A_1173, %dma_start3A_1174] : memref<120x512xf32, #tpu.memory_space<vmem>> -> memref<120x512xf32, #tpu.memory_space<vmem>>
    %dma_start3A_1176 = arith.constant 0 : i32
    %dma_start3A_1177 = tpu.memref_slice %arg7[%add3A_1167, %dma_start3A_1176] : memref<65536x512xf32, #tpu.memory_space<hbm>> -> memref<120x512xf32, #tpu.memory_space<hbm>>
    tpu.enqueue_dma source(%dma_start3A_1177 : memref<120x512xf32, #tpu.memory_space<hbm>>) target(%dma_start3A_1175 : memref<120x512xf32, #tpu.memory_space<vmem>>) target_semaphore(%arg20 : memref<!tpu.dma_semaphore, #tpu.memory_space<semaphore_mem>>)
    %dma_wait3A_1178 = arith.constant 0 : i32
    %dma_wait3A_1179 = arith.constant 0 : i32
    %dma_wait3A_1180 = tpu.memref_slice %arg13[%dma_wait3A_1178, %dma_wait3A_1179] : memref<120x512xf32, #tpu.memory_space<vmem>> -> memref<120x512xf32, #tpu.memory_space<vmem>>
    %dma_wait3A_1181 = arith.constant 0 : i32
    %dma_wait3A_1182 = tpu.memref_slice %arg7[%add3A_1123, %dma_wait3A_1181] : memref<65536x512xf32, #tpu.memory_space<hbm>> -> memref<120x512xf32, #tpu.memory_space<hbm>>
    %dma_wait3A_1183 = arith.constant 0 : i32
    %dma_wait3A_1184 = arith.constant 0 : i32
    %dma_wait3A_1185 = tpu.memref_slice %arg13[%dma_wait3A_1183, %dma_wait3A_1184] : memref<120x512xf32, #tpu.memory_space<vmem>> -> memref<120x512xf32, #tpu.memory_space<vmem>>
    %dma_wait3A_1186 = arith.constant 0 : i32
    %dma_wait3A_1187 = tpu.memref_slice %arg7[%add3A_1123, %dma_wait3A_1186] : memref<65536x512xf32, #tpu.memory_space<hbm>> -> memref<120x512xf32, #tpu.memory_space<hbm>>
    tpu.wait_dma2 semaphore(%arg19 : memref<!tpu.dma_semaphore, #tpu.memory_space<semaphore_mem>>) src(%dma_wait3A_1187 : memref<120x512xf32, #tpu.memory_space<hbm>>) dst(%dma_wait3A_1185 : memref<120x512xf32, #tpu.memory_space<vmem>>)
    %add3A_1188 = arith.constant 3120 : i32
    %add3A_1189 = arith.addi %mul3A_2, %add3A_1188 : i32
    %dma_start3A_1190 = arith.constant 0 : i32
    %dma_start3A_1191 = arith.constant 0 : i32
    %dma_start3A_1192 = tpu.memref_slice %arg13[%dma_start3A_1190, %dma_start3A_1191] : memref<120x512xf32, #tpu.memory_space<vmem>> -> memref<120x512xf32, #tpu.memory_space<vmem>>
    %dma_start3A_1193 = arith.constant 0 : i32
    %dma_start3A_1194 = tpu.memref_slice %arg10[%add3A_1189, %dma_start3A_1193] : memref<65536x512xf32, #tpu.memory_space<hbm>> -> memref<120x512xf32, #tpu.memory_space<hbm>>
    %dma_start3A_1195 = arith.constant 0 : i32
    %dma_start3A_1196 = tpu.memref_slice %arg10[%add3A_1189, %dma_start3A_1195] : memref<65536x512xf32, #tpu.memory_space<hbm>> -> memref<120x512xf32, #tpu.memory_space<hbm>>
    %dma_start3A_1197 = arith.constant 0 : i32
    %dma_start3A_1198 = arith.constant 0 : i32
    %dma_start3A_1199 = tpu.memref_slice %arg13[%dma_start3A_1197, %dma_start3A_1198] : memref<120x512xf32, #tpu.memory_space<vmem>> -> memref<120x512xf32, #tpu.memory_space<vmem>>
    tpu.enqueue_dma source(%dma_start3A_1199 : memref<120x512xf32, #tpu.memory_space<vmem>>) target(%dma_start3A_1196 : memref<120x512xf32, #tpu.memory_space<hbm>>) target_semaphore(%arg21 : memref<!tpu.dma_semaphore, #tpu.memory_space<semaphore_mem>>)
    %dma_wait3A_1200 = arith.constant 0 : i32
    %dma_wait3A_1201 = arith.constant 0 : i32
    %dma_wait3A_1202 = tpu.memref_slice %arg13[%dma_wait3A_1200, %dma_wait3A_1201] : memref<120x512xf32, #tpu.memory_space<vmem>> -> memref<120x512xf32, #tpu.memory_space<vmem>>
    %dma_wait3A_1203 = arith.constant 0 : i32
    %dma_wait3A_1204 = tpu.memref_slice %arg10[%add3A_1189, %dma_wait3A_1203] : memref<65536x512xf32, #tpu.memory_space<hbm>> -> memref<120x512xf32, #tpu.memory_space<hbm>>
    %dma_wait3A_1205 = arith.constant 0 : i32
    %dma_wait3A_1206 = tpu.memref_slice %arg10[%add3A_1189, %dma_wait3A_1205] : memref<65536x512xf32, #tpu.memory_space<hbm>> -> memref<120x512xf32, #tpu.memory_space<hbm>>
    %dma_wait3A_1207 = arith.constant 0 : i32
    %dma_wait3A_1208 = arith.constant 0 : i32
    %dma_wait3A_1209 = tpu.memref_slice %arg13[%dma_wait3A_1207, %dma_wait3A_1208] : memref<120x512xf32, #tpu.memory_space<vmem>> -> memref<120x512xf32, #tpu.memory_space<vmem>>
    tpu.wait_dma2 semaphore(%arg21 : memref<!tpu.dma_semaphore, #tpu.memory_space<semaphore_mem>>) src(%dma_wait3A_1209 : memref<120x512xf32, #tpu.memory_space<vmem>>) dst(%dma_wait3A_1206 : memref<120x512xf32, #tpu.memory_space<hbm>>)
    %add3A_1210 = arith.constant 3360 : i32
    %add3A_1211 = arith.addi %mul3A_2, %add3A_1210 : i32
    %dma_start3A_1212 = arith.constant 0 : i32
    %dma_start3A_1213 = arith.constant 0 : i32
    %dma_start3A_1214 = tpu.memref_slice %arg13[%dma_start3A_1212, %dma_start3A_1213] : memref<120x512xf32, #tpu.memory_space<vmem>> -> memref<120x512xf32, #tpu.memory_space<vmem>>
    %dma_start3A_1215 = arith.constant 0 : i32
    %dma_start3A_1216 = tpu.memref_slice %arg7[%add3A_1211, %dma_start3A_1215] : memref<65536x512xf32, #tpu.memory_space<hbm>> -> memref<120x512xf32, #tpu.memory_space<hbm>>
    %dma_start3A_1217 = arith.constant 0 : i32
    %dma_start3A_1218 = arith.constant 0 : i32
    %dma_start3A_1219 = tpu.memref_slice %arg13[%dma_start3A_1217, %dma_start3A_1218] : memref<120x512xf32, #tpu.memory_space<vmem>> -> memref<120x512xf32, #tpu.memory_space<vmem>>
    %dma_start3A_1220 = arith.constant 0 : i32
    %dma_start3A_1221 = tpu.memref_slice %arg7[%add3A_1211, %dma_start3A_1220] : memref<65536x512xf32, #tpu.memory_space<hbm>> -> memref<120x512xf32, #tpu.memory_space<hbm>>
    tpu.enqueue_dma source(%dma_start3A_1221 : memref<120x512xf32, #tpu.memory_space<hbm>>) target(%dma_start3A_1219 : memref<120x512xf32, #tpu.memory_space<vmem>>) target_semaphore(%arg19 : memref<!tpu.dma_semaphore, #tpu.memory_space<semaphore_mem>>)
    %dma_wait3A_1222 = arith.constant 0 : i32
    %dma_wait3A_1223 = arith.constant 0 : i32
    %dma_wait3A_1224 = tpu.memref_slice %arg14[%dma_wait3A_1222, %dma_wait3A_1223] : memref<120x512xf32, #tpu.memory_space<vmem>> -> memref<120x512xf32, #tpu.memory_space<vmem>>
    %dma_wait3A_1225 = arith.constant 0 : i32
    %dma_wait3A_1226 = tpu.memref_slice %arg7[%add3A_1167, %dma_wait3A_1225] : memref<65536x512xf32, #tpu.memory_space<hbm>> -> memref<120x512xf32, #tpu.memory_space<hbm>>
    %dma_wait3A_1227 = arith.constant 0 : i32
    %dma_wait3A_1228 = arith.constant 0 : i32
    %dma_wait3A_1229 = tpu.memref_slice %arg14[%dma_wait3A_1227, %dma_wait3A_1228] : memref<120x512xf32, #tpu.memory_space<vmem>> -> memref<120x512xf32, #tpu.memory_space<vmem>>
    %dma_wait3A_1230 = arith.constant 0 : i32
    %dma_wait3A_1231 = tpu.memref_slice %arg7[%add3A_1167, %dma_wait3A_1230] : memref<65536x512xf32, #tpu.memory_space<hbm>> -> memref<120x512xf32, #tpu.memory_space<hbm>>
    tpu.wait_dma2 semaphore(%arg20 : memref<!tpu.dma_semaphore, #tpu.memory_space<semaphore_mem>>) src(%dma_wait3A_1231 : memref<120x512xf32, #tpu.memory_space<hbm>>) dst(%dma_wait3A_1229 : memref<120x512xf32, #tpu.memory_space<vmem>>)
    %add3A_1232 = arith.constant 3240 : i32
    %add3A_1233 = arith.addi %mul3A_2, %add3A_1232 : i32
    %dma_start3A_1234 = arith.constant 0 : i32
    %dma_start3A_1235 = arith.constant 0 : i32
    %dma_start3A_1236 = tpu.memref_slice %arg14[%dma_start3A_1234, %dma_start3A_1235] : memref<120x512xf32, #tpu.memory_space<vmem>> -> memref<120x512xf32, #tpu.memory_space<vmem>>
    %dma_start3A_1237 = arith.constant 0 : i32
    %dma_start3A_1238 = tpu.memref_slice %arg10[%add3A_1233, %dma_start3A_1237] : memref<65536x512xf32, #tpu.memory_space<hbm>> -> memref<120x512xf32, #tpu.memory_space<hbm>>
    %dma_start3A_1239 = arith.constant 0 : i32
    %dma_start3A_1240 = tpu.memref_slice %arg10[%add3A_1233, %dma_start3A_1239] : memref<65536x512xf32, #tpu.memory_space<hbm>> -> memref<120x512xf32, #tpu.memory_space<hbm>>
    %dma_start3A_1241 = arith.constant 0 : i32
    %dma_start3A_1242 = arith.constant 0 : i32
    %dma_start3A_1243 = tpu.memref_slice %arg14[%dma_start3A_1241, %dma_start3A_1242] : memref<120x512xf32, #tpu.memory_space<vmem>> -> memref<120x512xf32, #tpu.memory_space<vmem>>
    tpu.enqueue_dma source(%dma_start3A_1243 : memref<120x512xf32, #tpu.memory_space<vmem>>) target(%dma_start3A_1240 : memref<120x512xf32, #tpu.memory_space<hbm>>) target_semaphore(%arg22 : memref<!tpu.dma_semaphore, #tpu.memory_space<semaphore_mem>>)
    %dma_wait3A_1244 = arith.constant 0 : i32
    %dma_wait3A_1245 = arith.constant 0 : i32
    %dma_wait3A_1246 = tpu.memref_slice %arg14[%dma_wait3A_1244, %dma_wait3A_1245] : memref<120x512xf32, #tpu.memory_space<vmem>> -> memref<120x512xf32, #tpu.memory_space<vmem>>
    %dma_wait3A_1247 = arith.constant 0 : i32
    %dma_wait3A_1248 = tpu.memref_slice %arg10[%add3A_1233, %dma_wait3A_1247] : memref<65536x512xf32, #tpu.memory_space<hbm>> -> memref<120x512xf32, #tpu.memory_space<hbm>>
    %dma_wait3A_1249 = arith.constant 0 : i32
    %dma_wait3A_1250 = tpu.memref_slice %arg10[%add3A_1233, %dma_wait3A_1249] : memref<65536x512xf32, #tpu.memory_space<hbm>> -> memref<120x512xf32, #tpu.memory_space<hbm>>
    %dma_wait3A_1251 = arith.constant 0 : i32
    %dma_wait3A_1252 = arith.constant 0 : i32
    %dma_wait3A_1253 = tpu.memref_slice %arg14[%dma_wait3A_1251, %dma_wait3A_1252] : memref<120x512xf32, #tpu.memory_space<vmem>> -> memref<120x512xf32, #tpu.memory_space<vmem>>
    tpu.wait_dma2 semaphore(%arg22 : memref<!tpu.dma_semaphore, #tpu.memory_space<semaphore_mem>>) src(%dma_wait3A_1253 : memref<120x512xf32, #tpu.memory_space<vmem>>) dst(%dma_wait3A_1250 : memref<120x512xf32, #tpu.memory_space<hbm>>)
    %add3A_1254 = arith.constant 3480 : i32
    %add3A_1255 = arith.addi %mul3A_2, %add3A_1254 : i32
    %dma_start3A_1256 = arith.constant 0 : i32
    %dma_start3A_1257 = arith.constant 0 : i32
    %dma_start3A_1258 = tpu.memref_slice %arg14[%dma_start3A_1256, %dma_start3A_1257] : memref<120x512xf32, #tpu.memory_space<vmem>> -> memref<120x512xf32, #tpu.memory_space<vmem>>
    %dma_start3A_1259 = arith.constant 0 : i32
    %dma_start3A_1260 = tpu.memref_slice %arg7[%add3A_1255, %dma_start3A_1259] : memref<65536x512xf32, #tpu.memory_space<hbm>> -> memref<120x512xf32, #tpu.memory_space<hbm>>
    %dma_start3A_1261 = arith.constant 0 : i32
    %dma_start3A_1262 = arith.constant 0 : i32
    %dma_start3A_1263 = tpu.memref_slice %arg14[%dma_start3A_1261, %dma_start3A_1262] : memref<120x512xf32, #tpu.memory_space<vmem>> -> memref<120x512xf32, #tpu.memory_space<vmem>>
    %dma_start3A_1264 = arith.constant 0 : i32
    %dma_start3A_1265 = tpu.memref_slice %arg7[%add3A_1255, %dma_start3A_1264] : memref<65536x512xf32, #tpu.memory_space<hbm>> -> memref<120x512xf32, #tpu.memory_space<hbm>>
    tpu.enqueue_dma source(%dma_start3A_1265 : memref<120x512xf32, #tpu.memory_space<hbm>>) target(%dma_start3A_1263 : memref<120x512xf32, #tpu.memory_space<vmem>>) target_semaphore(%arg20 : memref<!tpu.dma_semaphore, #tpu.memory_space<semaphore_mem>>)
    %dma_wait3A_1266 = arith.constant 0 : i32
    %dma_wait3A_1267 = arith.constant 0 : i32
    %dma_wait3A_1268 = tpu.memref_slice %arg13[%dma_wait3A_1266, %dma_wait3A_1267] : memref<120x512xf32, #tpu.memory_space<vmem>> -> memref<120x512xf32, #tpu.memory_space<vmem>>
    %dma_wait3A_1269 = arith.constant 0 : i32
    %dma_wait3A_1270 = tpu.memref_slice %arg7[%add3A_1211, %dma_wait3A_1269] : memref<65536x512xf32, #tpu.memory_space<hbm>> -> memref<120x512xf32, #tpu.memory_space<hbm>>
    %dma_wait3A_1271 = arith.constant 0 : i32
    %dma_wait3A_1272 = arith.constant 0 : i32
    %dma_wait3A_1273 = tpu.memref_slice %arg13[%dma_wait3A_1271, %dma_wait3A_1272] : memref<120x512xf32, #tpu.memory_space<vmem>> -> memref<120x512xf32, #tpu.memory_space<vmem>>
    %dma_wait3A_1274 = arith.constant 0 : i32
    %dma_wait3A_1275 = tpu.memref_slice %arg7[%add3A_1211, %dma_wait3A_1274] : memref<65536x512xf32, #tpu.memory_space<hbm>> -> memref<120x512xf32, #tpu.memory_space<hbm>>
    tpu.wait_dma2 semaphore(%arg19 : memref<!tpu.dma_semaphore, #tpu.memory_space<semaphore_mem>>) src(%dma_wait3A_1275 : memref<120x512xf32, #tpu.memory_space<hbm>>) dst(%dma_wait3A_1273 : memref<120x512xf32, #tpu.memory_space<vmem>>)
    %add3A_1276 = arith.constant 3360 : i32
    %add3A_1277 = arith.addi %mul3A_2, %add3A_1276 : i32
    %dma_start3A_1278 = arith.constant 0 : i32
    %dma_start3A_1279 = arith.constant 0 : i32
    %dma_start3A_1280 = tpu.memref_slice %arg13[%dma_start3A_1278, %dma_start3A_1279] : memref<120x512xf32, #tpu.memory_space<vmem>> -> memref<120x512xf32, #tpu.memory_space<vmem>>
    %dma_start3A_1281 = arith.constant 0 : i32
    %dma_start3A_1282 = tpu.memref_slice %arg10[%add3A_1277, %dma_start3A_1281] : memref<65536x512xf32, #tpu.memory_space<hbm>> -> memref<120x512xf32, #tpu.memory_space<hbm>>
    %dma_start3A_1283 = arith.constant 0 : i32
    %dma_start3A_1284 = tpu.memref_slice %arg10[%add3A_1277, %dma_start3A_1283] : memref<65536x512xf32, #tpu.memory_space<hbm>> -> memref<120x512xf32, #tpu.memory_space<hbm>>
    %dma_start3A_1285 = arith.constant 0 : i32
    %dma_start3A_1286 = arith.constant 0 : i32
    %dma_start3A_1287 = tpu.memref_slice %arg13[%dma_start3A_1285, %dma_start3A_1286] : memref<120x512xf32, #tpu.memory_space<vmem>> -> memref<120x512xf32, #tpu.memory_space<vmem>>
    tpu.enqueue_dma source(%dma_start3A_1287 : memref<120x512xf32, #tpu.memory_space<vmem>>) target(%dma_start3A_1284 : memref<120x512xf32, #tpu.memory_space<hbm>>) target_semaphore(%arg21 : memref<!tpu.dma_semaphore, #tpu.memory_space<semaphore_mem>>)
    %dma_wait3A_1288 = arith.constant 0 : i32
    %dma_wait3A_1289 = arith.constant 0 : i32
    %dma_wait3A_1290 = tpu.memref_slice %arg13[%dma_wait3A_1288, %dma_wait3A_1289] : memref<120x512xf32, #tpu.memory_space<vmem>> -> memref<120x512xf32, #tpu.memory_space<vmem>>
    %dma_wait3A_1291 = arith.constant 0 : i32
    %dma_wait3A_1292 = tpu.memref_slice %arg10[%add3A_1277, %dma_wait3A_1291] : memref<65536x512xf32, #tpu.memory_space<hbm>> -> memref<120x512xf32, #tpu.memory_space<hbm>>
    %dma_wait3A_1293 = arith.constant 0 : i32
    %dma_wait3A_1294 = tpu.memref_slice %arg10[%add3A_1277, %dma_wait3A_1293] : memref<65536x512xf32, #tpu.memory_space<hbm>> -> memref<120x512xf32, #tpu.memory_space<hbm>>
    %dma_wait3A_1295 = arith.constant 0 : i32
    %dma_wait3A_1296 = arith.constant 0 : i32
    %dma_wait3A_1297 = tpu.memref_slice %arg13[%dma_wait3A_1295, %dma_wait3A_1296] : memref<120x512xf32, #tpu.memory_space<vmem>> -> memref<120x512xf32, #tpu.memory_space<vmem>>
    tpu.wait_dma2 semaphore(%arg21 : memref<!tpu.dma_semaphore, #tpu.memory_space<semaphore_mem>>) src(%dma_wait3A_1297 : memref<120x512xf32, #tpu.memory_space<vmem>>) dst(%dma_wait3A_1294 : memref<120x512xf32, #tpu.memory_space<hbm>>)
    %add3A_1298 = arith.constant 3600 : i32
    %add3A_1299 = arith.addi %mul3A_2, %add3A_1298 : i32
    %dma_start3A_1300 = arith.constant 0 : i32
    %dma_start3A_1301 = arith.constant 0 : i32
    %dma_start3A_1302 = tpu.memref_slice %arg13[%dma_start3A_1300, %dma_start3A_1301] : memref<120x512xf32, #tpu.memory_space<vmem>> -> memref<120x512xf32, #tpu.memory_space<vmem>>
    %dma_start3A_1303 = arith.constant 0 : i32
    %dma_start3A_1304 = tpu.memref_slice %arg7[%add3A_1299, %dma_start3A_1303] : memref<65536x512xf32, #tpu.memory_space<hbm>> -> memref<120x512xf32, #tpu.memory_space<hbm>>
    %dma_start3A_1305 = arith.constant 0 : i32
    %dma_start3A_1306 = arith.constant 0 : i32
    %dma_start3A_1307 = tpu.memref_slice %arg13[%dma_start3A_1305, %dma_start3A_1306] : memref<120x512xf32, #tpu.memory_space<vmem>> -> memref<120x512xf32, #tpu.memory_space<vmem>>
    %dma_start3A_1308 = arith.constant 0 : i32
    %dma_start3A_1309 = tpu.memref_slice %arg7[%add3A_1299, %dma_start3A_1308] : memref<65536x512xf32, #tpu.memory_space<hbm>> -> memref<120x512xf32, #tpu.memory_space<hbm>>
    tpu.enqueue_dma source(%dma_start3A_1309 : memref<120x512xf32, #tpu.memory_space<hbm>>) target(%dma_start3A_1307 : memref<120x512xf32, #tpu.memory_space<vmem>>) target_semaphore(%arg19 : memref<!tpu.dma_semaphore, #tpu.memory_space<semaphore_mem>>)
    %dma_wait3A_1310 = arith.constant 0 : i32
    %dma_wait3A_1311 = arith.constant 0 : i32
    %dma_wait3A_1312 = tpu.memref_slice %arg14[%dma_wait3A_1310, %dma_wait3A_1311] : memref<120x512xf32, #tpu.memory_space<vmem>> -> memref<120x512xf32, #tpu.memory_space<vmem>>
    %dma_wait3A_1313 = arith.constant 0 : i32
    %dma_wait3A_1314 = tpu.memref_slice %arg7[%add3A_1255, %dma_wait3A_1313] : memref<65536x512xf32, #tpu.memory_space<hbm>> -> memref<120x512xf32, #tpu.memory_space<hbm>>
    %dma_wait3A_1315 = arith.constant 0 : i32
    %dma_wait3A_1316 = arith.constant 0 : i32
    %dma_wait3A_1317 = tpu.memref_slice %arg14[%dma_wait3A_1315, %dma_wait3A_1316] : memref<120x512xf32, #tpu.memory_space<vmem>> -> memref<120x512xf32, #tpu.memory_space<vmem>>
    %dma_wait3A_1318 = arith.constant 0 : i32
    %dma_wait3A_1319 = tpu.memref_slice %arg7[%add3A_1255, %dma_wait3A_1318] : memref<65536x512xf32, #tpu.memory_space<hbm>> -> memref<120x512xf32, #tpu.memory_space<hbm>>
    tpu.wait_dma2 semaphore(%arg20 : memref<!tpu.dma_semaphore, #tpu.memory_space<semaphore_mem>>) src(%dma_wait3A_1319 : memref<120x512xf32, #tpu.memory_space<hbm>>) dst(%dma_wait3A_1317 : memref<120x512xf32, #tpu.memory_space<vmem>>)
    %add3A_1320 = arith.constant 3480 : i32
    %add3A_1321 = arith.addi %mul3A_2, %add3A_1320 : i32
    %dma_start3A_1322 = arith.constant 0 : i32
    %dma_start3A_1323 = arith.constant 0 : i32
    %dma_start3A_1324 = tpu.memref_slice %arg14[%dma_start3A_1322, %dma_start3A_1323] : memref<120x512xf32, #tpu.memory_space<vmem>> -> memref<120x512xf32, #tpu.memory_space<vmem>>
    %dma_start3A_1325 = arith.constant 0 : i32
    %dma_start3A_1326 = tpu.memref_slice %arg10[%add3A_1321, %dma_start3A_1325] : memref<65536x512xf32, #tpu.memory_space<hbm>> -> memref<120x512xf32, #tpu.memory_space<hbm>>
    %dma_start3A_1327 = arith.constant 0 : i32
    %dma_start3A_1328 = tpu.memref_slice %arg10[%add3A_1321, %dma_start3A_1327] : memref<65536x512xf32, #tpu.memory_space<hbm>> -> memref<120x512xf32, #tpu.memory_space<hbm>>
    %dma_start3A_1329 = arith.constant 0 : i32
    %dma_start3A_1330 = arith.constant 0 : i32
    %dma_start3A_1331 = tpu.memref_slice %arg14[%dma_start3A_1329, %dma_start3A_1330] : memref<120x512xf32, #tpu.memory_space<vmem>> -> memref<120x512xf32, #tpu.memory_space<vmem>>
    tpu.enqueue_dma source(%dma_start3A_1331 : memref<120x512xf32, #tpu.memory_space<vmem>>) target(%dma_start3A_1328 : memref<120x512xf32, #tpu.memory_space<hbm>>) target_semaphore(%arg22 : memref<!tpu.dma_semaphore, #tpu.memory_space<semaphore_mem>>)
    %dma_wait3A_1332 = arith.constant 0 : i32
    %dma_wait3A_1333 = arith.constant 0 : i32
    %dma_wait3A_1334 = tpu.memref_slice %arg14[%dma_wait3A_1332, %dma_wait3A_1333] : memref<120x512xf32, #tpu.memory_space<vmem>> -> memref<120x512xf32, #tpu.memory_space<vmem>>
    %dma_wait3A_1335 = arith.constant 0 : i32
    %dma_wait3A_1336 = tpu.memref_slice %arg10[%add3A_1321, %dma_wait3A_1335] : memref<65536x512xf32, #tpu.memory_space<hbm>> -> memref<120x512xf32, #tpu.memory_space<hbm>>
    %dma_wait3A_1337 = arith.constant 0 : i32
    %dma_wait3A_1338 = tpu.memref_slice %arg10[%add3A_1321, %dma_wait3A_1337] : memref<65536x512xf32, #tpu.memory_space<hbm>> -> memref<120x512xf32, #tpu.memory_space<hbm>>
    %dma_wait3A_1339 = arith.constant 0 : i32
    %dma_wait3A_1340 = arith.constant 0 : i32
    %dma_wait3A_1341 = tpu.memref_slice %arg14[%dma_wait3A_1339, %dma_wait3A_1340] : memref<120x512xf32, #tpu.memory_space<vmem>> -> memref<120x512xf32, #tpu.memory_space<vmem>>
    tpu.wait_dma2 semaphore(%arg22 : memref<!tpu.dma_semaphore, #tpu.memory_space<semaphore_mem>>) src(%dma_wait3A_1341 : memref<120x512xf32, #tpu.memory_space<vmem>>) dst(%dma_wait3A_1338 : memref<120x512xf32, #tpu.memory_space<hbm>>)
    %add3A_1342 = arith.constant 3720 : i32
    %add3A_1343 = arith.addi %mul3A_2, %add3A_1342 : i32
    %dma_start3A_1344 = arith.constant 0 : i32
    %dma_start3A_1345 = arith.constant 0 : i32
    %dma_start3A_1346 = tpu.memref_slice %arg14[%dma_start3A_1344, %dma_start3A_1345] : memref<120x512xf32, #tpu.memory_space<vmem>> -> memref<120x512xf32, #tpu.memory_space<vmem>>
    %dma_start3A_1347 = arith.constant 0 : i32
    %dma_start3A_1348 = tpu.memref_slice %arg7[%add3A_1343, %dma_start3A_1347] : memref<65536x512xf32, #tpu.memory_space<hbm>> -> memref<120x512xf32, #tpu.memory_space<hbm>>
    %dma_start3A_1349 = arith.constant 0 : i32
    %dma_start3A_1350 = arith.constant 0 : i32
    %dma_start3A_1351 = tpu.memref_slice %arg14[%dma_start3A_1349, %dma_start3A_1350] : memref<120x512xf32, #tpu.memory_space<vmem>> -> memref<120x512xf32, #tpu.memory_space<vmem>>
    %dma_start3A_1352 = arith.constant 0 : i32
    %dma_start3A_1353 = tpu.memref_slice %arg7[%add3A_1343, %dma_start3A_1352] : memref<65536x512xf32, #tpu.memory_space<hbm>> -> memref<120x512xf32, #tpu.memory_space<hbm>>
    tpu.enqueue_dma source(%dma_start3A_1353 : memref<120x512xf32, #tpu.memory_space<hbm>>) target(%dma_start3A_1351 : memref<120x512xf32, #tpu.memory_space<vmem>>) target_semaphore(%arg20 : memref<!tpu.dma_semaphore, #tpu.memory_space<semaphore_mem>>)
    %dma_wait3A_1354 = arith.constant 0 : i32
    %dma_wait3A_1355 = arith.constant 0 : i32
    %dma_wait3A_1356 = tpu.memref_slice %arg13[%dma_wait3A_1354, %dma_wait3A_1355] : memref<120x512xf32, #tpu.memory_space<vmem>> -> memref<120x512xf32, #tpu.memory_space<vmem>>
    %dma_wait3A_1357 = arith.constant 0 : i32
    %dma_wait3A_1358 = tpu.memref_slice %arg7[%add3A_1299, %dma_wait3A_1357] : memref<65536x512xf32, #tpu.memory_space<hbm>> -> memref<120x512xf32, #tpu.memory_space<hbm>>
    %dma_wait3A_1359 = arith.constant 0 : i32
    %dma_wait3A_1360 = arith.constant 0 : i32
    %dma_wait3A_1361 = tpu.memref_slice %arg13[%dma_wait3A_1359, %dma_wait3A_1360] : memref<120x512xf32, #tpu.memory_space<vmem>> -> memref<120x512xf32, #tpu.memory_space<vmem>>
    %dma_wait3A_1362 = arith.constant 0 : i32
    %dma_wait3A_1363 = tpu.memref_slice %arg7[%add3A_1299, %dma_wait3A_1362] : memref<65536x512xf32, #tpu.memory_space<hbm>> -> memref<120x512xf32, #tpu.memory_space<hbm>>
    tpu.wait_dma2 semaphore(%arg19 : memref<!tpu.dma_semaphore, #tpu.memory_space<semaphore_mem>>) src(%dma_wait3A_1363 : memref<120x512xf32, #tpu.memory_space<hbm>>) dst(%dma_wait3A_1361 : memref<120x512xf32, #tpu.memory_space<vmem>>)
    %add3A_1364 = arith.constant 3600 : i32
    %add3A_1365 = arith.addi %mul3A_2, %add3A_1364 : i32
    %dma_start3A_1366 = arith.constant 0 : i32
    %dma_start3A_1367 = arith.constant 0 : i32
    %dma_start3A_1368 = tpu.memref_slice %arg13[%dma_start3A_1366, %dma_start3A_1367] : memref<120x512xf32, #tpu.memory_space<vmem>> -> memref<120x512xf32, #tpu.memory_space<vmem>>
    %dma_start3A_1369 = arith.constant 0 : i32
    %dma_start3A_1370 = tpu.memref_slice %arg10[%add3A_1365, %dma_start3A_1369] : memref<65536x512xf32, #tpu.memory_space<hbm>> -> memref<120x512xf32, #tpu.memory_space<hbm>>
    %dma_start3A_1371 = arith.constant 0 : i32
    %dma_start3A_1372 = tpu.memref_slice %arg10[%add3A_1365, %dma_start3A_1371] : memref<65536x512xf32, #tpu.memory_space<hbm>> -> memref<120x512xf32, #tpu.memory_space<hbm>>
    %dma_start3A_1373 = arith.constant 0 : i32
    %dma_start3A_1374 = arith.constant 0 : i32
    %dma_start3A_1375 = tpu.memref_slice %arg13[%dma_start3A_1373, %dma_start3A_1374] : memref<120x512xf32, #tpu.memory_space<vmem>> -> memref<120x512xf32, #tpu.memory_space<vmem>>
    tpu.enqueue_dma source(%dma_start3A_1375 : memref<120x512xf32, #tpu.memory_space<vmem>>) target(%dma_start3A_1372 : memref<120x512xf32, #tpu.memory_space<hbm>>) target_semaphore(%arg21 : memref<!tpu.dma_semaphore, #tpu.memory_space<semaphore_mem>>)
    %dma_wait3A_1376 = arith.constant 0 : i32
    %dma_wait3A_1377 = arith.constant 0 : i32
    %dma_wait3A_1378 = tpu.memref_slice %arg13[%dma_wait3A_1376, %dma_wait3A_1377] : memref<120x512xf32, #tpu.memory_space<vmem>> -> memref<120x512xf32, #tpu.memory_space<vmem>>
    %dma_wait3A_1379 = arith.constant 0 : i32
    %dma_wait3A_1380 = tpu.memref_slice %arg10[%add3A_1365, %dma_wait3A_1379] : memref<65536x512xf32, #tpu.memory_space<hbm>> -> memref<120x512xf32, #tpu.memory_space<hbm>>
    %dma_wait3A_1381 = arith.constant 0 : i32
    %dma_wait3A_1382 = tpu.memref_slice %arg10[%add3A_1365, %dma_wait3A_1381] : memref<65536x512xf32, #tpu.memory_space<hbm>> -> memref<120x512xf32, #tpu.memory_space<hbm>>
    %dma_wait3A_1383 = arith.constant 0 : i32
    %dma_wait3A_1384 = arith.constant 0 : i32
    %dma_wait3A_1385 = tpu.memref_slice %arg13[%dma_wait3A_1383, %dma_wait3A_1384] : memref<120x512xf32, #tpu.memory_space<vmem>> -> memref<120x512xf32, #tpu.memory_space<vmem>>
    tpu.wait_dma2 semaphore(%arg21 : memref<!tpu.dma_semaphore, #tpu.memory_space<semaphore_mem>>) src(%dma_wait3A_1385 : memref<120x512xf32, #tpu.memory_space<vmem>>) dst(%dma_wait3A_1382 : memref<120x512xf32, #tpu.memory_space<hbm>>)
    %add3A_1386 = arith.constant 3840 : i32
    %add3A_1387 = arith.addi %mul3A_2, %add3A_1386 : i32
    %dma_start3A_1388 = arith.constant 0 : i32
    %dma_start3A_1389 = arith.constant 0 : i32
    %dma_start3A_1390 = tpu.memref_slice %arg13[%dma_start3A_1388, %dma_start3A_1389] : memref<120x512xf32, #tpu.memory_space<vmem>> -> memref<120x512xf32, #tpu.memory_space<vmem>>
    %dma_start3A_1391 = arith.constant 0 : i32
    %dma_start3A_1392 = tpu.memref_slice %arg7[%add3A_1387, %dma_start3A_1391] : memref<65536x512xf32, #tpu.memory_space<hbm>> -> memref<120x512xf32, #tpu.memory_space<hbm>>
    %dma_start3A_1393 = arith.constant 0 : i32
    %dma_start3A_1394 = arith.constant 0 : i32
    %dma_start3A_1395 = tpu.memref_slice %arg13[%dma_start3A_1393, %dma_start3A_1394] : memref<120x512xf32, #tpu.memory_space<vmem>> -> memref<120x512xf32, #tpu.memory_space<vmem>>
    %dma_start3A_1396 = arith.constant 0 : i32
    %dma_start3A_1397 = tpu.memref_slice %arg7[%add3A_1387, %dma_start3A_1396] : memref<65536x512xf32, #tpu.memory_space<hbm>> -> memref<120x512xf32, #tpu.memory_space<hbm>>
    tpu.enqueue_dma source(%dma_start3A_1397 : memref<120x512xf32, #tpu.memory_space<hbm>>) target(%dma_start3A_1395 : memref<120x512xf32, #tpu.memory_space<vmem>>) target_semaphore(%arg19 : memref<!tpu.dma_semaphore, #tpu.memory_space<semaphore_mem>>)
    %dma_wait3A_1398 = arith.constant 0 : i32
    %dma_wait3A_1399 = arith.constant 0 : i32
    %dma_wait3A_1400 = tpu.memref_slice %arg14[%dma_wait3A_1398, %dma_wait3A_1399] : memref<120x512xf32, #tpu.memory_space<vmem>> -> memref<120x512xf32, #tpu.memory_space<vmem>>
    %dma_wait3A_1401 = arith.constant 0 : i32
    %dma_wait3A_1402 = tpu.memref_slice %arg7[%add3A_1343, %dma_wait3A_1401] : memref<65536x512xf32, #tpu.memory_space<hbm>> -> memref<120x512xf32, #tpu.memory_space<hbm>>
    %dma_wait3A_1403 = arith.constant 0 : i32
    %dma_wait3A_1404 = arith.constant 0 : i32
    %dma_wait3A_1405 = tpu.memref_slice %arg14[%dma_wait3A_1403, %dma_wait3A_1404] : memref<120x512xf32, #tpu.memory_space<vmem>> -> memref<120x512xf32, #tpu.memory_space<vmem>>
    %dma_wait3A_1406 = arith.constant 0 : i32
    %dma_wait3A_1407 = tpu.memref_slice %arg7[%add3A_1343, %dma_wait3A_1406] : memref<65536x512xf32, #tpu.memory_space<hbm>> -> memref<120x512xf32, #tpu.memory_space<hbm>>
    tpu.wait_dma2 semaphore(%arg20 : memref<!tpu.dma_semaphore, #tpu.memory_space<semaphore_mem>>) src(%dma_wait3A_1407 : memref<120x512xf32, #tpu.memory_space<hbm>>) dst(%dma_wait3A_1405 : memref<120x512xf32, #tpu.memory_space<vmem>>)
    %add3A_1408 = arith.constant 3720 : i32
    %add3A_1409 = arith.addi %mul3A_2, %add3A_1408 : i32
    %dma_start3A_1410 = arith.constant 0 : i32
    %dma_start3A_1411 = arith.constant 0 : i32
    %dma_start3A_1412 = tpu.memref_slice %arg14[%dma_start3A_1410, %dma_start3A_1411] : memref<120x512xf32, #tpu.memory_space<vmem>> -> memref<120x512xf32, #tpu.memory_space<vmem>>
    %dma_start3A_1413 = arith.constant 0 : i32
    %dma_start3A_1414 = tpu.memref_slice %arg10[%add3A_1409, %dma_start3A_1413] : memref<65536x512xf32, #tpu.memory_space<hbm>> -> memref<120x512xf32, #tpu.memory_space<hbm>>
    %dma_start3A_1415 = arith.constant 0 : i32
    %dma_start3A_1416 = tpu.memref_slice %arg10[%add3A_1409, %dma_start3A_1415] : memref<65536x512xf32, #tpu.memory_space<hbm>> -> memref<120x512xf32, #tpu.memory_space<hbm>>
    %dma_start3A_1417 = arith.constant 0 : i32
    %dma_start3A_1418 = arith.constant 0 : i32
    %dma_start3A_1419 = tpu.memref_slice %arg14[%dma_start3A_1417, %dma_start3A_1418] : memref<120x512xf32, #tpu.memory_space<vmem>> -> memref<120x512xf32, #tpu.memory_space<vmem>>
    tpu.enqueue_dma source(%dma_start3A_1419 : memref<120x512xf32, #tpu.memory_space<vmem>>) target(%dma_start3A_1416 : memref<120x512xf32, #tpu.memory_space<hbm>>) target_semaphore(%arg22 : memref<!tpu.dma_semaphore, #tpu.memory_space<semaphore_mem>>)
    %dma_wait3A_1420 = arith.constant 0 : i32
    %dma_wait3A_1421 = arith.constant 0 : i32
    %dma_wait3A_1422 = tpu.memref_slice %arg14[%dma_wait3A_1420, %dma_wait3A_1421] : memref<120x512xf32, #tpu.memory_space<vmem>> -> memref<120x512xf32, #tpu.memory_space<vmem>>
    %dma_wait3A_1423 = arith.constant 0 : i32
    %dma_wait3A_1424 = tpu.memref_slice %arg10[%add3A_1409, %dma_wait3A_1423] : memref<65536x512xf32, #tpu.memory_space<hbm>> -> memref<120x512xf32, #tpu.memory_space<hbm>>
    %dma_wait3A_1425 = arith.constant 0 : i32
    %dma_wait3A_1426 = tpu.memref_slice %arg10[%add3A_1409, %dma_wait3A_1425] : memref<65536x512xf32, #tpu.memory_space<hbm>> -> memref<120x512xf32, #tpu.memory_space<hbm>>
    %dma_wait3A_1427 = arith.constant 0 : i32
    %dma_wait3A_1428 = arith.constant 0 : i32
    %dma_wait3A_1429 = tpu.memref_slice %arg14[%dma_wait3A_1427, %dma_wait3A_1428] : memref<120x512xf32, #tpu.memory_space<vmem>> -> memref<120x512xf32, #tpu.memory_space<vmem>>
    tpu.wait_dma2 semaphore(%arg22 : memref<!tpu.dma_semaphore, #tpu.memory_space<semaphore_mem>>) src(%dma_wait3A_1429 : memref<120x512xf32, #tpu.memory_space<vmem>>) dst(%dma_wait3A_1426 : memref<120x512xf32, #tpu.memory_space<hbm>>)
    %add3A_1430 = arith.constant 3960 : i32
    %add3A_1431 = arith.addi %mul3A_2, %add3A_1430 : i32
    %dma_start3A_1432 = arith.constant 0 : i32
    %dma_start3A_1433 = arith.constant 0 : i32
    %dma_start3A_1434 = tpu.memref_slice %arg14[%dma_start3A_1432, %dma_start3A_1433] : memref<120x512xf32, #tpu.memory_space<vmem>> -> memref<120x512xf32, #tpu.memory_space<vmem>>
    %dma_start3A_1435 = arith.constant 0 : i32
    %dma_start3A_1436 = tpu.memref_slice %arg7[%add3A_1431, %dma_start3A_1435] : memref<65536x512xf32, #tpu.memory_space<hbm>> -> memref<120x512xf32, #tpu.memory_space<hbm>>
    %dma_start3A_1437 = arith.constant 0 : i32
    %dma_start3A_1438 = arith.constant 0 : i32
    %dma_start3A_1439 = tpu.memref_slice %arg14[%dma_start3A_1437, %dma_start3A_1438] : memref<120x512xf32, #tpu.memory_space<vmem>> -> memref<120x512xf32, #tpu.memory_space<vmem>>
    %dma_start3A_1440 = arith.constant 0 : i32
    %dma_start3A_1441 = tpu.memref_slice %arg7[%add3A_1431, %dma_start3A_1440] : memref<65536x512xf32, #tpu.memory_space<hbm>> -> memref<120x512xf32, #tpu.memory_space<hbm>>
    tpu.enqueue_dma source(%dma_start3A_1441 : memref<120x512xf32, #tpu.memory_space<hbm>>) target(%dma_start3A_1439 : memref<120x512xf32, #tpu.memory_space<vmem>>) target_semaphore(%arg20 : memref<!tpu.dma_semaphore, #tpu.memory_space<semaphore_mem>>)
    %dma_wait3A_1442 = arith.constant 0 : i32
    %dma_wait3A_1443 = arith.constant 0 : i32
    %dma_wait3A_1444 = tpu.memref_slice %arg13[%dma_wait3A_1442, %dma_wait3A_1443] : memref<120x512xf32, #tpu.memory_space<vmem>> -> memref<120x512xf32, #tpu.memory_space<vmem>>
    %dma_wait3A_1445 = arith.constant 0 : i32
    %dma_wait3A_1446 = tpu.memref_slice %arg7[%add3A_1387, %dma_wait3A_1445] : memref<65536x512xf32, #tpu.memory_space<hbm>> -> memref<120x512xf32, #tpu.memory_space<hbm>>
    %dma_wait3A_1447 = arith.constant 0 : i32
    %dma_wait3A_1448 = arith.constant 0 : i32
    %dma_wait3A_1449 = tpu.memref_slice %arg13[%dma_wait3A_1447, %dma_wait3A_1448] : memref<120x512xf32, #tpu.memory_space<vmem>> -> memref<120x512xf32, #tpu.memory_space<vmem>>
    %dma_wait3A_1450 = arith.constant 0 : i32
    %dma_wait3A_1451 = tpu.memref_slice %arg7[%add3A_1387, %dma_wait3A_1450] : memref<65536x512xf32, #tpu.memory_space<hbm>> -> memref<120x512xf32, #tpu.memory_space<hbm>>
    tpu.wait_dma2 semaphore(%arg19 : memref<!tpu.dma_semaphore, #tpu.memory_space<semaphore_mem>>) src(%dma_wait3A_1451 : memref<120x512xf32, #tpu.memory_space<hbm>>) dst(%dma_wait3A_1449 : memref<120x512xf32, #tpu.memory_space<vmem>>)
    %add3A_1452 = arith.constant 3840 : i32
    %add3A_1453 = arith.addi %mul3A_2, %add3A_1452 : i32
    %dma_start3A_1454 = arith.constant 0 : i32
    %dma_start3A_1455 = arith.constant 0 : i32
    %dma_start3A_1456 = tpu.memref_slice %arg13[%dma_start3A_1454, %dma_start3A_1455] : memref<120x512xf32, #tpu.memory_space<vmem>> -> memref<120x512xf32, #tpu.memory_space<vmem>>
    %dma_start3A_1457 = arith.constant 0 : i32
    %dma_start3A_1458 = tpu.memref_slice %arg10[%add3A_1453, %dma_start3A_1457] : memref<65536x512xf32, #tpu.memory_space<hbm>> -> memref<120x512xf32, #tpu.memory_space<hbm>>
    %dma_start3A_1459 = arith.constant 0 : i32
    %dma_start3A_1460 = tpu.memref_slice %arg10[%add3A_1453, %dma_start3A_1459] : memref<65536x512xf32, #tpu.memory_space<hbm>> -> memref<120x512xf32, #tpu.memory_space<hbm>>
    %dma_start3A_1461 = arith.constant 0 : i32
    %dma_start3A_1462 = arith.constant 0 : i32
    %dma_start3A_1463 = tpu.memref_slice %arg13[%dma_start3A_1461, %dma_start3A_1462] : memref<120x512xf32, #tpu.memory_space<vmem>> -> memref<120x512xf32, #tpu.memory_space<vmem>>
    tpu.enqueue_dma source(%dma_start3A_1463 : memref<120x512xf32, #tpu.memory_space<vmem>>) target(%dma_start3A_1460 : memref<120x512xf32, #tpu.memory_space<hbm>>) target_semaphore(%arg21 : memref<!tpu.dma_semaphore, #tpu.memory_space<semaphore_mem>>)
    %dma_wait3A_1464 = arith.constant 0 : i32
    %dma_wait3A_1465 = arith.constant 0 : i32
    %dma_wait3A_1466 = tpu.memref_slice %arg13[%dma_wait3A_1464, %dma_wait3A_1465] : memref<120x512xf32, #tpu.memory_space<vmem>> -> memref<120x512xf32, #tpu.memory_space<vmem>>
    %dma_wait3A_1467 = arith.constant 0 : i32
    %dma_wait3A_1468 = tpu.memref_slice %arg10[%add3A_1453, %dma_wait3A_1467] : memref<65536x512xf32, #tpu.memory_space<hbm>> -> memref<120x512xf32, #tpu.memory_space<hbm>>
    %dma_wait3A_1469 = arith.constant 0 : i32
    %dma_wait3A_1470 = tpu.memref_slice %arg10[%add3A_1453, %dma_wait3A_1469] : memref<65536x512xf32, #tpu.memory_space<hbm>> -> memref<120x512xf32, #tpu.memory_space<hbm>>
    %dma_wait3A_1471 = arith.constant 0 : i32
    %dma_wait3A_1472 = arith.constant 0 : i32
    %dma_wait3A_1473 = tpu.memref_slice %arg13[%dma_wait3A_1471, %dma_wait3A_1472] : memref<120x512xf32, #tpu.memory_space<vmem>> -> memref<120x512xf32, #tpu.memory_space<vmem>>
    tpu.wait_dma2 semaphore(%arg21 : memref<!tpu.dma_semaphore, #tpu.memory_space<semaphore_mem>>) src(%dma_wait3A_1473 : memref<120x512xf32, #tpu.memory_space<vmem>>) dst(%dma_wait3A_1470 : memref<120x512xf32, #tpu.memory_space<hbm>>)
    %add3A_1474 = arith.constant 4080 : i32
    %add3A_1475 = arith.addi %mul3A_2, %add3A_1474 : i32
    %dma_start3A_1476 = arith.constant 0 : i32
    %dma_start3A_1477 = arith.constant 0 : i32
    %dma_start3A_1478 = tpu.memref_slice %arg13[%dma_start3A_1476, %dma_start3A_1477] : memref<120x512xf32, #tpu.memory_space<vmem>> -> memref<16x512xf32, #tpu.memory_space<vmem>>
    %dma_start3A_1479 = arith.constant 0 : i32
    %dma_start3A_1480 = tpu.memref_slice %arg7[%add3A_1475, %dma_start3A_1479] : memref<65536x512xf32, #tpu.memory_space<hbm>> -> memref<16x512xf32, #tpu.memory_space<hbm>>
    %dma_start3A_1481 = arith.constant 0 : i32
    %dma_start3A_1482 = arith.constant 0 : i32
    %dma_start3A_1483 = tpu.memref_slice %arg13[%dma_start3A_1481, %dma_start3A_1482] : memref<120x512xf32, #tpu.memory_space<vmem>> -> memref<16x512xf32, #tpu.memory_space<vmem>>
    %dma_start3A_1484 = arith.constant 0 : i32
    %dma_start3A_1485 = tpu.memref_slice %arg7[%add3A_1475, %dma_start3A_1484] : memref<65536x512xf32, #tpu.memory_space<hbm>> -> memref<16x512xf32, #tpu.memory_space<hbm>>
    tpu.enqueue_dma source(%dma_start3A_1485 : memref<16x512xf32, #tpu.memory_space<hbm>>) target(%dma_start3A_1483 : memref<16x512xf32, #tpu.memory_space<vmem>>) target_semaphore(%arg19 : memref<!tpu.dma_semaphore, #tpu.memory_space<semaphore_mem>>)
    %dma_wait3A_1486 = arith.constant 0 : i32
    %dma_wait3A_1487 = arith.constant 0 : i32
    %dma_wait3A_1488 = tpu.memref_slice %arg14[%dma_wait3A_1486, %dma_wait3A_1487] : memref<120x512xf32, #tpu.memory_space<vmem>> -> memref<120x512xf32, #tpu.memory_space<vmem>>
    %dma_wait3A_1489 = arith.constant 0 : i32
    %dma_wait3A_1490 = tpu.memref_slice %arg7[%add3A_1431, %dma_wait3A_1489] : memref<65536x512xf32, #tpu.memory_space<hbm>> -> memref<120x512xf32, #tpu.memory_space<hbm>>
    %dma_wait3A_1491 = arith.constant 0 : i32
    %dma_wait3A_1492 = arith.constant 0 : i32
    %dma_wait3A_1493 = tpu.memref_slice %arg14[%dma_wait3A_1491, %dma_wait3A_1492] : memref<120x512xf32, #tpu.memory_space<vmem>> -> memref<120x512xf32, #tpu.memory_space<vmem>>
    %dma_wait3A_1494 = arith.constant 0 : i32
    %dma_wait3A_1495 = tpu.memref_slice %arg7[%add3A_1431, %dma_wait3A_1494] : memref<65536x512xf32, #tpu.memory_space<hbm>> -> memref<120x512xf32, #tpu.memory_space<hbm>>
    tpu.wait_dma2 semaphore(%arg20 : memref<!tpu.dma_semaphore, #tpu.memory_space<semaphore_mem>>) src(%dma_wait3A_1495 : memref<120x512xf32, #tpu.memory_space<hbm>>) dst(%dma_wait3A_1493 : memref<120x512xf32, #tpu.memory_space<vmem>>)
    %add3A_1496 = arith.constant 3960 : i32
    %add3A_1497 = arith.addi %mul3A_2, %add3A_1496 : i32
    %dma_start3A_1498 = arith.constant 0 : i32
    %dma_start3A_1499 = arith.constant 0 : i32
    %dma_start3A_1500 = tpu.memref_slice %arg14[%dma_start3A_1498, %dma_start3A_1499] : memref<120x512xf32, #tpu.memory_space<vmem>> -> memref<120x512xf32, #tpu.memory_space<vmem>>
    %dma_start3A_1501 = arith.constant 0 : i32
    %dma_start3A_1502 = tpu.memref_slice %arg10[%add3A_1497, %dma_start3A_1501] : memref<65536x512xf32, #tpu.memory_space<hbm>> -> memref<120x512xf32, #tpu.memory_space<hbm>>
    %dma_start3A_1503 = arith.constant 0 : i32
    %dma_start3A_1504 = tpu.memref_slice %arg10[%add3A_1497, %dma_start3A_1503] : memref<65536x512xf32, #tpu.memory_space<hbm>> -> memref<120x512xf32, #tpu.memory_space<hbm>>
    %dma_start3A_1505 = arith.constant 0 : i32
    %dma_start3A_1506 = arith.constant 0 : i32
    %dma_start3A_1507 = tpu.memref_slice %arg14[%dma_start3A_1505, %dma_start3A_1506] : memref<120x512xf32, #tpu.memory_space<vmem>> -> memref<120x512xf32, #tpu.memory_space<vmem>>
    tpu.enqueue_dma source(%dma_start3A_1507 : memref<120x512xf32, #tpu.memory_space<vmem>>) target(%dma_start3A_1504 : memref<120x512xf32, #tpu.memory_space<hbm>>) target_semaphore(%arg22 : memref<!tpu.dma_semaphore, #tpu.memory_space<semaphore_mem>>)
    %dma_wait3A_1508 = arith.constant 0 : i32
    %dma_wait3A_1509 = arith.constant 0 : i32
    %dma_wait3A_1510 = tpu.memref_slice %arg13[%dma_wait3A_1508, %dma_wait3A_1509] : memref<120x512xf32, #tpu.memory_space<vmem>> -> memref<16x512xf32, #tpu.memory_space<vmem>>
    %dma_wait3A_1511 = arith.constant 0 : i32
    %dma_wait3A_1512 = tpu.memref_slice %arg7[%add3A_1475, %dma_wait3A_1511] : memref<65536x512xf32, #tpu.memory_space<hbm>> -> memref<16x512xf32, #tpu.memory_space<hbm>>
    %dma_wait3A_1513 = arith.constant 0 : i32
    %dma_wait3A_1514 = arith.constant 0 : i32
    %dma_wait3A_1515 = tpu.memref_slice %arg13[%dma_wait3A_1513, %dma_wait3A_1514] : memref<120x512xf32, #tpu.memory_space<vmem>> -> memref<16x512xf32, #tpu.memory_space<vmem>>
    %dma_wait3A_1516 = arith.constant 0 : i32
    %dma_wait3A_1517 = tpu.memref_slice %arg7[%add3A_1475, %dma_wait3A_1516] : memref<65536x512xf32, #tpu.memory_space<hbm>> -> memref<16x512xf32, #tpu.memory_space<hbm>>
    tpu.wait_dma2 semaphore(%arg19 : memref<!tpu.dma_semaphore, #tpu.memory_space<semaphore_mem>>) src(%dma_wait3A_1517 : memref<16x512xf32, #tpu.memory_space<hbm>>) dst(%dma_wait3A_1515 : memref<16x512xf32, #tpu.memory_space<vmem>>)
    %add3A_1518 = arith.constant 4080 : i32
    %add3A_1519 = arith.addi %mul3A_2, %add3A_1518 : i32
    %dma_start3A_1520 = arith.constant 0 : i32
    %dma_start3A_1521 = arith.constant 0 : i32
    %dma_start3A_1522 = tpu.memref_slice %arg13[%dma_start3A_1520, %dma_start3A_1521] : memref<120x512xf32, #tpu.memory_space<vmem>> -> memref<16x512xf32, #tpu.memory_space<vmem>>
    %dma_start3A_1523 = arith.constant 0 : i32
    %dma_start3A_1524 = tpu.memref_slice %arg10[%add3A_1519, %dma_start3A_1523] : memref<65536x512xf32, #tpu.memory_space<hbm>> -> memref<16x512xf32, #tpu.memory_space<hbm>>
    %dma_start3A_1525 = arith.constant 0 : i32
    %dma_start3A_1526 = tpu.memref_slice %arg10[%add3A_1519, %dma_start3A_1525] : memref<65536x512xf32, #tpu.memory_space<hbm>> -> memref<16x512xf32, #tpu.memory_space<hbm>>
    %dma_start3A_1527 = arith.constant 0 : i32
    %dma_start3A_1528 = arith.constant 0 : i32
    %dma_start3A_1529 = tpu.memref_slice %arg13[%dma_start3A_1527, %dma_start3A_1528] : memref<120x512xf32, #tpu.memory_space<vmem>> -> memref<16x512xf32, #tpu.memory_space<vmem>>
    tpu.enqueue_dma source(%dma_start3A_1529 : memref<16x512xf32, #tpu.memory_space<vmem>>) target(%dma_start3A_1526 : memref<16x512xf32, #tpu.memory_space<hbm>>) target_semaphore(%arg21 : memref<!tpu.dma_semaphore, #tpu.memory_space<semaphore_mem>>)
    %dma_wait3A_1530 = arith.constant 0 : i32
    %dma_wait3A_1531 = arith.constant 0 : i32
    %dma_wait3A_1532 = tpu.memref_slice %arg14[%dma_wait3A_1530, %dma_wait3A_1531] : memref<120x512xf32, #tpu.memory_space<vmem>> -> memref<120x512xf32, #tpu.memory_space<vmem>>
    %dma_wait3A_1533 = arith.constant 0 : i32
    %dma_wait3A_1534 = tpu.memref_slice %arg10[%add3A_1497, %dma_wait3A_1533] : memref<65536x512xf32, #tpu.memory_space<hbm>> -> memref<120x512xf32, #tpu.memory_space<hbm>>
    %dma_wait3A_1535 = arith.constant 0 : i32
    %dma_wait3A_1536 = tpu.memref_slice %arg10[%add3A_1497, %dma_wait3A_1535] : memref<65536x512xf32, #tpu.memory_space<hbm>> -> memref<120x512xf32, #tpu.memory_space<hbm>>
    %dma_wait3A_1537 = arith.constant 0 : i32
    %dma_wait3A_1538 = arith.constant 0 : i32
    %dma_wait3A_1539 = tpu.memref_slice %arg14[%dma_wait3A_1537, %dma_wait3A_1538] : memref<120x512xf32, #tpu.memory_space<vmem>> -> memref<120x512xf32, #tpu.memory_space<vmem>>
    tpu.wait_dma2 semaphore(%arg22 : memref<!tpu.dma_semaphore, #tpu.memory_space<semaphore_mem>>) src(%dma_wait3A_1539 : memref<120x512xf32, #tpu.memory_space<vmem>>) dst(%dma_wait3A_1536 : memref<120x512xf32, #tpu.memory_space<hbm>>)
    %dma_wait3A_1540 = arith.constant 0 : i32
    %dma_wait3A_1541 = arith.constant 0 : i32
    %dma_wait3A_1542 = tpu.memref_slice %arg13[%dma_wait3A_1540, %dma_wait3A_1541] : memref<120x512xf32, #tpu.memory_space<vmem>> -> memref<16x512xf32, #tpu.memory_space<vmem>>
    %dma_wait3A_1543 = arith.constant 0 : i32
    %dma_wait3A_1544 = tpu.memref_slice %arg10[%add3A_1519, %dma_wait3A_1543] : memref<65536x512xf32, #tpu.memory_space<hbm>> -> memref<16x512xf32, #tpu.memory_space<hbm>>
    %dma_wait3A_1545 = arith.constant 0 : i32
    %dma_wait3A_1546 = tpu.memref_slice %arg10[%add3A_1519, %dma_wait3A_1545] : memref<65536x512xf32, #tpu.memory_space<hbm>> -> memref<16x512xf32, #tpu.memory_space<hbm>>
    %dma_wait3A_1547 = arith.constant 0 : i32
    %dma_wait3A_1548 = arith.constant 0 : i32
    %dma_wait3A_1549 = tpu.memref_slice %arg13[%dma_wait3A_1547, %dma_wait3A_1548] : memref<120x512xf32, #tpu.memory_space<vmem>> -> memref<16x512xf32, #tpu.memory_space<vmem>>
    tpu.wait_dma2 semaphore(%arg21 : memref<!tpu.dma_semaphore, #tpu.memory_space<semaphore_mem>>) src(%dma_wait3A_1549 : memref<16x512xf32, #tpu.memory_space<vmem>>) dst(%dma_wait3A_1546 : memref<16x512xf32, #tpu.memory_space<hbm>>)
    %dma_start3A_1550 = arith.constant 0 : i32
    %dma_start3A_1551 = arith.constant 0 : i32
    %dma_start3A_1552 = tpu.memref_slice %arg13[%dma_start3A_1550, %dma_start3A_1551] : memref<120x512xf32, #tpu.memory_space<vmem>> -> memref<64x512xf32, #tpu.memory_space<vmem>>
    %dma_start3A_1553 = arith.constant 0 : i32
    %dma_start3A_1554 = arith.constant 0 : i32
    %dma_start3A_1555 = tpu.memref_slice %arg2[%dma_start3A_1553, %dma_start3A_1554] : memref<1024x512xf32, #tpu.memory_space<hbm>> -> memref<1024x512xf32, #tpu.memory_space<hbm>>
    tpu.enqueue_indirect_dma source(%dma_start3A_1555 : memref<1024x512xf32, #tpu.memory_space<hbm>>) target(%dma_start3A_1552 : memref<64x512xf32, #tpu.memory_space<vmem>>) offsets(%arg16 : memref<64xi32, #tpu.memory_space<vmem>>) semaphore(%arg23 : memref<!tpu.dma_semaphore, #tpu.memory_space<semaphore_mem>>)
    %dma_wait3A_1556 = arith.constant 0 : i32
    %dma_wait3A_1557 = arith.constant 0 : i32
    %dma_wait3A_1558 = tpu.memref_slice %arg13[%dma_wait3A_1556, %dma_wait3A_1557] : memref<120x512xf32, #tpu.memory_space<vmem>> -> memref<64x512xf32, #tpu.memory_space<vmem>>
    %dma_wait3A_1559 = arith.constant 0 : i32
    %dma_wait3A_1560 = arith.constant 0 : i32
    %dma_wait3A_1561 = tpu.memref_slice %arg2[%dma_wait3A_1559, %dma_wait3A_1560] : memref<1024x512xf32, #tpu.memory_space<hbm>> -> memref<1024x512xf32, #tpu.memory_space<hbm>>
    tpu.wait_indirect_dma semaphore(%arg23 : memref<!tpu.dma_semaphore, #tpu.memory_space<semaphore_mem>>) src(%dma_wait3A_1561 : memref<1024x512xf32, #tpu.memory_space<hbm>>) dst(%dma_wait3A_1558 : memref<64x512xf32, #tpu.memory_space<vmem>>)
    %dma_wait3A_1562 = tpu.memref_slice %arg11[%mul3A_2] : memref<65536xi32, #tpu.memory_space<hbm>> -> memref<4096xi32, #tpu.memory_space<hbm>>
    %dma_wait3A_1563 = tpu.memref_slice %arg8[%mul3A_2] : memref<65536xi32, #tpu.memory_space<hbm>> -> memref<4096xi32, #tpu.memory_space<hbm>>
    tpu.wait_dma2 semaphore(%arg24 : memref<!tpu.dma_semaphore, #tpu.memory_space<semaphore_mem>>) src(%dma_wait3A_1563 : memref<4096xi32, #tpu.memory_space<hbm>>) dst(%dma_wait3A_1562 : memref<4096xi32, #tpu.memory_space<hbm>>)
    %dma_wait3A_1564 = tpu.memref_slice %arg12[%mul3A_2] : memref<65536xi32, #tpu.memory_space<hbm>> -> memref<4096xi32, #tpu.memory_space<hbm>>
    %dma_wait3A_1565 = tpu.memref_slice %arg9[%mul3A_2] : memref<65536xi32, #tpu.memory_space<hbm>> -> memref<4096xi32, #tpu.memory_space<hbm>>
    tpu.wait_dma2 semaphore(%arg25 : memref<!tpu.dma_semaphore, #tpu.memory_space<semaphore_mem>>) src(%dma_wait3A_1565 : memref<4096xi32, #tpu.memory_space<hbm>>) dst(%dma_wait3A_1564 : memref<4096xi32, #tpu.memory_space<hbm>>)
    %barrier3A = arith.constant 0 : index
    tpu.barrier barrier_id(%barrier3A)
    %dma_start3A_1566 = arith.constant 0 : i32
    %dma_start3A_1567 = arith.constant 0 : i32
    %dma_start3A_1568 = tpu.memref_slice %arg13[%dma_start3A_1566, %dma_start3A_1567] : memref<120x512xf32, #tpu.memory_space<vmem>> -> memref<64x512xf32, #tpu.memory_space<vmem>>
    %dma_start3A_1569 = arith.constant 0 : i32
    %dma_start3A_1570 = arith.constant 0 : i32
    %dma_start3A_1571 = tpu.memref_slice %arg10[%dma_start3A_1569, %dma_start3A_1570] : memref<65536x512xf32, #tpu.memory_space<hbm>> -> memref<65536x512xf32, #tpu.memory_space<hbm>>
    tpu.enqueue_indirect_dma source(%dma_start3A_1568 : memref<64x512xf32, #tpu.memory_space<vmem>>) target(%dma_start3A_1571 : memref<65536x512xf32, #tpu.memory_space<hbm>>) offsets(%arg15 : memref<64xi32, #tpu.memory_space<vmem>>) semaphore(%arg23 : memref<!tpu.dma_semaphore, #tpu.memory_space<semaphore_mem>>)
    %dma_wait3A_1572 = arith.constant 0 : i32
    %dma_wait3A_1573 = arith.constant 0 : i32
    %dma_wait3A_1574 = tpu.memref_slice %arg13[%dma_wait3A_1572, %dma_wait3A_1573] : memref<120x512xf32, #tpu.memory_space<vmem>> -> memref<64x512xf32, #tpu.memory_space<vmem>>
    %dma_wait3A_1575 = arith.constant 0 : i32
    %dma_wait3A_1576 = arith.constant 0 : i32
    %dma_wait3A_1577 = tpu.memref_slice %arg10[%dma_wait3A_1575, %dma_wait3A_1576] : memref<65536x512xf32, #tpu.memory_space<hbm>> -> memref<65536x512xf32, #tpu.memory_space<hbm>>
    tpu.wait_indirect_dma semaphore(%arg23 : memref<!tpu.dma_semaphore, #tpu.memory_space<semaphore_mem>>) src(%dma_wait3A_1574 : memref<64x512xf32, #tpu.memory_space<vmem>>) dst(%dma_wait3A_1577 : memref<65536x512xf32, #tpu.memory_space<hbm>>)
    %dma_start3A_1578 = arith.constant 0 : i32
    %dma_start3A_1579 = tpu.memref_slice %arg11[%dma_start3A_1578] : memref<65536xi32, #tpu.memory_space<hbm>> -> memref<65536xi32, #tpu.memory_space<hbm>>
    tpu.enqueue_indirect_dma source(%arg17 : memref<64xi32, #tpu.memory_space<vmem>>) target(%dma_start3A_1579 : memref<65536xi32, #tpu.memory_space<hbm>>) offsets(%arg15 : memref<64xi32, #tpu.memory_space<vmem>>) semaphore(%arg24 : memref<!tpu.dma_semaphore, #tpu.memory_space<semaphore_mem>>)
    %dma_wait3A_1580 = arith.constant 0 : i32
    %dma_wait3A_1581 = tpu.memref_slice %arg11[%dma_wait3A_1580] : memref<65536xi32, #tpu.memory_space<hbm>> -> memref<65536xi32, #tpu.memory_space<hbm>>
    tpu.wait_indirect_dma semaphore(%arg24 : memref<!tpu.dma_semaphore, #tpu.memory_space<semaphore_mem>>) src(%arg17 : memref<64xi32, #tpu.memory_space<vmem>>) dst(%dma_wait3A_1581 : memref<65536xi32, #tpu.memory_space<hbm>>)
    %dma_start3A_1582 = arith.constant 0 : i32
    %dma_start3A_1583 = tpu.memref_slice %arg12[%dma_start3A_1582] : memref<65536xi32, #tpu.memory_space<hbm>> -> memref<65536xi32, #tpu.memory_space<hbm>>
    tpu.enqueue_indirect_dma source(%arg18 : memref<64xi32, #tpu.memory_space<vmem>>) target(%dma_start3A_1583 : memref<65536xi32, #tpu.memory_space<hbm>>) offsets(%arg15 : memref<64xi32, #tpu.memory_space<vmem>>) semaphore(%arg25 : memref<!tpu.dma_semaphore, #tpu.memory_space<semaphore_mem>>)
    %dma_wait3A_1584 = arith.constant 0 : i32
    %dma_wait3A_1585 = tpu.memref_slice %arg12[%dma_wait3A_1584] : memref<65536xi32, #tpu.memory_space<hbm>> -> memref<65536xi32, #tpu.memory_space<hbm>>
    tpu.wait_indirect_dma semaphore(%arg25 : memref<!tpu.dma_semaphore, #tpu.memory_space<semaphore_mem>>) src(%arg18 : memref<64xi32, #tpu.memory_space<vmem>>) dst(%dma_wait3A_1585 : memref<65536xi32, #tpu.memory_space<hbm>>)
    return
  }
}

module attributes {stable_mosaic.version = 14 : i64} {
  func.func @_control_body(%arg0: memref<1024x1xi32, #tpu.memory_space<vmem>>, %arg1: memref<1x1024xi32, #tpu.memory_space<vmem>>, %arg2: memref<1024x1xi32, #tpu.memory_space<vmem>>, %arg3: memref<1024x128xf32, #tpu.memory_space<vmem>>, %arg4: memref<1024x1xi32, #tpu.memory_space<vmem>>, %arg5: memref<1024x1xi32, #tpu.memory_space<vmem>>, %arg6: memref<1024x1xi32, #tpu.memory_space<vmem>>, %arg7: memref<1024x1xi32, #tpu.memory_space<vmem>>, %arg8: memref<1024x1xi32, #tpu.memory_space<vmem>>, %arg9: memref<1024x1xi32, #tpu.memory_space<vmem>>, %arg10: memref<1024x1xi32, #tpu.memory_space<vmem>>, %arg11: memref<1024x1xi32, #tpu.memory_space<vmem>>, %arg12: memref<1024x1xi32, #tpu.memory_space<vmem>>, %arg13: memref<1024x1xi32, #tpu.memory_space<vmem>>, %arg14: memref<1024x1xi32, #tpu.memory_space<vmem>>) attributes {dimension_semantics = [], scalar_prefetch = 0 : i64, scratch_operands = 0 : i64, tpu.core_type = #tpu.core_type<tc>} {
    %get3A = arith.constant 0 : index
    %get3A_0 = arith.constant 0 : index
    %get3A_1 = vector.load %arg0[%get3A, %get3A_0] : memref<1024x1xi32, #tpu.memory_space<vmem>>, vector<1024x1xi32>
    %get3A_2 = arith.constant 0 : index
    %get3A_3 = arith.constant 0 : index
    %get3A_4 = vector.load %arg1[%get3A_2, %get3A_3] : memref<1x1024xi32, #tpu.memory_space<vmem>>, vector<1x1024xi32>
    %iota3A = tpu.iota {dimensions = array<i32: 0>} : vector<1024x1024xi32>
    %iota3A_5 = tpu.iota {dimensions = array<i32: 1>} : vector<1024x1024xi32>
    %gt3A = arith.cmpi sgt, %iota3A, %iota3A_5 : vector<1024x1024xi32>
    %eq3A = vector.broadcast %get3A_1 : vector<1024x1xi32> to vector<1024x1024xi32>
    %eq3A_6 = vector.broadcast %get3A_4 : vector<1x1024xi32> to vector<1024x1024xi32>
    %eq3A_7 = arith.cmpi eq, %eq3A, %eq3A_6 : vector<1024x1024xi32>
    %and3A = arith.andi %eq3A_7, %gt3A : vector<1024x1024xi1>
    %jit3A = arith.constant 1 : i32
    %jit3A_8 = arith.constant 0 : i32
    %broadcast_in_dim3A = vector.broadcast %jit3A : i32 to vector<1024x1024xi32>
    %broadcast_in_dim3A_9 = vector.broadcast %jit3A_8 : i32 to vector<1024x1024xi32>
    %select_n3A = arith.select %and3A, %broadcast_in_dim3A, %broadcast_in_dim3A_9 : vector<1024x1024xi1>, vector<1024x1024xi32>
    %reduce_sum3A = arith.constant dense<0> : vector<1024xi32>
    %reduce_sum3A_10 = vector.multi_reduction <add>, %select_n3A, %reduce_sum3A [1] : vector<1024x1024xi32> to vector<1024xi32>
    %broadcast_in_dim3A_11 = vector.shape_cast %reduce_sum3A_10 : vector<1024xi32> to vector<1024x1xi32>
    %iota3A_12 = tpu.iota {dimensions = array<i32: 0>} : vector<1024x1024xi32>
    %eq3A_13 = vector.broadcast %get3A_4 : vector<1x1024xi32> to vector<1024x1024xi32>
    %eq3A_14 = arith.cmpi eq, %iota3A_12, %eq3A_13 : vector<1024x1024xi32>
    %jit3A_15 = arith.constant 1 : i32
    %jit3A_16 = arith.constant 0 : i32
    %broadcast_in_dim3A_17 = vector.broadcast %jit3A_15 : i32 to vector<1024x1024xi32>
    %broadcast_in_dim3A_18 = vector.broadcast %jit3A_16 : i32 to vector<1024x1024xi32>
    %select_n3A_19 = arith.select %eq3A_14, %broadcast_in_dim3A_17, %broadcast_in_dim3A_18 : vector<1024x1024xi1>, vector<1024x1024xi32>
    %reduce_sum3A_20 = arith.constant dense<0> : vector<1024xi32>
    %reduce_sum3A_21 = vector.multi_reduction <add>, %select_n3A_19, %reduce_sum3A_20 [1] : vector<1024x1024xi32> to vector<1024xi32>
    %broadcast_in_dim3A_22 = vector.shape_cast %reduce_sum3A_21 : vector<1024xi32> to vector<1024x1xi32>
    %get3A_23 = arith.constant 0 : index
    %get3A_24 = arith.constant 0 : index
    %get3A_25 = vector.load %arg4[%get3A_23, %get3A_24] : memref<1024x1xi32, #tpu.memory_space<vmem>>, vector<1024x1xi32>
    %add3A = arith.addi %get3A_25, %broadcast_in_dim3A_22 : vector<1024x1xi32>
    %get3A_26 = arith.constant 0 : index
    %get3A_27 = arith.constant 0 : index
    %get3A_28 = vector.load %arg5[%get3A_26, %get3A_27] : memref<1024x1xi32, #tpu.memory_space<vmem>>, vector<1024x1xi32>
    %eq3A_29 = arith.constant 0 : i32
    %eq3A_30 = vector.broadcast %eq3A_29 : i32 to vector<1024x1xi32>
    %eq3A_31 = arith.cmpi eq, %get3A_28, %eq3A_30 : vector<1024x1xi32>
    %broadcast_in_dim3A_32 = arith.constant 1 : i32
    %broadcast_in_dim3A_33 = vector.broadcast %broadcast_in_dim3A_32 : i32 to vector<1024x1xi32>
    %select_n3A_34 = arith.select %eq3A_31, %broadcast_in_dim3A_33, %get3A_28 : vector<1024x1xi1>, vector<1024x1xi32>
    %rem3A = arith.remsi %add3A, %select_n3A_34 : vector<1024x1xi32>
    %ne3A = arith.constant 0 : i32
    %ne3A_35 = vector.broadcast %ne3A : i32 to vector<1024x1xi32>
    %ne3A_36 = arith.cmpi ne, %rem3A, %ne3A_35 : vector<1024x1xi32>
    %lt3A = arith.constant 0 : i32
    %lt3A_37 = vector.broadcast %lt3A : i32 to vector<1024x1xi32>
    %lt3A_38 = arith.cmpi slt, %rem3A, %lt3A_37 : vector<1024x1xi32>
    %lt3A_39 = arith.constant 0 : i32
    %lt3A_40 = vector.broadcast %lt3A_39 : i32 to vector<1024x1xi32>
    %lt3A_41 = arith.cmpi slt, %select_n3A_34, %lt3A_40 : vector<1024x1xi32>
    %ne3A_42 = arith.xori %lt3A_38, %lt3A_41 : vector<1024x1xi1>
    %and3A_43 = arith.andi %ne3A_42, %ne3A_36 : vector<1024x1xi1>
    %add3A_44 = arith.addi %rem3A, %select_n3A_34 : vector<1024x1xi32>
    %select_n3A_45 = arith.select %and3A_43, %add3A_44, %rem3A : vector<1024x1xi1>, vector<1024x1xi32>
    %swap3A = arith.constant 0 : index
    %swap3A_46 = arith.constant 0 : index
    %swap3A_47 = vector.load %arg14[%swap3A, %swap3A_46] : memref<1024x1xi32, #tpu.memory_space<vmem>>, vector<1024x1xi32>
    tpu.vector_store %arg14[%swap3A, %swap3A_46], %select_n3A_45 {strides = array<i32>} : memref<1024x1xi32, #tpu.memory_space<vmem>>, vector<1024x1xi32>,
    %iota3A_48 = tpu.iota {dimensions = array<i32: 1>} : vector<1x1024xi32>
    %eq3A_49 = vector.broadcast %get3A_1 : vector<1024x1xi32> to vector<1024x1024xi32>
    %eq3A_50 = vector.broadcast %iota3A_48 : vector<1x1024xi32> to vector<1024x1024xi32>
    %eq3A_51 = arith.cmpi eq, %eq3A_49, %eq3A_50 : vector<1024x1024xi32>
    %jit3A_52 = arith.constant 1.000000e+00 : f32
    %jit3A_53 = arith.constant 0.000000e+00 : f32
    %broadcast_in_dim3A_54 = vector.broadcast %jit3A_52 : f32 to vector<1024x1024xf32>
    %broadcast_in_dim3A_55 = vector.broadcast %jit3A_53 : f32 to vector<1024x1024xf32>
    %select_n3A_56 = arith.select %eq3A_51, %broadcast_in_dim3A_54, %broadcast_in_dim3A_55 : vector<1024x1024xi1>, vector<1024x1024xf32>
    %get3A_57 = arith.constant 0 : index
    %get3A_58 = arith.constant 0 : index
    %get3A_59 = vector.load %arg3[%get3A_57, %get3A_58] : memref<1024x128xf32, #tpu.memory_space<vmem>>, vector<1024x128xf32>
    %dot_general3A = arith.constant dense<0.000000e+00> : vector<1024x128xf32>
    %dot_general3A_60 = tpu.matmul %select_n3A_56, %get3A_59, %dot_general3A {dimension_numbers = #tpu.dot_dimension_numbers<[1], [0], [0], [1], [0, 0, 1, 1], [], []>, precision = #tpu.contract_precision<fp32>, transpose_lhs_hint = false} : vector<1024x1024xf32>, vector<1024x128xf32>, vector<1024x128xf32> -> vector<1024x128xf32>
    %round3A = math.roundeven %dot_general3A_60 : vector<1024x128xf32>
    %slice3A = vector.extract_strided_slice %round3A {offsets = [0, 0], sizes = [1024, 1], strides = [1, 1]} : vector<1024x128xf32> to vector<1024x1xf32>
    %convert_element_type3A = arith.fptosi %slice3A : vector<1024x1xf32> to vector<1024x1xi32>
    %slice3A_61 = vector.extract_strided_slice %round3A {offsets = [0, 1], sizes = [1024, 1], strides = [1, 1]} : vector<1024x128xf32> to vector<1024x1xf32>
    %convert_element_type3A_62 = arith.fptosi %slice3A_61 : vector<1024x1xf32> to vector<1024x1xi32>
    %slice3A_63 = vector.extract_strided_slice %round3A {offsets = [0, 2], sizes = [1024, 1], strides = [1, 1]} : vector<1024x128xf32> to vector<1024x1xf32>
    %convert_element_type3A_64 = arith.fptosi %slice3A_63 : vector<1024x1xf32> to vector<1024x1xi32>
    %add3A_65 = arith.addi %convert_element_type3A, %broadcast_in_dim3A_11 : vector<1024x1xi32>
    %max3A = arith.constant 1 : i32
    %max3A_66 = vector.broadcast %max3A : i32 to vector<1024x1xi32>
    %max3A_67 = arith.maxsi %convert_element_type3A_64, %max3A_66 : vector<1024x1xi32>
    %eq3A_68 = arith.constant 0 : i32
    %eq3A_69 = vector.broadcast %eq3A_68 : i32 to vector<1024x1xi32>
    %eq3A_70 = arith.cmpi eq, %max3A_67, %eq3A_69 : vector<1024x1xi32>
    %broadcast_in_dim3A_71 = arith.constant 1 : i32
    %broadcast_in_dim3A_72 = vector.broadcast %broadcast_in_dim3A_71 : i32 to vector<1024x1xi32>
    %select_n3A_73 = arith.select %eq3A_70, %broadcast_in_dim3A_72, %max3A_67 : vector<1024x1xi1>, vector<1024x1xi32>
    %rem3A_74 = arith.remsi %add3A_65, %select_n3A_73 : vector<1024x1xi32>
    %ne3A_75 = arith.constant 0 : i32
    %ne3A_76 = vector.broadcast %ne3A_75 : i32 to vector<1024x1xi32>
    %ne3A_77 = arith.cmpi ne, %rem3A_74, %ne3A_76 : vector<1024x1xi32>
    %lt3A_78 = arith.constant 0 : i32
    %lt3A_79 = vector.broadcast %lt3A_78 : i32 to vector<1024x1xi32>
    %lt3A_80 = arith.cmpi slt, %rem3A_74, %lt3A_79 : vector<1024x1xi32>
    %lt3A_81 = arith.constant 0 : i32
    %lt3A_82 = vector.broadcast %lt3A_81 : i32 to vector<1024x1xi32>
    %lt3A_83 = arith.cmpi slt, %select_n3A_73, %lt3A_82 : vector<1024x1xi32>
    %ne3A_84 = arith.xori %lt3A_80, %lt3A_83 : vector<1024x1xi1>
    %and3A_85 = arith.andi %ne3A_84, %ne3A_77 : vector<1024x1xi1>
    %add3A_86 = arith.addi %rem3A_74, %select_n3A_73 : vector<1024x1xi32>
    %select_n3A_87 = arith.select %and3A_85, %add3A_86, %rem3A_74 : vector<1024x1xi1>, vector<1024x1xi32>
    %add3A_88 = arith.addi %convert_element_type3A_62, %select_n3A_87 : vector<1024x1xi32>
    %lt3A_89 = arith.cmpi slt, %broadcast_in_dim3A_11, %convert_element_type3A_64 : vector<1024x1xi32>
    %iota3A_90 = tpu.iota {dimensions = array<i32: 0>} : vector<1024x1xi32>
    %slice3A_91 = vector.extract_strided_slice %add3A_88 {offsets = [0, 0], sizes = [1, 1], strides = [1, 1]} : vector<1024x1xi32> to vector<1x1xi32>
    %broadcast_in_dim3A_92 = vector.shape_cast %slice3A_91 : vector<1x1xi32> to vector<1x1xi32>
    %broadcast_in_dim3A_93 = vector.broadcast %broadcast_in_dim3A_92 : vector<1x1xi32> to vector<1024x1xi32>
    %select_n3A_94 = arith.select %lt3A_89, %add3A_88, %broadcast_in_dim3A_93 : vector<1024x1xi1>, vector<1024x1xi32>
    %jit3A_95 = arith.constant 0 : i32
    %broadcast_in_dim3A_96 = vector.broadcast %jit3A_95 : i32 to vector<1024x1xi32>
    %select_n3A_97 = arith.select %lt3A_89, %iota3A_90, %broadcast_in_dim3A_96 : vector<1024x1xi1>, vector<1024x1xi32>
    %slice3A_98 = vector.extract_strided_slice %get3A_1 {offsets = [0, 0], sizes = [1, 1], strides = [1, 1]} : vector<1024x1xi32> to vector<1x1xi32>
    %broadcast_in_dim3A_99 = vector.shape_cast %slice3A_98 : vector<1x1xi32> to vector<1x1xi32>
    %broadcast_in_dim3A_100 = vector.broadcast %broadcast_in_dim3A_99 : vector<1x1xi32> to vector<1024x1xi32>
    %select_n3A_101 = arith.select %lt3A_89, %get3A_1, %broadcast_in_dim3A_100 : vector<1024x1xi1>, vector<1024x1xi32>
    %get3A_102 = arith.constant 0 : index
    %get3A_103 = arith.constant 0 : index
    %get3A_104 = vector.load %arg2[%get3A_102, %get3A_103] : memref<1024x1xi32, #tpu.memory_space<vmem>>, vector<1024x1xi32>
    %get3A_105 = arith.constant 0 : index
    %get3A_106 = arith.constant 0 : index
    %get3A_107 = vector.load %arg2[%get3A_105, %get3A_106] : memref<1024x1xi32, #tpu.memory_space<vmem>>, vector<1x1xi32>
    %broadcast_in_dim3A_108 = vector.shape_cast %get3A_107 : vector<1x1xi32> to vector<1x1xi32>
    %broadcast_in_dim3A_109 = vector.broadcast %broadcast_in_dim3A_108 : vector<1x1xi32> to vector<1024x1xi32>
    %select_n3A_110 = arith.select %lt3A_89, %get3A_104, %broadcast_in_dim3A_109 : vector<1024x1xi1>, vector<1024x1xi32>
    %lt3A_111 = arith.constant 65536 : i32
    %lt3A_112 = vector.broadcast %lt3A_111 : i32 to vector<1024x1xi32>
    %lt3A_113 = arith.cmpi slt, %select_n3A_94, %lt3A_112 : vector<1024x1xi32>
    %jit3A_114 = arith.constant 1 : i32
    %jit3A_115 = arith.constant 0 : i32
    %broadcast_in_dim3A_116 = vector.broadcast %jit3A_114 : i32 to vector<1024x1xi32>
    %broadcast_in_dim3A_117 = vector.broadcast %jit3A_115 : i32 to vector<1024x1xi32>
    %select_n3A_118 = arith.select %lt3A_113, %broadcast_in_dim3A_116, %broadcast_in_dim3A_117 : vector<1024x1xi1>, vector<1024x1xi32>
    %transpose3A = tpu.transpose %select_n3A_118, [1, 0] : vector<1024x1xi32> -> vector<1x1024xi32>
    %gt3A_119 = arith.constant 0 : i32
    %gt3A_120 = vector.broadcast %gt3A_119 : i32 to vector<1x1024xi32>
    %gt3A_121 = arith.cmpi sgt, %transpose3A, %gt3A_120 : vector<1x1024xi32>
    %and3A_122 = vector.broadcast %gt3A_121 : vector<1x1024xi1> to vector<1024x1024xi1>
    %and3A_123 = arith.andi %gt3A, %and3A_122 : vector<1024x1024xi1>
    %jit3A_124 = arith.constant 1 : i32
    %jit3A_125 = arith.constant 0 : i32
    %broadcast_in_dim3A_126 = vector.broadcast %jit3A_124 : i32 to vector<1024x1024xi32>
    %broadcast_in_dim3A_127 = vector.broadcast %jit3A_125 : i32 to vector<1024x1024xi32>
    %select_n3A_128 = arith.select %and3A_123, %broadcast_in_dim3A_126, %broadcast_in_dim3A_127 : vector<1024x1024xi1>, vector<1024x1024xi32>
    %reduce_sum3A_129 = arith.constant dense<0> : vector<1024xi32>
    %reduce_sum3A_130 = vector.multi_reduction <add>, %select_n3A_128, %reduce_sum3A_129 [1] : vector<1024x1024xi32> to vector<1024xi32>
    %broadcast_in_dim3A_131 = vector.shape_cast %reduce_sum3A_130 : vector<1024xi32> to vector<1024x1xi32>
    %sub3A = arith.subi %iota3A_90, %broadcast_in_dim3A_131 : vector<1024x1xi32>
    %select_n3A_132 = arith.select %lt3A_113, %broadcast_in_dim3A_131, %sub3A : vector<1024x1xi1>, vector<1024x1xi32>
    %transpose3A_133 = tpu.transpose %select_n3A_132, [1, 0] : vector<1024x1xi32> -> vector<1x1024xi32>
    %jit3A_134 = arith.constant 1 : i32
    %jit3A_135 = arith.constant 0 : i32
    %broadcast_in_dim3A_136 = vector.broadcast %jit3A_134 : i32 to vector<1024x1xi32>
    %broadcast_in_dim3A_137 = vector.broadcast %jit3A_135 : i32 to vector<1024x1xi32>
    %select_n3A_138 = arith.select %lt3A_113, %broadcast_in_dim3A_136, %broadcast_in_dim3A_137 : vector<1024x1xi1>, vector<1024x1xi32>
    %reduce_sum3A_139 = vector.shape_cast %select_n3A_138 : vector<1024x1xi32> to vector<1x1024x1xi32>
    %reduce_sum3A_140 = arith.constant dense<0> : vector<1xi32>
    %reduce_sum3A_141 = vector.multi_reduction <add>, %reduce_sum3A_139, %reduce_sum3A_140 [1, 2] : vector<1x1024x1xi32> to vector<1xi32>
    %reduce_sum3A_142 = vector.shape_cast %reduce_sum3A_141 : vector<1xi32> to vector<1x1x1xi32>
    %reduce_sum3A_143 = vector.extract %reduce_sum3A_142[0, 0, 0] : i32 from vector<1x1x1xi32>
    %convert_element_type3A_144 = arith.sitofp %select_n3A_94 : vector<1024x1xi32> to vector<1024x1xf32>
    %convert_element_type3A_145 = arith.sitofp %select_n3A_97 : vector<1024x1xi32> to vector<1024x1xf32>
    %convert_element_type3A_146 = arith.sitofp %select_n3A_101 : vector<1024x1xi32> to vector<1024x1xf32>
    %convert_element_type3A_147 = arith.sitofp %select_n3A_110 : vector<1024x1xi32> to vector<1024x1xf32>
    %broadcast_in_dim3A_148 = arith.constant 0.000000e+00 : f32
    %broadcast_in_dim3A_149 = vector.broadcast %broadcast_in_dim3A_148 : f32 to vector<1024x124xf32>
    %concatenate3A = tpu.concatenate %convert_element_type3A_144, %convert_element_type3A_145, %convert_element_type3A_146, %convert_element_type3A_147, %broadcast_in_dim3A_149 in 1 : vector<1024x1xf32>, vector<1024x1xf32>, vector<1024x1xf32>, vector<1024x1xf32>, vector<1024x124xf32> -> vector<1024x128xf32>
    %slice3A_150 = vector.extract_strided_slice %select_n3A_94 {offsets = [0, 0], sizes = [1, 1], strides = [1, 1]} : vector<1024x1xi32> to vector<1x1xi32>
    %slice3A_151 = vector.extract_strided_slice %select_n3A_97 {offsets = [0, 0], sizes = [1, 1], strides = [1, 1]} : vector<1024x1xi32> to vector<1x1xi32>
    %slice3A_152 = vector.extract_strided_slice %select_n3A_101 {offsets = [0, 0], sizes = [1, 1], strides = [1, 1]} : vector<1024x1xi32> to vector<1x1xi32>
    %slice3A_153 = vector.extract_strided_slice %select_n3A_110 {offsets = [0, 0], sizes = [1, 1], strides = [1, 1]} : vector<1024x1xi32> to vector<1x1xi32>
    %max3A_154 = arith.constant 1 : i32
    %max3A_155 = arith.maxsi %reduce_sum3A_143, %max3A_154 : i32
    %eq3A_156 = arith.constant 0 : i32
    %eq3A_157 = arith.cmpi eq, %max3A_155, %eq3A_156 : i32
    %jit3A_158 = arith.constant 1 : i32
    %select_n3A_159 = arith.select %eq3A_157, %jit3A_158, %max3A_155 : i32
    %rem3A_160 = vector.broadcast %select_n3A_159 : i32 to vector<1024x1xi32>
    %rem3A_161 = arith.remsi %iota3A_90, %rem3A_160 : vector<1024x1xi32>
    %ne3A_162 = arith.constant 0 : i32
    %ne3A_163 = vector.broadcast %ne3A_162 : i32 to vector<1024x1xi32>
    %ne3A_164 = arith.cmpi ne, %rem3A_161, %ne3A_163 : vector<1024x1xi32>
    %lt3A_165 = arith.constant 0 : i32
    %lt3A_166 = vector.broadcast %lt3A_165 : i32 to vector<1024x1xi32>
    %lt3A_167 = arith.cmpi slt, %rem3A_161, %lt3A_166 : vector<1024x1xi32>
    %lt3A_168 = arith.constant 0 : i32
    %lt3A_169 = arith.cmpi slt, %select_n3A_159, %lt3A_168 : i32
    %ne3A_170 = vector.broadcast %lt3A_169 : i1 to vector<1024x1xi1>
    %ne3A_171 = vector.broadcast %ne3A_170 : vector<1024x1xi1> to vector<1024x1xi1>
    %ne3A_172 = arith.xori %lt3A_167, %ne3A_171 : vector<1024x1xi1>
    %and3A_173 = arith.andi %ne3A_172, %ne3A_164 : vector<1024x1xi1>
    %add3A_174 = vector.broadcast %select_n3A_159 : i32 to vector<1024x1xi32>
    %add3A_175 = arith.addi %rem3A_161, %add3A_174 : vector<1024x1xi32>
    %select_n3A_176 = arith.select %and3A_173, %add3A_175, %rem3A_161 : vector<1024x1xi1>, vector<1024x1xi32>
    %eq3A_177 = vector.broadcast %select_n3A_176 : vector<1024x1xi32> to vector<1024x1024xi32>
    %eq3A_178 = vector.broadcast %transpose3A_133 : vector<1x1024xi32> to vector<1024x1024xi32>
    %eq3A_179 = arith.cmpi eq, %eq3A_177, %eq3A_178 : vector<1024x1024xi32>
    %gt3A_180 = arith.constant 0 : i32
    %gt3A_181 = vector.broadcast %gt3A_180 : i32 to vector<1x1024xi32>
    %gt3A_182 = arith.cmpi sgt, %transpose3A, %gt3A_181 : vector<1x1024xi32>
    %and3A_183 = vector.broadcast %gt3A_182 : vector<1x1024xi1> to vector<1024x1024xi1>
    %and3A_184 = arith.andi %eq3A_179, %and3A_183 : vector<1024x1024xi1>
    %jit3A_185 = arith.constant 1.000000e+00 : f32
    %jit3A_186 = arith.constant 0.000000e+00 : f32
    %broadcast_in_dim3A_187 = vector.broadcast %jit3A_185 : f32 to vector<1024x1024xf32>
    %broadcast_in_dim3A_188 = vector.broadcast %jit3A_186 : f32 to vector<1024x1024xf32>
    %select_n3A_189 = arith.select %and3A_184, %broadcast_in_dim3A_187, %broadcast_in_dim3A_188 : vector<1024x1024xi1>, vector<1024x1024xf32>
    %dot_general3A_190 = arith.constant dense<0.000000e+00> : vector<1024x128xf32>
    %dot_general3A_191 = tpu.matmul %select_n3A_189, %concatenate3A, %dot_general3A_190 {dimension_numbers = #tpu.dot_dimension_numbers<[1], [0], [0], [1], [0, 0, 1, 1], [], []>, precision = #tpu.contract_precision<fp32>, transpose_lhs_hint = false} : vector<1024x1024xf32>, vector<1024x128xf32>, vector<1024x128xf32> -> vector<1024x128xf32>
    %round3A_192 = math.roundeven %dot_general3A_191 : vector<1024x128xf32>
    %slice3A_193 = vector.extract_strided_slice %round3A_192 {offsets = [0, 0], sizes = [1024, 1], strides = [1, 1]} : vector<1024x128xf32> to vector<1024x1xf32>
    %convert_element_type3A_194 = arith.fptosi %slice3A_193 : vector<1024x1xf32> to vector<1024x1xi32>
    %gt3A_195 = arith.constant 0 : i32
    %gt3A_196 = arith.cmpi sgt, %reduce_sum3A_143, %gt3A_195 : i32
    %broadcast_in_dim3A_197 = vector.shape_cast %slice3A_150 : vector<1x1xi32> to vector<1x1xi32>
    %broadcast_in_dim3A_198 = vector.broadcast %broadcast_in_dim3A_197 : vector<1x1xi32> to vector<1024x1xi32>
    %select_n3A_199 = arith.select %gt3A_196, %convert_element_type3A_194, %broadcast_in_dim3A_198 : vector<1024x1xi32>
    %swap3A_200 = arith.constant 0 : index
    %swap3A_201 = arith.constant 0 : index
    %swap3A_202 = vector.load %arg6[%swap3A_200, %swap3A_201] : memref<1024x1xi32, #tpu.memory_space<vmem>>, vector<1024x1xi32>
    tpu.vector_store %arg6[%swap3A_200, %swap3A_201], %select_n3A_199 {strides = array<i32>} : memref<1024x1xi32, #tpu.memory_space<vmem>>, vector<1024x1xi32>,
    %slice3A_203 = vector.extract_strided_slice %round3A_192 {offsets = [0, 1], sizes = [1024, 1], strides = [1, 1]} : vector<1024x128xf32> to vector<1024x1xf32>
    %convert_element_type3A_204 = arith.fptosi %slice3A_203 : vector<1024x1xf32> to vector<1024x1xi32>
    %gt3A_205 = arith.constant 0 : i32
    %gt3A_206 = arith.cmpi sgt, %reduce_sum3A_143, %gt3A_205 : i32
    %broadcast_in_dim3A_207 = vector.shape_cast %slice3A_151 : vector<1x1xi32> to vector<1x1xi32>
    %broadcast_in_dim3A_208 = vector.broadcast %broadcast_in_dim3A_207 : vector<1x1xi32> to vector<1024x1xi32>
    %select_n3A_209 = arith.select %gt3A_206, %convert_element_type3A_204, %broadcast_in_dim3A_208 : vector<1024x1xi32>
    %swap3A_210 = arith.constant 0 : index
    %swap3A_211 = arith.constant 0 : index
    %swap3A_212 = vector.load %arg7[%swap3A_210, %swap3A_211] : memref<1024x1xi32, #tpu.memory_space<vmem>>, vector<1024x1xi32>
    tpu.vector_store %arg7[%swap3A_210, %swap3A_211], %select_n3A_209 {strides = array<i32>} : memref<1024x1xi32, #tpu.memory_space<vmem>>, vector<1024x1xi32>,
    %slice3A_213 = vector.extract_strided_slice %round3A_192 {offsets = [0, 2], sizes = [1024, 1], strides = [1, 1]} : vector<1024x128xf32> to vector<1024x1xf32>
    %convert_element_type3A_214 = arith.fptosi %slice3A_213 : vector<1024x1xf32> to vector<1024x1xi32>
    %gt3A_215 = arith.constant 0 : i32
    %gt3A_216 = arith.cmpi sgt, %reduce_sum3A_143, %gt3A_215 : i32
    %broadcast_in_dim3A_217 = vector.shape_cast %slice3A_152 : vector<1x1xi32> to vector<1x1xi32>
    %broadcast_in_dim3A_218 = vector.broadcast %broadcast_in_dim3A_217 : vector<1x1xi32> to vector<1024x1xi32>
    %select_n3A_219 = arith.select %gt3A_216, %convert_element_type3A_214, %broadcast_in_dim3A_218 : vector<1024x1xi32>
    %swap3A_220 = arith.constant 0 : index
    %swap3A_221 = arith.constant 0 : index
    %swap3A_222 = vector.load %arg8[%swap3A_220, %swap3A_221] : memref<1024x1xi32, #tpu.memory_space<vmem>>, vector<1024x1xi32>
    tpu.vector_store %arg8[%swap3A_220, %swap3A_221], %select_n3A_219 {strides = array<i32>} : memref<1024x1xi32, #tpu.memory_space<vmem>>, vector<1024x1xi32>,
    %slice3A_223 = vector.extract_strided_slice %round3A_192 {offsets = [0, 3], sizes = [1024, 1], strides = [1, 1]} : vector<1024x128xf32> to vector<1024x1xf32>
    %convert_element_type3A_224 = arith.fptosi %slice3A_223 : vector<1024x1xf32> to vector<1024x1xi32>
    %gt3A_225 = arith.constant 0 : i32
    %gt3A_226 = arith.cmpi sgt, %reduce_sum3A_143, %gt3A_225 : i32
    %broadcast_in_dim3A_227 = vector.shape_cast %slice3A_153 : vector<1x1xi32> to vector<1x1xi32>
    %broadcast_in_dim3A_228 = vector.broadcast %broadcast_in_dim3A_227 : vector<1x1xi32> to vector<1024x1xi32>
    %select_n3A_229 = arith.select %gt3A_226, %convert_element_type3A_224, %broadcast_in_dim3A_228 : vector<1024x1xi32>
    %swap3A_230 = arith.constant 0 : index
    %swap3A_231 = arith.constant 0 : index
    %swap3A_232 = vector.load %arg9[%swap3A_230, %swap3A_231] : memref<1024x1xi32, #tpu.memory_space<vmem>>, vector<1024x1xi32>
    tpu.vector_store %arg9[%swap3A_230, %swap3A_231], %select_n3A_229 {strides = array<i32>} : memref<1024x1xi32, #tpu.memory_space<vmem>>, vector<1024x1xi32>,
    %sub3A_233 = arith.constant 1024 : i32
    %sub3A_234 = arith.subi %sub3A_233, %reduce_sum3A_143 : i32
    %sub3A_235 = arith.constant 1 : i32
    %sub3A_236 = vector.broadcast %sub3A_235 : i32 to vector<1x1024xi32>
    %sub3A_237 = arith.subi %sub3A_236, %transpose3A : vector<1x1024xi32>
    %max3A_238 = arith.constant 1 : i32
    %max3A_239 = arith.maxsi %sub3A_234, %max3A_238 : i32
    %eq3A_240 = arith.constant 0 : i32
    %eq3A_241 = arith.cmpi eq, %max3A_239, %eq3A_240 : i32
    %jit3A_242 = arith.constant 1 : i32
    %select_n3A_243 = arith.select %eq3A_241, %jit3A_242, %max3A_239 : i32
    %rem3A_244 = vector.broadcast %select_n3A_243 : i32 to vector<1024x1xi32>
    %rem3A_245 = arith.remsi %iota3A_90, %rem3A_244 : vector<1024x1xi32>
    %ne3A_246 = arith.constant 0 : i32
    %ne3A_247 = vector.broadcast %ne3A_246 : i32 to vector<1024x1xi32>
    %ne3A_248 = arith.cmpi ne, %rem3A_245, %ne3A_247 : vector<1024x1xi32>
    %lt3A_249 = arith.constant 0 : i32
    %lt3A_250 = vector.broadcast %lt3A_249 : i32 to vector<1024x1xi32>
    %lt3A_251 = arith.cmpi slt, %rem3A_245, %lt3A_250 : vector<1024x1xi32>
    %lt3A_252 = arith.constant 0 : i32
    %lt3A_253 = arith.cmpi slt, %select_n3A_243, %lt3A_252 : i32
    %ne3A_254 = vector.broadcast %lt3A_253 : i1 to vector<1024x1xi1>
    %ne3A_255 = vector.broadcast %ne3A_254 : vector<1024x1xi1> to vector<1024x1xi1>
    %ne3A_256 = arith.xori %lt3A_251, %ne3A_255 : vector<1024x1xi1>
    %and3A_257 = arith.andi %ne3A_256, %ne3A_248 : vector<1024x1xi1>
    %add3A_258 = vector.broadcast %select_n3A_243 : i32 to vector<1024x1xi32>
    %add3A_259 = arith.addi %rem3A_245, %add3A_258 : vector<1024x1xi32>
    %select_n3A_260 = arith.select %and3A_257, %add3A_259, %rem3A_245 : vector<1024x1xi1>, vector<1024x1xi32>
    %eq3A_261 = vector.broadcast %select_n3A_260 : vector<1024x1xi32> to vector<1024x1024xi32>
    %eq3A_262 = vector.broadcast %transpose3A_133 : vector<1x1024xi32> to vector<1024x1024xi32>
    %eq3A_263 = arith.cmpi eq, %eq3A_261, %eq3A_262 : vector<1024x1024xi32>
    %gt3A_264 = arith.constant 0 : i32
    %gt3A_265 = vector.broadcast %gt3A_264 : i32 to vector<1x1024xi32>
    %gt3A_266 = arith.cmpi sgt, %sub3A_237, %gt3A_265 : vector<1x1024xi32>
    %and3A_267 = vector.broadcast %gt3A_266 : vector<1x1024xi1> to vector<1024x1024xi1>
    %and3A_268 = arith.andi %eq3A_263, %and3A_267 : vector<1024x1024xi1>
    %jit3A_269 = arith.constant 1.000000e+00 : f32
    %jit3A_270 = arith.constant 0.000000e+00 : f32
    %broadcast_in_dim3A_271 = vector.broadcast %jit3A_269 : f32 to vector<1024x1024xf32>
    %broadcast_in_dim3A_272 = vector.broadcast %jit3A_270 : f32 to vector<1024x1024xf32>
    %select_n3A_273 = arith.select %and3A_268, %broadcast_in_dim3A_271, %broadcast_in_dim3A_272 : vector<1024x1024xi1>, vector<1024x1024xf32>
    %dot_general3A_274 = arith.constant dense<0.000000e+00> : vector<1024x128xf32>
    %dot_general3A_275 = tpu.matmul %select_n3A_273, %concatenate3A, %dot_general3A_274 {dimension_numbers = #tpu.dot_dimension_numbers<[1], [0], [0], [1], [0, 0, 1, 1], [], []>, precision = #tpu.contract_precision<fp32>, transpose_lhs_hint = false} : vector<1024x1024xf32>, vector<1024x128xf32>, vector<1024x128xf32> -> vector<1024x128xf32>
    %round3A_276 = math.roundeven %dot_general3A_275 : vector<1024x128xf32>
    %slice3A_277 = vector.extract_strided_slice %round3A_276 {offsets = [0, 0], sizes = [1024, 1], strides = [1, 1]} : vector<1024x128xf32> to vector<1024x1xf32>
    %convert_element_type3A_278 = arith.fptosi %slice3A_277 : vector<1024x1xf32> to vector<1024x1xi32>
    %gt3A_279 = arith.constant 0 : i32
    %gt3A_280 = arith.cmpi sgt, %sub3A_234, %gt3A_279 : i32
    %broadcast_in_dim3A_281 = vector.shape_cast %slice3A_150 : vector<1x1xi32> to vector<1x1xi32>
    %broadcast_in_dim3A_282 = vector.broadcast %broadcast_in_dim3A_281 : vector<1x1xi32> to vector<1024x1xi32>
    %select_n3A_283 = arith.select %gt3A_280, %convert_element_type3A_278, %broadcast_in_dim3A_282 : vector<1024x1xi32>
    %swap3A_284 = arith.constant 0 : index
    %swap3A_285 = arith.constant 0 : index
    %swap3A_286 = vector.load %arg10[%swap3A_284, %swap3A_285] : memref<1024x1xi32, #tpu.memory_space<vmem>>, vector<1024x1xi32>
    tpu.vector_store %arg10[%swap3A_284, %swap3A_285], %select_n3A_283 {strides = array<i32>} : memref<1024x1xi32, #tpu.memory_space<vmem>>, vector<1024x1xi32>,
    %slice3A_287 = vector.extract_strided_slice %round3A_276 {offsets = [0, 1], sizes = [1024, 1], strides = [1, 1]} : vector<1024x128xf32> to vector<1024x1xf32>
    %convert_element_type3A_288 = arith.fptosi %slice3A_287 : vector<1024x1xf32> to vector<1024x1xi32>
    %gt3A_289 = arith.constant 0 : i32
    %gt3A_290 = arith.cmpi sgt, %sub3A_234, %gt3A_289 : i32
    %broadcast_in_dim3A_291 = vector.shape_cast %slice3A_151 : vector<1x1xi32> to vector<1x1xi32>
    %broadcast_in_dim3A_292 = vector.broadcast %broadcast_in_dim3A_291 : vector<1x1xi32> to vector<1024x1xi32>
    %select_n3A_293 = arith.select %gt3A_290, %convert_element_type3A_288, %broadcast_in_dim3A_292 : vector<1024x1xi32>
    %swap3A_294 = arith.constant 0 : index
    %swap3A_295 = arith.constant 0 : index
    %swap3A_296 = vector.load %arg11[%swap3A_294, %swap3A_295] : memref<1024x1xi32, #tpu.memory_space<vmem>>, vector<1024x1xi32>
    tpu.vector_store %arg11[%swap3A_294, %swap3A_295], %select_n3A_293 {strides = array<i32>} : memref<1024x1xi32, #tpu.memory_space<vmem>>, vector<1024x1xi32>,
    %slice3A_297 = vector.extract_strided_slice %round3A_276 {offsets = [0, 2], sizes = [1024, 1], strides = [1, 1]} : vector<1024x128xf32> to vector<1024x1xf32>
    %convert_element_type3A_298 = arith.fptosi %slice3A_297 : vector<1024x1xf32> to vector<1024x1xi32>
    %gt3A_299 = arith.constant 0 : i32
    %gt3A_300 = arith.cmpi sgt, %sub3A_234, %gt3A_299 : i32
    %broadcast_in_dim3A_301 = vector.shape_cast %slice3A_152 : vector<1x1xi32> to vector<1x1xi32>
    %broadcast_in_dim3A_302 = vector.broadcast %broadcast_in_dim3A_301 : vector<1x1xi32> to vector<1024x1xi32>
    %select_n3A_303 = arith.select %gt3A_300, %convert_element_type3A_298, %broadcast_in_dim3A_302 : vector<1024x1xi32>
    %swap3A_304 = arith.constant 0 : index
    %swap3A_305 = arith.constant 0 : index
    %swap3A_306 = vector.load %arg12[%swap3A_304, %swap3A_305] : memref<1024x1xi32, #tpu.memory_space<vmem>>, vector<1024x1xi32>
    tpu.vector_store %arg12[%swap3A_304, %swap3A_305], %select_n3A_303 {strides = array<i32>} : memref<1024x1xi32, #tpu.memory_space<vmem>>, vector<1024x1xi32>,
    %slice3A_307 = vector.extract_strided_slice %round3A_276 {offsets = [0, 3], sizes = [1024, 1], strides = [1, 1]} : vector<1024x128xf32> to vector<1024x1xf32>
    %convert_element_type3A_308 = arith.fptosi %slice3A_307 : vector<1024x1xf32> to vector<1024x1xi32>
    %gt3A_309 = arith.constant 0 : i32
    %gt3A_310 = arith.cmpi sgt, %sub3A_234, %gt3A_309 : i32
    %broadcast_in_dim3A_311 = vector.shape_cast %slice3A_153 : vector<1x1xi32> to vector<1x1xi32>
    %broadcast_in_dim3A_312 = vector.broadcast %broadcast_in_dim3A_311 : vector<1x1xi32> to vector<1024x1xi32>
    %select_n3A_313 = arith.select %gt3A_310, %convert_element_type3A_308, %broadcast_in_dim3A_312 : vector<1024x1xi32>
    %swap3A_314 = arith.constant 0 : index
    %swap3A_315 = arith.constant 0 : index
    %swap3A_316 = vector.load %arg13[%swap3A_314, %swap3A_315] : memref<1024x1xi32, #tpu.memory_space<vmem>>, vector<1024x1xi32>
    tpu.vector_store %arg13[%swap3A_314, %swap3A_315], %select_n3A_313 {strides = array<i32>} : memref<1024x1xi32, #tpu.memory_space<vmem>>, vector<1024x1xi32>,
    return
  }
}

</mosaic_0001>

<sc_bundles>
// kernel: kernel.4.cloned.1.call-start
scs
__scs_entry_jumppad:
0x0: {  	(pc) =	sbr.rel $0x88, $3  }
0x1: {  	(tag) =	ssettag $0x0;
	lr =	simm.s32 $0x1  }
0x2: {  	[smem:$0x3F98] =	sst lr;
	_ =	strace $0xD0000000  }
0x3: {  	_ = 	snop  }
0x4: {  	_ = 	snop  }
0x5: {  	_ = 	snop  }
0x6: {  	_ = 	snop  }
0x7: {  	_ = 	snop  }
__scs_overlays_trampoline_lowered:
0x8: {  	[smem:$0x3FA7] =	sst s0  }
0x9: {  	[smem:$0x3FA8] =	sst s1  }
0xa: {  	[smem:$0x3FA9] =	sst s2  }
0xb: {  	[smem:$0x3FAA] =	sst s3  }
0xc: {  	[smem:$0x3FAB] =	sst s4  }
0xd: {  	[smem:$0x3FAC] =	sst s5  }
0xe: {  	[smem:$0x3FAD] =	sst s6  }
0xf: {  	[smem:$0x3FAE] =	sst s7  }
0x10: {  	[smem:$0x3FAF] =	sst s8  }
0x11: {  	[smem:$0x3FB0] =	sst s9;
	s0 =	simm.s32 @!p0 $0x0  }
0x12: {  	s1 =	sld [smem:$0x3F96];
	s0 =	simm.s32 @p0 $0x1  }
0x13: {  	[smem:$0x3FB1] =	sst s0;
	s0 =	simm.s32 @!p1 $0x0  }
0x14: {  	s2 =	sld [smem:$0x3F95];
	s0 =	simm.s32 @p1 $0x1  }
0x15: {  	[smem:$0x3FB2] =	sst s0;
	s0 =	simm.s32 @!p2 $0x0  }
0x16: {  	s3 =	sld [smem:$0x3FDB];
	s0 =	simm.s32 @p2 $0x1  }
0x17: {  	s4 =	simm.s32 $0x1BF5;
	[smem:$0x3FB4] =	sst s0  }
0x18: {  	s0 =	sld [smem:$0x3F97];
	_ =	swait.ge [sflag:s4], $0x0  }
0x19: {  	s7 =	sld [smem:$0x3F98]  }
0x1a: {  	s8 =	sadd.s32 $0xFFFFE003, lr  }
0x1b: {  	s9 =	sadd.s32 $0xFFFFFEF7, lr;
	s5 =	simm.s32 $0xFFFFFFFF;
	p2 =	slt.u32 s8, $0xFFFFF086  }
0x1c: {  	p1 =	slt.u32 s9, $0xF7A;
	s5 =	simm.s32 @!p2 $0x0  }
0x1d: {  	s5 =	simm.s32 @p1 $0x1;
	p0 =	seq.s32 s7, s2  }
0x1e: {  	s7 =	smul.u32 @!p0 $0xF7A, s2;
	p2 =	seq.s32 @!p0 s5, $0x0  }
0x1f: {  	s9 =	smul.u32 $0xF7A, s1;
	s8 =	simm.s32 @!p0 $0x1BF5;
	p2 =	por !p2, p0  }
0x20: {  	[sflag:s8] =	ssyncset.s32 @!p0 $0xFFFFF086;
	s6 =	sadd.s32 @!p0 s3, s7;
	s7 =	simm.s32 @!p0 $0x108  }
0x21: {  	s3 =	sadd.s32 s3, s9;
	s6 =	sadd.s32 @!p0 $0x88, s6;
	s7 =	simm.s32 @p2 $0x1082  }
0x22: {  	[simem:s7], [sflag:s8] =	dma.local @!p0 [hbm:s6], $0xF7A  }
0x23: {  	s9 =	sor.u32 $0xD0000000, s2;
	s6 =	simm.s32 $0x108;
	_ =	swait.ge @!p0 [sflag:s8], $0x0  }
0x24: {  	s3 =	sadd.s32 $0x88, s3;
	s6 =	simm.s32 @!p1 $0x1082;
	[sflag:s4] =	ssyncset.s32 $0xFFFFF086  }
0x25: {  	[simem:s6], [sflag:s4] =	dma.local [hbm:s3], $0xF7A  }
0x26: {  	[smem:$0x3F98] =	sst s1;
	(tag) =	ssettag s2;
	_ =	strace s9  }
0x27: {  	s1 =	sld [smem:$0x3FA8]  }
0x28: {  	s2 =	sld [smem:$0x3FA9]  }
0x29: {  	s4 =	sld [smem:$0x3FAB]  }
0x2a: {  	p0 =	seq.s32 s5, $0x0;
	s5 =	sld [smem:$0x3FAC]  }
0x2b: {  	s6 =	sld [smem:$0x3FAD]  }
0x2c: {  	s7 =	sld [smem:$0x3FAE]  }
0x2d: {  	s3 =	simm.s32 $0x108;
	s8 =	sld [smem:$0x3FAF]  }
0x2e: {  	s3 =	simm.s32 @!p0 $0x1082;
	s9 =	sld [smem:$0x3FB0]  }
0x2f: {  	lr =	sadd.s32 s0, s3;
	s0 =	sld [smem:$0x3FA7]  }
0x30: {  	s3 =	sld [smem:$0x3FAA]  }
0x31: {  	[smem:$0x3FB3] =	sst s10  }
0x32: {  	s10 =	sld [smem:$0x3FB1];
	_ =	sdelay $0x3  }
0x33: {  	p0 =	seq.s32 s10, $0x1;
	s10 =	sld [smem:$0x3FB3];
	_ =	sdelay $0x3  }
0x34: {  	[smem:$0x3FB3] =	sst s10  }
0x35: {  	s10 =	sld [smem:$0x3FB2];
	_ =	sdelay $0x3  }
0x36: {  	p1 =	seq.s32 s10, $0x1;
	s10 =	sld [smem:$0x3FB3];
	_ =	sdelay $0x3  }
0x37: {  	[smem:$0x3FB3] =	sst s10  }
0x38: {  	s10 =	sld [smem:$0x3FB4]  }
0x39: {  	_ = 	snop;
	(pc) =	sbr.ind lr, $3  }
0x3a: {  	_ = 	snop  }
0x3b: {  	_ = 	snop  }
0x3c: {  	p2 =	seq.s32 s10, $0x1;
	s10 =	sld [smem:$0x3FB3]  }
0x3d: {  	_ =	shalt  }
0x3e: {  	_ =	shalt  }
0x3f: {  	_ =	shalt  }
0x40: {  	_ =	shalt  }
0x41: {  	_ =	shalt  }
0x42: {  	_ =	shalt  }
0x43: {  	_ =	shalt  }
0x44: {  	_ =	shalt  }
0x45: {  	_ =	shalt  }
0x46: {  	_ =	shalt  }
0x47: {  	_ =	shalt  }
0x48: {  	_ =	shalt  }
0x49: {  	_ =	shalt  }
0x4a: {  	_ =	shalt  }
0x4b: {  	_ =	shalt  }
0x4c: {  	_ =	shalt  }
0x4d: {  	_ =	shalt  }
0x4e: {  	_ =	shalt  }
0x4f: {  	_ =	shalt  }
0x50: {  	_ =	shalt  }
0x51: {  	_ =	shalt  }
0x52: {  	_ =	shalt  }
0x53: {  	_ =	shalt  }
0x54: {  	_ =	shalt  }
0x55: {  	_ =	shalt  }
0x56: {  	_ =	shalt  }
0x57: {  	_ =	shalt  }
0x58: {  	_ =	shalt  }
0x59: {  	_ =	shalt  }
0x5a: {  	_ =	shalt  }
0x5b: {  	_ =	shalt  }
0x5c: {  	_ =	shalt  }
0x5d: {  	_ =	shalt  }
0x5e: {  	_ =	shalt  }
0x5f: {  	_ =	shalt  }
0x60: {  	_ =	shalt  }
0x61: {  	_ =	shalt  }
0x62: {  	_ =	shalt  }
0x63: {  	_ =	shalt  }
0x64: {  	_ =	shalt  }
0x65: {  	_ =	shalt  }
0x66: {  	_ =	shalt  }
0x67: {  	_ =	shalt  }
0x68: {  	_ =	shalt  }
0x69: {  	_ =	shalt  }
0x6a: {  	_ =	shalt  }
0x6b: {  	_ =	shalt  }
0x6c: {  	_ =	shalt  }
0x6d: {  	_ =	shalt  }
0x6e: {  	_ =	shalt  }
0x6f: {  	_ =	shalt  }
0x70: {  	_ =	shalt  }
0x71: {  	_ =	shalt  }
0x72: {  	_ =	shalt  }
0x73: {  	_ =	shalt  }
0x74: {  	_ =	shalt  }
0x75: {  	_ =	shalt  }
0x76: {  	_ =	shalt  }
0x77: {  	_ =	shalt  }
0x78: {  	_ =	shalt  }
0x79: {  	_ =	shalt  }
0x7a: {  	_ =	shalt  }
0x7b: {  	_ =	shalt  }
0x7c: {  	_ =	shalt  }
0x7d: {  	_ =	shalt  }
0x7e: {  	_ =	shalt  }
0x7f: {  	_ =	shalt  }
0x80: {  	_ =	shalt  }
0x81: {  	_ =	shalt  }
0x82: {  	_ =	shalt  }
0x83: {  	_ =	shalt  }
0x84: {  	_ =	shalt  }
0x85: {  	_ =	shalt  }
0x86: {  	_ =	shalt  }
0x87: {  	_ =	shalt  }
.Lfunc_end0:
.L_simem_size_0:
called_computation_lowered:
.L_overlay_start_0:
0x88: {  	s0 =	sld [smem:$0x3FD9]  }
0x89: {  	s1 =	sld [smem:$0x3FFE];
	_ =	sdelay $0x3  }
0x8a: {  	s0 =	sadd.s32 s1, s0  }
0x8b: {  	[smem:$0x3FBF] =	sst s0  }
0x8c: {  	_ = 	snop  }
0x8d: {  	s0 =	sld [smem:$0x3FC9]  }
0x8e: {  	s13 =	sld [smem:$0x3FD0]  }
0x8f: {  	s2 =	sld [smem:$0x3FC6]  }
0x90: {  	s3 =	sld [smem:$0x3FC5]  }
0x91: {  	s5 =	simm.s32 $0xA;
	s6 =	simm.s32 $0x10;
	s4 =	sld [smem:$0x3FC4]  }
0x92: {  	[smem:s6], [sflag:s5] =	dma.local [hbm:s13], $0x1  }
0x93: {  	_ =	swait.eq [sflag:s5], $0x1  }
0x94: {  	s14 =	sld [smem:$0x10];
	[sflag:s5] =	ssyncset.done $0x0  }
0x95: {  	s15 =	sld [smem:$0x11];
	[sflag:s5] =	ssyncadd.s32 $0xFFFFFFFF  }
0x96: {  	s16 =	sld [smem:$0x12];
	(tm) =	ssettm $0x1  }
0x97: {  	s7 =	sld [smem:$0x3FFB];
	_ =	sdelay $0x3  }
0x98: {  	_ =	strace s7  }
0x99: {  	s7 =	sld [smem:$0x3FFC];
	_ =	sdelay $0x3  }
0x9a: {  	_ =	strace s7  }
0x9b: {  	s7 =	sld [smem:$0x3FFD];
	_ =	sdelay $0x3  }
0x9c: {  	_ =	strace s7  }
0x9d: {  	_ =	strace $0x8FFFFFFF  }
0x9e: {  	s17 =	sld [smem:$0x3FDB];
	_ =	sdelay $0x1  }
0x9f: {  	s8 =	simm.s32 $_scs_section_size  }
0xa0: {  	s9 =	simm.s32 $_size__tile_overlayer_lowered;
	s10 =	simm.s32 $_tile_overlayer_lowered  }
0xa1: {  	s20 =	simm.s32 $0x1BFF;
	s19 =	sshll.u32 s10, $0x1;
	s7 =	sadd.s32 s8, s17  }
0xa2: {  	s11 =	simm.s32 $0x0;
	s18 =	sshll.u32 s9, $0x1;
	s9 =	sadd.s32 s19, s7  }
0xa3: {  	[timem:s11], [sflag:s20] =	dma.local [hbm:s9], s18  }
0xa4: {  	_ =	swait.ge [sflag:s20], s18  }
0xa5: {  	s8 =	ssub.s32 $0x0, s18;
	[sflag:s20] =	ssyncset.done $0x0  }
0xa6: {  	[sflag:s20] =	ssyncadd.s32 s8;
	_ =	sdelay $0x1  }
0xa7: {  	s21 =	simm.s32 $0x1B8B  }
0xa8: {  	_ =	swait.ge [sflag:s21], $0x1  }
0xa9: {  	[sflag:s21] =	ssyncset.done $0x0  }
0xaa: {  	s23 =	simm.s32 $0x1B8E;
	s22 =	sld [smem:$0x3FFE];
	[sflag:s21] =	ssyncadd.s32 $0xFFFFFFFF  }
0xab: {  	s24 =	simm.s32 $execute0_lowered;
	[smem:$0x3FD2] =	sst s23  }
0xac: {  	s9 =	sshll.u32 s24, $0x1;
	_ =	strace $0x80000046;
	[dreg:$0x1] =	wrdreg $0xFFFFFFFF  }
0xad: {  	s25 =	simm.s32 $_size_execute0_lowered;
	s7 =	sadd.s32 s7, s9;
	[dreg:$0x0] =	wrdreg $0x0  }
0xae: {  	s9 =	sshll.u32 s25, $0x1;
	[dreg:$0x2] =	wrdreg s7  }
0xaf: {  	[dreg:$0x3] =	wrdreg s9  }
0xb0: {  	[dreg:$0x4] =	wrdreg $0xC0  }
0xb1: {  	_ =	task [dreg:s11], $0x5FFFF  }
0xb2: {  	[dreg:$0x1] =	wrdreg $0xFFFFFFFF  }
0xb3: {  	[dreg:$0x0] =	wrdreg $0x60  }
0xb4: {  	[dreg:$0x2] =	wrdreg s0  }
0xb5: {  	[dreg:$0x3] =	wrdreg s22  }
0xb6: {  	[dreg:$0x4] =	wrdreg s2  }
0xb7: {  	[dreg:$0x5] =	wrdreg s3  }
0xb8: {  	[dreg:$0x6] =	wrdreg s4  }
0xb9: {  	[dreg:$0x7] =	wrdreg s14  }
0xba: {  	[dreg:$0x8] =	wrdreg s15  }
0xbb: {  	[dreg:$0x9] =	wrdreg s16  }
0xbc: {  	[dreg:$0xa] =	wrdreg $0x9  }
0xbd: {  	_ =	task.clear_ibuf [dreg:s11], $0xBFFFF;
	_ =	strace $0x90000046  }
0xbe: {  	s26 =	simm.s32 $0x9;
	_ =	strace $0x80000048  }
0xbf: {  	_ =	swait.ge [sflag:s26], $0x1  }
0xc0: {  	[sflag:s26] =	ssyncadd.s32 $0xFFFFFFFF  }
0xc1: {  	_ =	strace $0x90000048  }
0xc2: {  	_ =	sfence  }
0xc3: {  	s28 =	sld [smem:$0x0];
	_ =	sdelay $0x1  }
0xc4: {  	s29 =	srdreg.scid  }
0xc5: {  	s30 =	sshll.u32 s29, $0xD;
	s31 =	sshrl.u32 s29, $0x2  }
0xc6: {  	s1 =	sand.u32 $0x1, s29;
	s2 =	sand.u32 $0x4000, s30;
	s0 =	sadd.s32 s31, s28  }
0xc7: {  	s1 =	sor.u32 s2, s1;
	s0 =	sshll.u32 s0, $0x11  }
0xc8: {  	s0 =	sor.u32 s0, s1  }
0xc9: {  	s0 =	sadd.s32 $0x8F2B, s0  }
0xca: {  	[sflag:s0] =	ssyncadd.remote.s32 $0x1  }
0xcb: {  	_ =	sfence.sel $0xFFFF  }
0xcc: {  	[dreg:$0x0] =	wrdreg $0xFFFFFFFF;
	(pc) =	sbr.abs _section_cstart, $3  }
0xcd: {  	[dreg:$0x1] =	wrdreg $0xFFFFFFFF  }
0xce: {  	_ =	task.clear_ibuf [dreg:s11], $0x2FFFF;
	_ =	strace $0x9FFFFFFF  }
0xcf: {  	(tm) =	ssettm $0x7FFFFFFF  }
tec
execute0_lowered:
.L_overlay_start_1:
0x0: {  	(tag) =	ssettag $0x1  }
0x1: {  	s9 =	rddreg [dreg:$0x0]  }
0x2: {  	s6 =	rddreg [dreg:$0x1]  }
0x3: {  	s10 =	rddreg [dreg:$0x2]  }
0x4: {  	s7 =	rddreg [dreg:$0x3]  }
0x5: {  	s8 =	rddreg [dreg:$0x4]  }
0x6: {  	s4 =	rddreg [dreg:$0x5]  }
0x7: {  	s3 =	rddreg [dreg:$0x6]  }
0x8: {  	s2 =	rddreg [dreg:$0x7]  }
0x9: {  	s0 =	rddreg [dreg:$0x8];
	s5 =	simm.s32 $0x0;
	s1 =	stileid.u32  }
0xa: {  	[smem:$0x7FF] =	sst s5;
	s11 =	sshll.u32 s1, $0x9  }
0xb: {  	s13 =	sshll.u32 s1, $0x6;
	_ =	strace $0x80000047;
	s12 =	sadd.s32 s3, s11  }
0xc: {  	s7 =	sadd.s32 s7, s11;
	s14 =	sor.u32 $0x1C06, s13;
	s15 =	sadd.s32 s2, s11  }
0xd: {  	[hbm:s12], [sflag:s14] =	dma.local [hbm:s7], $0x200  }
0xe: {  	s11 =	sadd.s32 s8, s11;
	s12 =	sshll.u32 s1, $0x3;
	s14 =	sor.u32 $0x1C07, s13  }
0xf: {  	[hbm:s15], [sflag:s14] =	dma.local [hbm:s11], $0x200  }
0x10: {  	s8 =	sadd.s32 s6, s12;
	s6 =	simm.s32 $0x1E000;
	s15 =	simm.s32 $0x8  }
0x11: {  	[tilespmem:s6], [sflag:$0x8] =	stream.linear.gather [hbm4b:s8+s5], $0x40, $0x38;
	[tilespmem:$0x1E200] =	vst v63  }
0x12: {  	_ =	swait.ge [sflag:s15], $0x40  }
0x13: {  	[sflag:s15] =	ssyncset.done $0x0  }
0x14: {  	s17 =	simm.s32 $0x1E080;
	s16 =	sadd.s32 $0x200, s8;
	[sflag:s15] =	ssyncadd.s32 $0xFFFFFFC0  }
0x15: {  	[tilespmem:s17], [sflag:$0x8] =	stream.linear.gather [hbm4b:s16+s5], $0x40, $0x38;
	[tilespmem:$0x1E200] =	vst v63  }
0x16: {  	_ =	swait.ge [sflag:s15], $0x40  }
0x17: {  	[sflag:s15] =	ssyncset.done $0x0  }
0x18: {  	s7 =	simm.s32 $0x1E100;
	s18 =	sadd.s32 $0x400, s8;
	[sflag:s15] =	ssyncadd.s32 $0xFFFFFFC0  }
0x19: {  	[tilespmem:s7], [sflag:$0x8] =	stream.linear.gather [hbm4b:s18+s5], $0x40, $0x38;
	[tilespmem:$0x1E200] =	vst v63  }
0x1a: {  	_ =	swait.ge [sflag:s15], $0x40  }
0x1b: {  	[sflag:s15] =	ssyncset.done $0x0  }
0x1c: {  	s19 =	sadd.s32 $0x600, s8;
	s8 =	simm.s32 $0x1E180;
	[sflag:s15] =	ssyncadd.s32 $0xFFFFFFC0  }
0x1d: {  	[tilespmem:s8], [sflag:$0x8] =	stream.linear.gather [hbm4b:s19+s5], $0x40, $0x38;
	[tilespmem:$0x1E200] =	vst v63  }
0x1e: {  	_ =	swait.ge [sflag:s15], $0x40  }
0x1f: {  	s14 =	sshll.u32 s1, $0x12;
	[sflag:s15] =	ssyncset.done $0x0  }
0x20: {  	s20 =	sadd.s32 s10, s14;
	s21 =	sor.u32 $0x1E00, s14;
	[sflag:s15] =	ssyncadd.s32 $0xFFFFFFC0  }
0x21: {  	[tilespmem:s5], [sflag:$0x1] =	stream.linear.gather [hbm4b:s20+s5], $0xF000, $0x38;
	[tilespmem:$0x1E200] =	vst v63  }
0x22: {  	s13 =	simm.s32 $0xF000;
	s12 =	simm.s32 $0x1;
	s22 =	sadd.s32 s10, s21  }
0x23: {  	[tilespmem:s13], [sflag:$0x2] =	stream.linear.gather [hbm4b:s22+s5], $0xF000, $0x38;
	[tilespmem:$0x1E200] =	vst v63  }
0x24: {  	_ =	swait.ge [sflag:s12], $0xF000  }
0x25: {  	[sflag:s12] =	ssyncset.done $0x0  }
0x26: {  	s11 =	simm.s32 $0x3;
	s23 =	sadd.s32 s4, s14;
	[sflag:s12] =	ssyncadd.s32 $0xFFFF1000  }
0x27: {  	[hbm4b:s23+s5] =	stream.linear.scatter [tilespmem:s5], [sflag:$0x3], $0xF000, $0x38;
	[tilespmem:$0x1E200] =	vst v63  }
0x28: {  	_ =	swait.ge [sflag:s11], $0xF000  }
0x29: {  	s17 =	sor.u32 $0x3C00, s14;
	[sflag:s11] =	ssyncset.done $0x0  }
0x2a: {  	s16 =	sadd.s32 s10, s17;
	[sflag:s11] =	ssyncadd.s32 $0xFFFF1000  }
0x2b: {  	[tilespmem:s5], [sflag:$0x1] =	stream.linear.gather [hbm4b:s16+s5], $0xF000, $0x38;
	[tilespmem:$0x1E200] =	vst v63  }
0x2c: {  	s16 =	simm.s32 $0x2  }
0x2d: {  	_ =	swait.ge [sflag:s16], $0xF000  }
0x2e: {  	[sflag:s16] =	ssyncset.done $0x0  }
0x2f: {  	s15 =	sadd.s32 s4, s21;
	[sflag:s16] =	ssyncadd.s32 $0xFFFF1000  }
0x30: {  	[hbm4b:s15+s5] =	stream.linear.scatter [tilespmem:s13], [sflag:$0x4], $0xF000, $0x38;
	[tilespmem:$0x1E200] =	vst v63  }
0x31: {  	s15 =	simm.s32 $0x4  }
0x32: {  	_ =	swait.ge [sflag:s15], $0xF000  }
0x33: {  	s18 =	sor.u32 $0x5A00, s14;
	[sflag:s15] =	ssyncset.done $0x0  }
0x34: {  	s19 =	sadd.s32 s10, s18;
	[sflag:s15] =	ssyncadd.s32 $0xFFFF1000  }
0x35: {  	[tilespmem:s13], [sflag:$0x2] =	stream.linear.gather [hbm4b:s19+s5], $0xF000, $0x38;
	[tilespmem:$0x1E200] =	vst v63  }
0x36: {  	_ =	swait.ge [sflag:s12], $0xF000  }
0x37: {  	[sflag:s12] =	ssyncset.done $0x0  }
0x38: {  	s17 =	sadd.s32 s4, s17;
	[sflag:s12] =	ssyncadd.s32 $0xFFFF1000  }
0x39: {  	[hbm4b:s17+s5] =	stream.linear.scatter [tilespmem:s5], [sflag:$0x3], $0xF000, $0x38;
	[tilespmem:$0x1E200] =	vst v63  }
0x3a: {  	_ =	swait.ge [sflag:s11], $0xF000  }
0x3b: {  	s24 =	sor.u32 $0x7800, s14;
	[sflag:s11] =	ssyncset.done $0x0  }
0x3c: {  	s25 =	sadd.s32 s10, s24;
	[sflag:s11] =	ssyncadd.s32 $0xFFFF1000  }
0x3d: {  	[tilespmem:s5], [sflag:$0x1] =	stream.linear.gather [hbm4b:s25+s5], $0xF000, $0x38;
	[tilespmem:$0x1E200] =	vst v63  }
0x3e: {  	_ =	swait.ge [sflag:s16], $0xF000  }
0x3f: {  	[sflag:s16] =	ssyncset.done $0x0  }
0x40: {  	s18 =	sadd.s32 s4, s18;
	[sflag:s16] =	ssyncadd.s32 $0xFFFF1000  }
0x41: {  	[hbm4b:s18+s5] =	stream.linear.scatter [tilespmem:s13], [sflag:$0x4], $0xF000, $0x38;
	[tilespmem:$0x1E200] =	vst v63  }
0x42: {  	_ =	swait.ge [sflag:s15], $0xF000  }
0x43: {  	s26 =	sor.u32 $0x9600, s14;
	[sflag:s15] =	ssyncset.done $0x0  }
0x44: {  	s28 =	sadd.s32 s10, s26;
	[sflag:s15] =	ssyncadd.s32 $0xFFFF1000  }
0x45: {  	[tilespmem:s13], [sflag:$0x2] =	stream.linear.gather [hbm4b:s28+s5], $0xF000, $0x38;
	[tilespmem:$0x1E200] =	vst v63  }
0x46: {  	_ =	swait.ge [sflag:s12], $0xF000  }
0x47: {  	[sflag:s12] =	ssyncset.done $0x0  }
0x48: {  	s17 =	sadd.s32 s4, s24;
	[sflag:s12] =	ssyncadd.s32 $0xFFFF1000  }
0x49: {  	[hbm4b:s17+s5] =	stream.linear.scatter [tilespmem:s5], [sflag:$0x3], $0xF000, $0x38;
	[tilespmem:$0x1E200] =	vst v63  }
0x4a: {  	_ =	swait.ge [sflag:s11], $0xF000  }
0x4b: {  	s29 =	sor.u32 $0xB400, s14;
	[sflag:s11] =	ssyncset.done $0x0  }
0x4c: {  	s30 =	sadd.s32 s10, s29;
	[sflag:s11] =	ssyncadd.s32 $0xFFFF1000  }
0x4d: {  	[tilespmem:s5], [sflag:$0x1] =	stream.linear.gather [hbm4b:s30+s5], $0xF000, $0x38;
	[tilespmem:$0x1E200] =	vst v63  }
0x4e: {  	_ =	swait.ge [sflag:s16], $0xF000  }
0x4f: {  	[sflag:s16] =	ssyncset.done $0x0  }
0x50: {  	s18 =	sadd.s32 s4, s26;
	[sflag:s16] =	ssyncadd.s32 $0xFFFF1000  }
0x51: {  	[hbm4b:s18+s5] =	stream.linear.scatter [tilespmem:s13], [sflag:$0x4], $0xF000, $0x38;
	[tilespmem:$0x1E200] =	vst v63  }
0x52: {  	_ =	swait.ge [sflag:s15], $0xF000  }
0x53: {  	s31 =	sor.u32 $0xD200, s14;
	[sflag:s15] =	ssyncset.done $0x0  }
0x54: {  	s20 =	sadd.s32 s10, s31;
	[sflag:s15] =	ssyncadd.s32 $0xFFFF1000  }
0x55: {  	[tilespmem:s13], [sflag:$0x2] =	stream.linear.gather [hbm4b:s20+s5], $0xF000, $0x38;
	[tilespmem:$0x1E200] =	vst v63  }
0x56: {  	_ =	swait.ge [sflag:s12], $0xF000  }
0x57: {  	[sflag:s12] =	ssyncset.done $0x0  }
0x58: {  	s17 =	sadd.s32 s4, s29;
	[sflag:s12] =	ssyncadd.s32 $0xFFFF1000  }
0x59: {  	[hbm4b:s17+s5] =	stream.linear.scatter [tilespmem:s5], [sflag:$0x3], $0xF000, $0x38;
	[tilespmem:$0x1E200] =	vst v63  }
0x5a: {  	_ =	swait.ge [sflag:s11], $0xF000  }
0x5b: {  	s21 =	sor.u32 $0xF000, s14;
	[sflag:s11] =	ssyncset.done $0x0  }
0x5c: {  	s22 =	sadd.s32 s10, s21;
	[sflag:s11] =	ssyncadd.s32 $0xFFFF1000  }
0x5d: {  	[tilespmem:s5], [sflag:$0x1] =	stream.linear.gather [hbm4b:s22+s5], $0xF000, $0x38;
	[tilespmem:$0x1E200] =	vst v63  }
0x5e: {  	_ =	swait.ge [sflag:s16], $0xF000  }
0x5f: {  	[sflag:s16] =	ssyncset.done $0x0  }
0x60: {  	s18 =	sadd.s32 s4, s31;
	[sflag:s16] =	ssyncadd.s32 $0xFFFF1000  }
0x61: {  	[hbm4b:s18+s5] =	stream.linear.scatter [tilespmem:s13], [sflag:$0x4], $0xF000, $0x38;
	[tilespmem:$0x1E200] =	vst v63  }
0x62: {  	_ =	swait.ge [sflag:s15], $0xF000  }
0x63: {  	s23 =	sor.u32 $0x10E00, s14;
	[sflag:s15] =	ssyncset.done $0x0  }
0x64: {  	s24 =	sadd.s32 s10, s23;
	[sflag:s15] =	ssyncadd.s32 $0xFFFF1000  }
0x65: {  	[tilespmem:s13], [sflag:$0x2] =	stream.linear.gather [hbm4b:s24+s5], $0xF000, $0x38;
	[tilespmem:$0x1E200] =	vst v63  }
0x66: {  	_ =	swait.ge [sflag:s12], $0xF000  }
0x67: {  	[sflag:s12] =	ssyncset.done $0x0  }
0x68: {  	s17 =	sadd.s32 s4, s21;
	[sflag:s12] =	ssyncadd.s32 $0xFFFF1000  }
0x69: {  	[hbm4b:s17+s5] =	stream.linear.scatter [tilespmem:s5], [sflag:$0x3], $0xF000, $0x38;
	[tilespmem:$0x1E200] =	vst v63  }
0x6a: {  	_ =	swait.ge [sflag:s11], $0xF000  }
0x6b: {  	s25 =	sor.u32 $0x12C00, s14;
	[sflag:s11] =	ssyncset.done $0x0  }
0x6c: {  	s26 =	sadd.s32 s10, s25;
	[sflag:s11] =	ssyncadd.s32 $0xFFFF1000  }
0x6d: {  	[tilespmem:s5], [sflag:$0x1] =	stream.linear.gather [hbm4b:s26+s5], $0xF000, $0x38;
	[tilespmem:$0x1E200] =	vst v63  }
0x6e: {  	_ =	swait.ge [sflag:s16], $0xF000  }
0x6f: {  	[sflag:s16] =	ssyncset.done $0x0  }
0x70: {  	s18 =	sadd.s32 s4, s23;
	[sflag:s16] =	ssyncadd.s32 $0xFFFF1000  }
0x71: {  	[hbm4b:s18+s5] =	stream.linear.scatter [tilespmem:s13], [sflag:$0x4], $0xF000, $0x38;
	[tilespmem:$0x1E200] =	vst v63  }
0x72: {  	_ =	swait.ge [sflag:s15], $0xF000  }
0x73: {  	s28 =	sor.u32 $0x14A00, s14;
	[sflag:s15] =	ssyncset.done $0x0  }
0x74: {  	s29 =	sadd.s32 s10, s28;
	[sflag:s15] =	ssyncadd.s32 $0xFFFF1000  }
0x75: {  	[tilespmem:s13], [sflag:$0x2] =	stream.linear.gather [hbm4b:s29+s5], $0xF000, $0x38;
	[tilespmem:$0x1E200] =	vst v63  }
0x76: {  	_ =	swait.ge [sflag:s12], $0xF000  }
0x77: {  	[sflag:s12] =	ssyncset.done $0x0  }
0x78: {  	s17 =	sadd.s32 s4, s25;
	[sflag:s12] =	ssyncadd.s32 $0xFFFF1000  }
0x79: {  	[hbm4b:s17+s5] =	stream.linear.scatter [tilespmem:s5], [sflag:$0x3], $0xF000, $0x38;
	[tilespmem:$0x1E200] =	vst v63  }
0x7a: {  	_ =	swait.ge [sflag:s11], $0xF000  }
0x7b: {  	s30 =	sor.u32 $0x16800, s14;
	[sflag:s11] =	ssyncset.done $0x0  }
0x7c: {  	s31 =	sadd.s32 s10, s30;
	[sflag:s11] =	ssyncadd.s32 $0xFFFF1000  }
0x7d: {  	[tilespmem:s5], [sflag:$0x1] =	stream.linear.gather [hbm4b:s31+s5], $0xF000, $0x38;
	[tilespmem:$0x1E200] =	vst v63  }
0x7e: {  	_ =	swait.ge [sflag:s16], $0xF000  }
0x7f: {  	[sflag:s16] =	ssyncset.done $0x0  }
0x80: {  	s18 =	sadd.s32 s4, s28;
	[sflag:s16] =	ssyncadd.s32 $0xFFFF1000  }
0x81: {  	[hbm4b:s18+s5] =	stream.linear.scatter [tilespmem:s13], [sflag:$0x4], $0xF000, $0x38;
	[tilespmem:$0x1E200] =	vst v63  }
0x82: {  	_ =	swait.ge [sflag:s15], $0xF000  }
0x83: {  	s20 =	sor.u32 $0x18600, s14;
	[sflag:s15] =	ssyncset.done $0x0  }
0x84: {  	s21 =	sadd.s32 s10, s20;
	[sflag:s15] =	ssyncadd.s32 $0xFFFF1000  }
0x85: {  	[tilespmem:s13], [sflag:$0x2] =	stream.linear.gather [hbm4b:s21+s5], $0xF000, $0x38;
	[tilespmem:$0x1E200] =	vst v63  }
0x86: {  	_ =	swait.ge [sflag:s12], $0xF000  }
0x87: {  	[sflag:s12] =	ssyncset.done $0x0  }
0x88: {  	s17 =	sadd.s32 s4, s30;
	[sflag:s12] =	ssyncadd.s32 $0xFFFF1000  }
0x89: {  	[hbm4b:s17+s5] =	stream.linear.scatter [tilespmem:s5], [sflag:$0x3], $0xF000, $0x38;
	[tilespmem:$0x1E200] =	vst v63  }
0x8a: {  	_ =	swait.ge [sflag:s11], $0xF000  }
0x8b: {  	s22 =	sor.u32 $0x1A400, s14;
	[sflag:s11] =	ssyncset.done $0x0  }
0x8c: {  	s23 =	sadd.s32 s10, s22;
	[sflag:s11] =	ssyncadd.s32 $0xFFFF1000  }
0x8d: {  	[tilespmem:s5], [sflag:$0x1] =	stream.linear.gather [hbm4b:s23+s5], $0xF000, $0x38;
	[tilespmem:$0x1E200] =	vst v63  }
0x8e: {  	_ =	swait.ge [sflag:s16], $0xF000  }
0x8f: {  	[sflag:s16] =	ssyncset.done $0x0  }
0x90: {  	s18 =	sadd.s32 s4, s20;
	[sflag:s16] =	ssyncadd.s32 $0xFFFF1000  }
0x91: {  	[hbm4b:s18+s5] =	stream.linear.scatter [tilespmem:s13], [sflag:$0x4], $0xF000, $0x38;
	[tilespmem:$0x1E200] =	vst v63  }
0x92: {  	_ =	swait.ge [sflag:s15], $0xF000  }
0x93: {  	s24 =	sor.u32 $0x1C200, s14;
	[sflag:s15] =	ssyncset.done $0x0  }
0x94: {  	s25 =	sadd.s32 s10, s24;
	[sflag:s15] =	ssyncadd.s32 $0xFFFF1000  }
0x95: {  	[tilespmem:s13], [sflag:$0x2] =	stream.linear.gather [hbm4b:s25+s5], $0xF000, $0x38;
	[tilespmem:$0x1E200] =	vst v63  }
0x96: {  	_ =	swait.ge [sflag:s12], $0xF000  }
0x97: {  	[sflag:s12] =	ssyncset.done $0x0  }
0x98: {  	s17 =	sadd.s32 s4, s22;
	[sflag:s12] =	ssyncadd.s32 $0xFFFF1000  }
0x99: {  	[hbm4b:s17+s5] =	stream.linear.scatter [tilespmem:s5], [sflag:$0x3], $0xF000, $0x38;
	[tilespmem:$0x1E200] =	vst v63  }
0x9a: {  	_ =	swait.ge [sflag:s11], $0xF000  }
0x9b: {  	s26 =	sor.u32 $0x1E000, s14;
	[sflag:s11] =	ssyncset.done $0x0  }
0x9c: {  	s28 =	sadd.s32 s10, s26;
	[sflag:s11] =	ssyncadd.s32 $0xFFFF1000  }
0x9d: {  	[tilespmem:s5], [sflag:$0x1] =	stream.linear.gather [hbm4b:s28+s5], $0xF000, $0x38;
	[tilespmem:$0x1E200] =	vst v63  }
0x9e: {  	_ =	swait.ge [sflag:s16], $0xF000  }
0x9f: {  	[sflag:s16] =	ssyncset.done $0x0  }
0xa0: {  	s18 =	sadd.s32 s4, s24;
	[sflag:s16] =	ssyncadd.s32 $0xFFFF1000  }
0xa1: {  	[hbm4b:s18+s5] =	stream.linear.scatter [tilespmem:s13], [sflag:$0x4], $0xF000, $0x38;
	[tilespmem:$0x1E200] =	vst v63  }
0xa2: {  	_ =	swait.ge [sflag:s15], $0xF000  }
0xa3: {  	s29 =	sor.u32 $0x1FE00, s14;
	[sflag:s15] =	ssyncset.done $0x0  }
0xa4: {  	s30 =	sadd.s32 s10, s29;
	[sflag:s15] =	ssyncadd.s32 $0xFFFF1000  }
0xa5: {  	[tilespmem:s13], [sflag:$0x2] =	stream.linear.gather [hbm4b:s30+s5], $0xF000, $0x38;
	[tilespmem:$0x1E200] =	vst v63  }
0xa6: {  	_ =	swait.ge [sflag:s12], $0xF000  }
0xa7: {  	[sflag:s12] =	ssyncset.done $0x0  }
0xa8: {  	s17 =	sadd.s32 s4, s26;
	[sflag:s12] =	ssyncadd.s32 $0xFFFF1000  }
0xa9: {  	[hbm4b:s17+s5] =	stream.linear.scatter [tilespmem:s5], [sflag:$0x3], $0xF000, $0x38;
	[tilespmem:$0x1E200] =	vst v63  }
0xaa: {  	_ =	swait.ge [sflag:s11], $0xF000  }
0xab: {  	s31 =	sor.u32 $0x21C00, s14;
	[sflag:s11] =	ssyncset.done $0x0  }
0xac: {  	s20 =	sadd.s32 s10, s31;
	[sflag:s11] =	ssyncadd.s32 $0xFFFF1000  }
0xad: {  	[tilespmem:s5], [sflag:$0x1] =	stream.linear.gather [hbm4b:s20+s5], $0xF000, $0x38;
	[tilespmem:$0x1E200] =	vst v63  }
0xae: {  	_ =	swait.ge [sflag:s16], $0xF000  }
0xaf: {  	[sflag:s16] =	ssyncset.done $0x0  }
0xb0: {  	s18 =	sadd.s32 s4, s29;
	[sflag:s16] =	ssyncadd.s32 $0xFFFF1000  }
0xb1: {  	[hbm4b:s18+s5] =	stream.linear.scatter [tilespmem:s13], [sflag:$0x4], $0xF000, $0x38;
	[tilespmem:$0x1E200] =	vst v63  }
0xb2: {  	_ =	swait.ge [sflag:s15], $0xF000  }
0xb3: {  	s21 =	sor.u32 $0x23A00, s14;
	[sflag:s15] =	ssyncset.done $0x0  }
0xb4: {  	s22 =	sadd.s32 s10, s21;
	[sflag:s15] =	ssyncadd.s32 $0xFFFF1000  }
0xb5: {  	[tilespmem:s13], [sflag:$0x2] =	stream.linear.gather [hbm4b:s22+s5], $0xF000, $0x38;
	[tilespmem:$0x1E200] =	vst v63  }
0xb6: {  	_ =	swait.ge [sflag:s12], $0xF000  }
0xb7: {  	[sflag:s12] =	ssyncset.done $0x0  }
0xb8: {  	s17 =	sadd.s32 s4, s31;
	[sflag:s12] =	ssyncadd.s32 $0xFFFF1000  }
0xb9: {  	[hbm4b:s17+s5] =	stream.linear.scatter [tilespmem:s5], [sflag:$0x3], $0xF000, $0x38;
	[tilespmem:$0x1E200] =	vst v63  }
0xba: {  	_ =	swait.ge [sflag:s11], $0xF000  }
0xbb: {  	s23 =	sor.u32 $0x25800, s14;
	[sflag:s11] =	ssyncset.done $0x0  }
0xbc: {  	s24 =	sadd.s32 s10, s23;
	[sflag:s11] =	ssyncadd.s32 $0xFFFF1000  }
0xbd: {  	[tilespmem:s5], [sflag:$0x1] =	stream.linear.gather [hbm4b:s24+s5], $0xF000, $0x38;
	[tilespmem:$0x1E200] =	vst v63  }
0xbe: {  	_ =	swait.ge [sflag:s16], $0xF000  }
0xbf: {  	[sflag:s16] =	ssyncset.done $0x0  }
0xc0: {  	s18 =	sadd.s32 s4, s21;
	[sflag:s16] =	ssyncadd.s32 $0xFFFF1000  }
0xc1: {  	[hbm4b:s18+s5] =	stream.linear.scatter [tilespmem:s13], [sflag:$0x4], $0xF000, $0x38;
	[tilespmem:$0x1E200] =	vst v63  }
0xc2: {  	_ =	swait.ge [sflag:s15], $0xF000  }
0xc3: {  	s25 =	sor.u32 $0x27600, s14;
	[sflag:s15] =	ssyncset.done $0x0  }
0xc4: {  	s26 =	sadd.s32 s10, s25;
	[sflag:s15] =	ssyncadd.s32 $0xFFFF1000  }
0xc5: {  	[tilespmem:s13], [sflag:$0x2] =	stream.linear.gather [hbm4b:s26+s5], $0xF000, $0x38;
	[tilespmem:$0x1E200] =	vst v63  }
0xc6: {  	_ =	swait.ge [sflag:s12], $0xF000  }
0xc7: {  	[sflag:s12] =	ssyncset.done $0x0  }
0xc8: {  	s17 =	sadd.s32 s4, s23;
	[sflag:s12] =	ssyncadd.s32 $0xFFFF1000  }
0xc9: {  	[hbm4b:s17+s5] =	stream.linear.scatter [tilespmem:s5], [sflag:$0x3], $0xF000, $0x38;
	[tilespmem:$0x1E200] =	vst v63  }
0xca: {  	_ =	swait.ge [sflag:s11], $0xF000  }
0xcb: {  	s28 =	sor.u32 $0x29400, s14;
	[sflag:s11] =	ssyncset.done $0x0  }
0xcc: {  	s29 =	sadd.s32 s10, s28;
	[sflag:s11] =	ssyncadd.s32 $0xFFFF1000  }
0xcd: {  	[tilespmem:s5], [sflag:$0x1] =	stream.linear.gather [hbm4b:s29+s5], $0xF000, $0x38;
	[tilespmem:$0x1E200] =	vst v63  }
0xce: {  	_ =	swait.ge [sflag:s16], $0xF000  }
0xcf: {  	[sflag:s16] =	ssyncset.done $0x0  }
0xd0: {  	s18 =	sadd.s32 s4, s25;
	[sflag:s16] =	ssyncadd.s32 $0xFFFF1000  }
0xd1: {  	[hbm4b:s18+s5] =	stream.linear.scatter [tilespmem:s13], [sflag:$0x4], $0xF000, $0x38;
	[tilespmem:$0x1E200] =	vst v63  }
0xd2: {  	_ =	swait.ge [sflag:s15], $0xF000  }
0xd3: {  	s30 =	sor.u32 $0x2B200, s14;
	[sflag:s15] =	ssyncset.done $0x0  }
0xd4: {  	s31 =	sadd.s32 s10, s30;
	[sflag:s15] =	ssyncadd.s32 $0xFFFF1000  }
0xd5: {  	[tilespmem:s13], [sflag:$0x2] =	stream.linear.gather [hbm4b:s31+s5], $0xF000, $0x38;
	[tilespmem:$0x1E200] =	vst v63  }
0xd6: {  	_ =	swait.ge [sflag:s12], $0xF000  }
0xd7: {  	[sflag:s12] =	ssyncset.done $0x0  }
0xd8: {  	s17 =	sadd.s32 s4, s28;
	[sflag:s12] =	ssyncadd.s32 $0xFFFF1000  }
0xd9: {  	[hbm4b:s17+s5] =	stream.linear.scatter [tilespmem:s5], [sflag:$0x3], $0xF000, $0x38;
	[tilespmem:$0x1E200] =	vst v63  }
0xda: {  	_ =	swait.ge [sflag:s11], $0xF000  }
0xdb: {  	s20 =	sor.u32 $0x2D000, s14;
	[sflag:s11] =	ssyncset.done $0x0  }
0xdc: {  	s21 =	sadd.s32 s10, s20;
	[sflag:s11] =	ssyncadd.s32 $0xFFFF1000  }
0xdd: {  	[tilespmem:s5], [sflag:$0x1] =	stream.linear.gather [hbm4b:s21+s5], $0xF000, $0x38;
	[tilespmem:$0x1E200] =	vst v63  }
0xde: {  	_ =	swait.ge [sflag:s16], $0xF000  }
0xdf: {  	[sflag:s16] =	ssyncset.done $0x0  }
0xe0: {  	s18 =	sadd.s32 s4, s30;
	[sflag:s16] =	ssyncadd.s32 $0xFFFF1000  }
0xe1: {  	[hbm4b:s18+s5] =	stream.linear.scatter [tilespmem:s13], [sflag:$0x4], $0xF000, $0x38;
	[tilespmem:$0x1E200] =	vst v63  }
0xe2: {  	_ =	swait.ge [sflag:s15], $0xF000  }
0xe3: {  	s22 =	sor.u32 $0x2EE00, s14;
	[sflag:s15] =	ssyncset.done $0x0  }
0xe4: {  	s23 =	sadd.s32 s10, s22;
	[sflag:s15] =	ssyncadd.s32 $0xFFFF1000  }
0xe5: {  	[tilespmem:s13], [sflag:$0x2] =	stream.linear.gather [hbm4b:s23+s5], $0xF000, $0x38;
	[tilespmem:$0x1E200] =	vst v63  }
0xe6: {  	_ =	swait.ge [sflag:s12], $0xF000  }
0xe7: {  	[sflag:s12] =	ssyncset.done $0x0  }
0xe8: {  	s17 =	sadd.s32 s4, s20;
	[sflag:s12] =	ssyncadd.s32 $0xFFFF1000  }
0xe9: {  	[hbm4b:s17+s5] =	stream.linear.scatter [tilespmem:s5], [sflag:$0x3], $0xF000, $0x38;
	[tilespmem:$0x1E200] =	vst v63  }
0xea: {  	_ =	swait.ge [sflag:s11], $0xF000  }
0xeb: {  	s24 =	sor.u32 $0x30C00, s14;
	[sflag:s11] =	ssyncset.done $0x0  }
0xec: {  	s25 =	sadd.s32 s10, s24;
	[sflag:s11] =	ssyncadd.s32 $0xFFFF1000  }
0xed: {  	[tilespmem:s5], [sflag:$0x1] =	stream.linear.gather [hbm4b:s25+s5], $0xF000, $0x38;
	[tilespmem:$0x1E200] =	vst v63  }
0xee: {  	_ =	swait.ge [sflag:s16], $0xF000  }
0xef: {  	[sflag:s16] =	ssyncset.done $0x0  }
0xf0: {  	s18 =	sadd.s32 s4, s22;
	[sflag:s16] =	ssyncadd.s32 $0xFFFF1000  }
0xf1: {  	[hbm4b:s18+s5] =	stream.linear.scatter [tilespmem:s13], [sflag:$0x4], $0xF000, $0x38;
	[tilespmem:$0x1E200] =	vst v63  }
0xf2: {  	_ =	swait.ge [sflag:s15], $0xF000  }
0xf3: {  	s26 =	sor.u32 $0x32A00, s14;
	[sflag:s15] =	ssyncset.done $0x0  }
0xf4: {  	s28 =	sadd.s32 s10, s26;
	[sflag:s15] =	ssyncadd.s32 $0xFFFF1000  }
0xf5: {  	[tilespmem:s13], [sflag:$0x2] =	stream.linear.gather [hbm4b:s28+s5], $0xF000, $0x38;
	[tilespmem:$0x1E200] =	vst v63  }
0xf6: {  	_ =	swait.ge [sflag:s12], $0xF000  }
0xf7: {  	[sflag:s12] =	ssyncset.done $0x0  }
0xf8: {  	s17 =	sadd.s32 s4, s24;
	[sflag:s12] =	ssyncadd.s32 $0xFFFF1000  }
0xf9: {  	[hbm4b:s17+s5] =	stream.linear.scatter [tilespmem:s5], [sflag:$0x3], $0xF000, $0x38;
	[tilespmem:$0x1E200] =	vst v63  }
0xfa: {  	_ =	swait.ge [sflag:s11], $0xF000  }
0xfb: {  	s29 =	sor.u32 $0x34800, s14;
	[sflag:s11] =	ssyncset.done $0x0  }
0xfc: {  	s30 =	sadd.s32 s10, s29;
	[sflag:s11] =	ssyncadd.s32 $0xFFFF1000  }
0xfd: {  	[tilespmem:s5], [sflag:$0x1] =	stream.linear.gather [hbm4b:s30+s5], $0xF000, $0x38;
	[tilespmem:$0x1E200] =	vst v63  }
0xfe: {  	_ =	swait.ge [sflag:s16], $0xF000  }
0xff: {  	[sflag:s16] =	ssyncset.done $0x0  }
0x100: {  	s18 =	sadd.s32 s4, s26;
	[sflag:s16] =	ssyncadd.s32 $0xFFFF1000  }
0x101: {  	[hbm4b:s18+s5] =	stream.linear.scatter [tilespmem:s13], [sflag:$0x4], $0xF000, $0x38;
	[tilespmem:$0x1E200] =	vst v63  }
0x102: {  	_ =	swait.ge [sflag:s15], $0xF000  }
0x103: {  	s31 =	sor.u32 $0x36600, s14;
	[sflag:s15] =	ssyncset.done $0x0  }
0x104: {  	s20 =	sadd.s32 s10, s31;
	[sflag:s15] =	ssyncadd.s32 $0xFFFF1000  }
0x105: {  	[tilespmem:s13], [sflag:$0x2] =	stream.linear.gather [hbm4b:s20+s5], $0xF000, $0x38;
	[tilespmem:$0x1E200] =	vst v63  }
0x106: {  	_ =	swait.ge [sflag:s12], $0xF000  }
0x107: {  	[sflag:s12] =	ssyncset.done $0x0  }
0x108: {  	s17 =	sadd.s32 s4, s29;
	[sflag:s12] =	ssyncadd.s32 $0xFFFF1000  }
0x109: {  	[hbm4b:s17+s5] =	stream.linear.scatter [tilespmem:s5], [sflag:$0x3], $0xF000, $0x38;
	[tilespmem:$0x1E200] =	vst v63  }
0x10a: {  	_ =	swait.ge [sflag:s11], $0xF000  }
0x10b: {  	s21 =	sor.u32 $0x38400, s14;
	[sflag:s11] =	ssyncset.done $0x0  }
0x10c: {  	s22 =	sadd.s32 s10, s21;
	[sflag:s11] =	ssyncadd.s32 $0xFFFF1000  }
0x10d: {  	[tilespmem:s5], [sflag:$0x1] =	stream.linear.gather [hbm4b:s22+s5], $0xF000, $0x38;
	[tilespmem:$0x1E200] =	vst v63  }
0x10e: {  	_ =	swait.ge [sflag:s16], $0xF000  }
0x10f: {  	[sflag:s16] =	ssyncset.done $0x0  }
0x110: {  	s18 =	sadd.s32 s4, s31;
	[sflag:s16] =	ssyncadd.s32 $0xFFFF1000  }
0x111: {  	[hbm4b:s18+s5] =	stream.linear.scatter [tilespmem:s13], [sflag:$0x4], $0xF000, $0x38;
	[tilespmem:$0x1E200] =	vst v63  }
0x112: {  	_ =	swait.ge [sflag:s15], $0xF000  }
0x113: {  	s23 =	sor.u32 $0x3A200, s14;
	[sflag:s15] =	ssyncset.done $0x0  }
0x114: {  	s24 =	sadd.s32 s10, s23;
	[sflag:s15] =	ssyncadd.s32 $0xFFFF1000  }
0x115: {  	[tilespmem:s13], [sflag:$0x2] =	stream.linear.gather [hbm4b:s24+s5], $0xF000, $0x38;
	[tilespmem:$0x1E200] =	vst v63  }
0x116: {  	_ =	swait.ge [sflag:s12], $0xF000  }
0x117: {  	[sflag:s12] =	ssyncset.done $0x0  }
0x118: {  	s17 =	sadd.s32 s4, s21;
	[sflag:s12] =	ssyncadd.s32 $0xFFFF1000  }
0x119: {  	[hbm4b:s17+s5] =	stream.linear.scatter [tilespmem:s5], [sflag:$0x3], $0xF000, $0x38;
	[tilespmem:$0x1E200] =	vst v63  }
0x11a: {  	_ =	swait.ge [sflag:s11], $0xF000  }
0x11b: {  	s25 =	sor.u32 $0x3C000, s14;
	[sflag:s11] =	ssyncset.done $0x0  }
0x11c: {  	s26 =	sadd.s32 s10, s25;
	[sflag:s11] =	ssyncadd.s32 $0xFFFF1000  }
0x11d: {  	[tilespmem:s5], [sflag:$0x1] =	stream.linear.gather [hbm4b:s26+s5], $0xF000, $0x38;
	[tilespmem:$0x1E200] =	vst v63  }
0x11e: {  	_ =	swait.ge [sflag:s16], $0xF000  }
0x11f: {  	[sflag:s16] =	ssyncset.done $0x0  }
0x120: {  	s18 =	sadd.s32 s4, s23;
	[sflag:s16] =	ssyncadd.s32 $0xFFFF1000  }
0x121: {  	[hbm4b:s18+s5] =	stream.linear.scatter [tilespmem:s13], [sflag:$0x4], $0xF000, $0x38;
	[tilespmem:$0x1E200] =	vst v63  }
0x122: {  	_ =	swait.ge [sflag:s15], $0xF000  }
0x123: {  	s28 =	sor.u32 $0x3DE00, s14;
	[sflag:s15] =	ssyncset.done $0x0  }
0x124: {  	s29 =	sadd.s32 s10, s28;
	[sflag:s15] =	ssyncadd.s32 $0xFFFF1000  }
0x125: {  	[tilespmem:s13], [sflag:$0x2] =	stream.linear.gather [hbm4b:s29+s5], $0xF000, $0x38;
	[tilespmem:$0x1E200] =	vst v63  }
0x126: {  	_ =	swait.ge [sflag:s12], $0xF000  }
0x127: {  	[sflag:s12] =	ssyncset.done $0x0  }
0x128: {  	s17 =	sadd.s32 s4, s25;
	[sflag:s12] =	ssyncadd.s32 $0xFFFF1000  }
0x129: {  	[hbm4b:s17+s5] =	stream.linear.scatter [tilespmem:s5], [sflag:$0x3], $0xF000, $0x38;
	[tilespmem:$0x1E200] =	vst v63  }
0x12a: {  	_ =	swait.ge [sflag:s11], $0xF000  }
0x12b: {  	s14 =	sor.u32 $0x3FC00, s14;
	[sflag:s11] =	ssyncset.done $0x0  }
0x12c: {  	s10 =	sadd.s32 s10, s14;
	[sflag:s11] =	ssyncadd.s32 $0xFFFF1000  }
0x12d: {  	[tilespmem:s5], [sflag:$0x1] =	stream.linear.gather [hbm4b:s10+s5], $0x2000, $0x38;
	[tilespmem:$0x1E200] =	vst v63  }
0x12e: {  	_ =	swait.ge [sflag:s16], $0xF000  }
0x12f: {  	[sflag:s16] =	ssyncset.done $0x0  }
0x130: {  	s30 =	sadd.s32 s4, s28;
	[sflag:s16] =	ssyncadd.s32 $0xFFFF1000  }
0x131: {  	[hbm4b:s30+s5] =	stream.linear.scatter [tilespmem:s13], [sflag:$0x4], $0xF000, $0x38;
	[tilespmem:$0x1E200] =	vst v63  }
0x132: {  	_ =	swait.ge [sflag:s12], $0x2000  }
0x133: {  	[sflag:s12] =	ssyncset.done $0x0  }
0x134: {  	s31 =	sadd.s32 s4, s14;
	[sflag:s12] =	ssyncadd.s32 $0xFFFFE000  }
0x135: {  	[hbm4b:s31+s5] =	stream.linear.scatter [tilespmem:s5], [sflag:$0x3], $0x2000, $0x38;
	[tilespmem:$0x1E200] =	vst v63  }
0x136: {  	_ =	swait.ge [sflag:s15], $0xF000  }
0x137: {  	[sflag:s15] =	ssyncset.done $0x0  }
0x138: {  	[sflag:s15] =	ssyncadd.s32 $0xFFFF1000  }
0x139: {  	_ =	swait.ge [sflag:s11], $0x2000  }
0x13a: {  	[sflag:s11] =	ssyncset.done $0x0  }
0x13b: {  	[sflag:s11] =	ssyncadd.s32 $0xFFFFE000  }
0x13c: {  	v0 =	vld [tilespmem:$0x1E080];
	_ =	sdelay $0x4  }
0x13d: {  	v1 =	vshll.u32 v0, $0x2  }
0x13e: {  	v2 =	vlaneseq.u32;
	v0 =	vand.u32 $0x7, v0;
	v1 =	vand.u32 $0xFFFFFFE0, v1  }
0x13f: {  	v55 =	vand.u32 $0x7, v2;
	v3 =	vshrl.u32 v2, $0x3;
	v0 =	vor.u32 v0, v1  }
0x140: {  	v3 =	vmul.u32 $0x8, v3;
	v4 =	vperm.xlane v0, v55;
	_ =	sdelay $0x1  }
0x141: {  	v4 =	vadd.s32 v3, v4  }
0x142: {  	v2 =	vor.u32 $0x8, v2  }
0x143: {  	v0 =	vperm.xlane v0, v2;
	_ =	sdelay $0x1  }
0x144: {  	vm0 =	vmmov $0xffff;
	v0 =	vadd.s32 v3, v0  }
0x145: {  	[tilespmem:s5], [sflag:$0x5] =	stream.indirect_vreg.gather [hbm4b:s9+s5], $0x80, v4, vm0, $0xb8;
	[tilespmem:$0x1E200] =	vst v63  }
0x146: {  	s23 =	sadd.s32 $0x100, s9;
	s11 =	simm.s32 $0x800  }
0x147: {  	[tilespmem:s11], [sflag:$0x5] =	stream.indirect_vreg.gather [hbm4b:s23+s5], $0x80, v4, vm0, $0xb8;
	[tilespmem:$0x1E200] =	vst v63  }
0x148: {  	s12 =	simm.s32 $0x1000  }
0x149: {  	[tilespmem:s12], [sflag:$0x5] =	stream.indirect_vreg.gather [hbm4b:s9+s5], $0x80, v0, vm0, $0xb8;
	[tilespmem:$0x1E200] =	vst v63  }
0x14a: {  	s13 =	simm.s32 $0x1800  }
0x14b: {  	[tilespmem:s13], [sflag:$0x5] =	stream.indirect_vreg.gather [hbm4b:s23+s5], $0x80, v0, vm0, $0xb8;
	[tilespmem:$0x1E200] =	vst v63  }
0x14c: {  	v0 =	vld [tilespmem:$0x1E090];
	_ =	sdelay $0x4  }
0x14d: {  	v56 =	vshll.u32 v0, $0x2  }
0x14e: {  	v0 =	vand.u32 $0x7, v0;
	v4 =	vand.u32 $0xFFFFFFE0, v56  }
0x14f: {  	v0 =	vor.u32 v0, v4  }
0x150: {  	v4 =	vperm.xlane v0, v55;
	_ =	sdelay $0x1  }
0x151: {  	v4 =	vadd.s32 v3, v4;
	_ =	sdelay $0x1  }
0x152: {  	v0 =	vperm.xlane v0, v2;
	_ =	sdelay $0x1  }
0x153: {  	s14 =	simm.s32 $0x2000;
	v0 =	vadd.s32 v3, v0  }
0x154: {  	[tilespmem:s14], [sflag:$0x5] =	stream.indirect_vreg.gather [hbm4b:s9+s5], $0x80, v4, vm0, $0xb8;
	[tilespmem:$0x1E200] =	vst v63  }
0x155: {  	s15 =	simm.s32 $0x2800  }
0x156: {  	[tilespmem:s15], [sflag:$0x5] =	stream.indirect_vreg.gather [hbm4b:s23+s5], $0x80, v4, vm0, $0xb8;
	[tilespmem:$0x1E200] =	vst v63  }
0x157: {  	s16 =	simm.s32 $0x3000  }
0x158: {  	[tilespmem:s16], [sflag:$0x5] =	stream.indirect_vreg.gather [hbm4b:s9+s5], $0x80, v0, vm0, $0xb8;
	[tilespmem:$0x1E200] =	vst v63  }
0x159: {  	s17 =	simm.s32 $0x3800  }
0x15a: {  	[tilespmem:s17], [sflag:$0x5] =	stream.indirect_vreg.gather [hbm4b:s23+s5], $0x80, v0, vm0, $0xb8;
	[tilespmem:$0x1E200] =	vst v63  }
0x15b: {  	v0 =	vld [tilespmem:$0x1E0A0];
	_ =	sdelay $0x4  }
0x15c: {  	v57 =	vshll.u32 v0, $0x2  }
0x15d: {  	v0 =	vand.u32 $0x7, v0;
	v4 =	vand.u32 $0xFFFFFFE0, v57  }
0x15e: {  	v0 =	vor.u32 v0, v4  }
0x15f: {  	v4 =	vperm.xlane v0, v55;
	_ =	sdelay $0x1  }
0x160: {  	v4 =	vadd.s32 v3, v4;
	_ =	sdelay $0x1  }
0x161: {  	v0 =	vperm.xlane v0, v2;
	_ =	sdelay $0x1  }
0x162: {  	s18 =	simm.s32 $0x4000;
	v0 =	vadd.s32 v3, v0  }
0x163: {  	[tilespmem:s18], [sflag:$0x5] =	stream.indirect_vreg.gather [hbm4b:s9+s5], $0x80, v4, vm0, $0xb8;
	[tilespmem:$0x1E200] =	vst v63  }
0x164: {  	s19 =	simm.s32 $0x4800  }
0x165: {  	[tilespmem:s19], [sflag:$0x5] =	stream.indirect_vreg.gather [hbm4b:s23+s5], $0x80, v4, vm0, $0xb8;
	[tilespmem:$0x1E200] =	vst v63  }
0x166: {  	s31 =	simm.s32 $0x5000  }
0x167: {  	[tilespmem:s31], [sflag:$0x5] =	stream.indirect_vreg.gather [hbm4b:s9+s5], $0x80, v0, vm0, $0xb8;
	[tilespmem:$0x1E200] =	vst v63  }
0x168: {  	s20 =	simm.s32 $0x5800  }
0x169: {  	[tilespmem:s20], [sflag:$0x5] =	stream.indirect_vreg.gather [hbm4b:s23+s5], $0x80, v0, vm0, $0xb8;
	[tilespmem:$0x1E200] =	vst v63  }
0x16a: {  	v0 =	vld [tilespmem:$0x1E0B0];
	_ =	sdelay $0x4  }
0x16b: {  	v58 =	vshll.u32 v0, $0x2  }
0x16c: {  	v0 =	vand.u32 $0x7, v0;
	v4 =	vand.u32 $0xFFFFFFE0, v58  }
0x16d: {  	v0 =	vor.u32 v0, v4  }
0x16e: {  	v4 =	vperm.xlane v0, v55;
	_ =	sdelay $0x1  }
0x16f: {  	v4 =	vadd.s32 v3, v4;
	_ =	sdelay $0x1  }
0x170: {  	v0 =	vperm.xlane v0, v2;
	_ =	sdelay $0x1  }
0x171: {  	s21 =	simm.s32 $0x6000;
	v0 =	vadd.s32 v3, v0  }
0x172: {  	[tilespmem:s21], [sflag:$0x5] =	stream.indirect_vreg.gather [hbm4b:s9+s5], $0x80, v4, vm0, $0xb8;
	[tilespmem:$0x1E200] =	vst v63  }
0x173: {  	s22 =	simm.s32 $0x6800  }
0x174: {  	[tilespmem:s22], [sflag:$0x5] =	stream.indirect_vreg.gather [hbm4b:s23+s5], $0x80, v4, vm0, $0xb8;
	[tilespmem:$0x1E200] =	vst v63  }
0x175: {  	s24 =	simm.s32 $0x7000  }
0x176: {  	[tilespmem:s24], [sflag:$0x5] =	stream.indirect_vreg.gather [hbm4b:s9+s5], $0x80, v0, vm0, $0xb8;
	[tilespmem:$0x1E200] =	vst v63  }
0x177: {  	s25 =	simm.s32 $0x5;
	s26 =	simm.s32 $0x7800  }
0x178: {  	[tilespmem:s26], [sflag:$0x5] =	stream.indirect_vreg.gather [hbm4b:s23+s5], $0x80, v0, vm0, $0xb8;
	[tilespmem:$0x1E200] =	vst v63  }
0x179: {  	_ =	swait.ge [sflag:s25], $0x8000  }
0x17a: {  	[sflag:s25] =	ssyncset.done $0x0  }
0x17b: {  	s29 =	simm.s32 $0x6;
	[sflag:s25] =	ssyncadd.s32 $0xFFFF8000  }
0x17c: {  	_ =	swait.ge [sflag:s29], $0x200  }
0x17d: {  	[sflag:s29] =	ssyncset.done $0x0  }
0x17e: {  	s30 =	simm.s32 $0x7;
	[sflag:s29] =	ssyncadd.s32 $0xFFFFFE00  }
0x17f: {  	_ =	swait.ge [sflag:s30], $0x200  }
0x180: {  	[sflag:s30] =	ssyncset.done $0x0  }
0x181: {  	[sflag:s30] =	ssyncadd.s32 $0xFFFFFE00  }
0x182: {  	[bflag:$0x0] =	sbarrier.arrive $0xFFFF  }
0x183: {  	v59 =	vld [tilespmem:$0x1E000];
	_ =	sdelay $0x4  }
0x184: {  	v60 =	vshll.u32 v59, $0x2  }
0x185: {  	v0 =	vand.u32 $0x7, v59;
	v4 =	vand.u32 $0xFFFFFFE0, v60  }
0x186: {  	v0 =	vor.u32 v0, v4  }
0x187: {  	v4 =	vperm.xlane v0, v55;
	_ =	sdelay $0x1  }
0x188: {  	v4 =	vadd.s32 v3, v4;
	_ =	sdelay $0x1  }
0x189: {  	v0 =	vperm.xlane v0, v2;
	_ =	sdelay $0x1  }
0x18a: {  	v0 =	vadd.s32 v3, v0  }
0x18b: {  	[hbm4b:s4+s5] =	stream.indirect_vreg.scatter [tilespmem:s5], [sflag:$0x5], $0x80, v4, vm0, $0xb8;
	[tilespmem:$0x1E200] =	vst v63  }
0x18c: {  	s28 =	sadd.s32 $0x100, s4  }
0x18d: {  	[hbm4b:s28+s5] =	stream.indirect_vreg.scatter [tilespmem:s11], [sflag:$0x5], $0x80, v4, vm0, $0xb8;
	[tilespmem:$0x1E200] =	vst v63  }
0x18e: {  	_ = 	snop  }
0x18f: {  	[hbm4b:s4+s5] =	stream.indirect_vreg.scatter [tilespmem:s12], [sflag:$0x5], $0x80, v0, vm0, $0xb8;
	[tilespmem:$0x1E200] =	vst v63  }
0x190: {  	_ = 	snop  }
0x191: {  	[hbm4b:s28+s5] =	stream.indirect_vreg.scatter [tilespmem:s13], [sflag:$0x5], $0x80, v0, vm0, $0xb8;
	[tilespmem:$0x1E200] =	vst v63  }
0x192: {  	v0 =	vld [tilespmem:$0x1E010];
	_ =	sdelay $0x4  }
0x193: {  	v61 =	vshll.u32 v0, $0x2  }
0x194: {  	v0 =	vand.u32 $0x7, v0;
	v4 =	vand.u32 $0xFFFFFFE0, v61  }
0x195: {  	v0 =	vor.u32 v0, v4  }
0x196: {  	v4 =	vperm.xlane v0, v55;
	_ =	sdelay $0x1  }
0x197: {  	v4 =	vadd.s32 v3, v4;
	_ =	sdelay $0x1  }
0x198: {  	v0 =	vperm.xlane v0, v2;
	_ =	sdelay $0x1  }
0x199: {  	v0 =	vadd.s32 v3, v0  }
0x19a: {  	[hbm4b:s4+s5] =	stream.indirect_vreg.scatter [tilespmem:s14], [sflag:$0x5], $0x80, v4, vm0, $0xb8;
	[tilespmem:$0x1E200] =	vst v63  }
0x19b: {  	_ = 	snop  }
0x19c: {  	[hbm4b:s28+s5] =	stream.indirect_vreg.scatter [tilespmem:s15], [sflag:$0x5], $0x80, v4, vm0, $0xb8;
	[tilespmem:$0x1E200] =	vst v63  }
0x19d: {  	_ = 	snop  }
0x19e: {  	[hbm4b:s4+s5] =	stream.indirect_vreg.scatter [tilespmem:s16], [sflag:$0x5], $0x80, v0, vm0, $0xb8;
	[tilespmem:$0x1E200] =	vst v63  }
0x19f: {  	_ = 	snop  }
0x1a0: {  	[hbm4b:s28+s5] =	stream.indirect_vreg.scatter [tilespmem:s17], [sflag:$0x5], $0x80, v0, vm0, $0xb8;
	[tilespmem:$0x1E200] =	vst v63  }
0x1a1: {  	v0 =	vld [tilespmem:$0x1E020];
	_ =	sdelay $0x4  }
0x1a2: {  	v62 =	vshll.u32 v0, $0x2  }
0x1a3: {  	v0 =	vand.u32 $0x7, v0;
	v4 =	vand.u32 $0xFFFFFFE0, v62  }
0x1a4: {  	v0 =	vor.u32 v0, v4  }
0x1a5: {  	v4 =	vperm.xlane v0, v55;
	_ =	sdelay $0x1  }
0x1a6: {  	v4 =	vadd.s32 v3, v4;
	_ =	sdelay $0x1  }
0x1a7: {  	v0 =	vperm.xlane v0, v2;
	_ =	sdelay $0x1  }
0x1a8: {  	v0 =	vadd.s32 v3, v0  }
0x1a9: {  	[hbm4b:s4+s5] =	stream.indirect_vreg.scatter [tilespmem:s18], [sflag:$0x5], $0x80, v4, vm0, $0xb8;
	[tilespmem:$0x1E200] =	vst v63  }
0x1aa: {  	_ = 	snop  }
0x1ab: {  	[hbm4b:s28+s5] =	stream.indirect_vreg.scatter [tilespmem:s19], [sflag:$0x5], $0x80, v4, vm0, $0xb8;
	[tilespmem:$0x1E200] =	vst v63  }
0x1ac: {  	_ = 	snop  }
0x1ad: {  	[hbm4b:s4+s5] =	stream.indirect_vreg.scatter [tilespmem:s31], [sflag:$0x5], $0x80, v0, vm0, $0xb8;
	[tilespmem:$0x1E200] =	vst v63  }
0x1ae: {  	_ = 	snop  }
0x1af: {  	[hbm4b:s28+s5] =	stream.indirect_vreg.scatter [tilespmem:s20], [sflag:$0x5], $0x80, v0, vm0, $0xb8;
	[tilespmem:$0x1E200] =	vst v63  }
0x1b0: {  	v0 =	vld [tilespmem:$0x1E030];
	_ =	sdelay $0x4  }
0x1b1: {  	v63 =	vshll.u32 v0, $0x2  }
0x1b2: {  	v0 =	vand.u32 $0x7, v0;
	v4 =	vand.u32 $0xFFFFFFE0, v63  }
0x1b3: {  	v0 =	vor.u32 v0, v4  }
0x1b4: {  	v1 =	vperm.xlane v0, v55;
	_ =	sdelay $0x1  }
0x1b5: {  	v1 =	vadd.s32 v3, v1;
	_ =	sdelay $0x1  }
0x1b6: {  	v0 =	vperm.xlane v0, v2;
	_ =	sdelay $0x1  }
0x1b7: {  	v0 =	vadd.s32 v3, v0  }
0x1b8: {  	[hbm4b:s4+s5] =	stream.indirect_vreg.scatter [tilespmem:s21], [sflag:$0x5], $0x80, v1, vm0, $0xb8;
	[tilespmem:$0x1E200] =	vst v63  }
0x1b9: {  	_ = 	snop  }
0x1ba: {  	[hbm4b:s28+s5] =	stream.indirect_vreg.scatter [tilespmem:s22], [sflag:$0x5], $0x80, v1, vm0, $0xb8;
	[tilespmem:$0x1E200] =	vst v63  }
0x1bb: {  	_ = 	snop  }
0x1bc: {  	[hbm4b:s4+s5] =	stream.indirect_vreg.scatter [tilespmem:s24], [sflag:$0x5], $0x80, v0, vm0, $0xb8;
	[tilespmem:$0x1E200] =	vst v63  }
0x1bd: {  	_ = 	snop  }
0x1be: {  	[hbm4b:s28+s5] =	stream.indirect_vreg.scatter [tilespmem:s26], [sflag:$0x5], $0x80, v0, vm0, $0xb8;
	[tilespmem:$0x1E200] =	vst v63  }
0x1bf: {  	_ =	swait.ge [sflag:s25], $0x8000  }
0x1c0: {  	[sflag:s25] =	ssyncset.done $0x0  }
0x1c1: {  	s31 =	simm.s32 $0x40;
	[sflag:s25] =	ssyncadd.s32 $0xFFFF8000  }
0x1c2: {  	[hbm4b:s3+s31] =	stream.indirect.scatter [tilespmem:s7], [sflag:$0x6], $0x1, s6, s31, $0xb8;
	[tilespmem:$0x1E200] =	vst v63  }
0x1c3: {  	_ =	swait.ge [sflag:s29], $0x40  }
0x1c4: {  	[sflag:s29] =	ssyncset.done $0x0  }
0x1c5: {  	[sflag:s29] =	ssyncadd.s32 $0xFFFFFFC0  }
0x1c6: {  	[hbm4b:s2+s31] =	stream.indirect.scatter [tilespmem:s8], [sflag:$0x7], $0x1, s6, s31, $0xb8;
	[tilespmem:$0x1E200] =	vst v63  }
0x1c7: {  	_ =	swait.ge [sflag:s30], $0x40  }
0x1c8: {  	[sflag:s30] =	ssyncset.done $0x0  }
0x1c9: {  	[sflag:s30] =	ssyncadd.s32 $0xFFFFFFC0  }
0x1ca: {  	_ =	sfence.sel $0x180000  }
0x1cb: {  	[bflag:$0x0] =	sbarrier.arrive $0xFFFF  }
0x1cc: {  	p0 =	sne.s32 s1, $0x0;
	_ =	strace $0x90000047  }
0x1cd: {  	s0 =	sadd.s32 @!p0 $0x100000, s0;
	[bflag:$0x2] =	sbarrier.arrive $0xFFFF  }
0x1ce: {  	[sflag:s0] =	ssyncadd.tile.s32 @!p0 $0x1;
	_ =	shalt  }
.Lfunc_end2:
_tile_overlayer_lowered:
.L_overlay_start_2:
0x1cf: {  	(tag) =	ssettag $0x2  }
0x1d0: {  	s0 =	rddreg [dreg:$0x0];
	s2 =	stileid.u32  }
0x1d1: {  	s1 =	rddreg [dreg:$0x1];
	p0 =	sne.s32 s2, $0x0  }
0x1d2: {  	s3 =	rddreg [dreg:$0x2];
	[bflag:$0x3] =	sbarrier.arrive $0xFFFF;
	s2 =	simm.s32 @!p0 $0x1C08  }
0x1d3: {  	[timem:s3], [sflag:s2] =	dma.local @!p0 [hbm:s0], s1  }
0x1d4: {  	s0 =	simm.s32 @!p0 $0x8  }
0x1d5: {  	_ =	swait.ge @!p0 [sflag:s0], s1  }
0x1d6: {  	s1 =	ssub.s32 @!p0 $0x0, s1;
	[sflag:s0] =	ssyncset.done @!p0 $0x0  }
0x1d7: {  	[sflag:s0] =	ssyncadd.s32 @!p0 s1  }
0x1d8: {  	[bflag:$0x3] =	sbarrier.arrive $0xFFFF  }
0x1d9: {  	_ =	shalt  }

</sc_bundles>
